<compile_context>
chip_gen: v7x
topology: tpu7x:2x2x1
jax: 0.10.2.dev20260603
libtpu: 0.0.44.dev20260713+nightly
codegen_flags: <defaults>
</compile_context>

<pallas_src>
import functools

import jax
import jax.numpy as jnp
from jax import lax
from jax.experimental import pallas as pl
from jax.experimental.pallas import tpu as pltpu
from jax.experimental.pallas import tpu_sc as plsc

N = 10000
E = 320000
F = 128
H = 128
NCORES = 2
NSUB = 16
CHUNK = 128
NCHT = E // CHUNK
NSC = 10112
RPS = NSC // NSUB
NPAD = 10240
BLK = 2048
GRID = NPAD // BLK

_sc_mesh = plsc.VectorSubcoreMesh(core_axis_name="c", subcore_axis_name="s")


def _sc_segment_sum(tbl, e3, width, dtype, feature_split, nbuf):
    nunits = NSUB if feature_split else NSUB * NCORES
    main = NCHT // nunits
    extra = NCHT - main * nunits
    assert main % nbuf == 0

    @functools.partial(
        pl.kernel,
        out_type=jax.ShapeDtypeStruct((NCORES, NPAD, width), dtype),
        mesh=_sc_mesh,
        compiler_params=pltpu.CompilerParams(use_tc_tiling_on_sc=False),
        scratch_types=[
            pltpu.VMEM((main + 1, CHUNK), jnp.int32),
            pltpu.VMEM((main + 1, CHUNK), jnp.int32),
        ] + [pltpu.VMEM((CHUNK, width), dtype)] * nbuf + [
            pltpu.VMEM_SHARED((NSC, width), dtype),
            pltpu.SemaphoreType.DMA,
        ] + [pltpu.SemaphoreType.DMA] * (2 * nbuf),
    )
    def seg_sum_kernel(tbl_hbm, e_hbm, out_hbm, sidx, didx, *scr):
        rows = scr[:nbuf]
        agg = scr[nbuf]
        isem = scr[nbuf + 1]
        gsem = scr[nbuf + 2:nbuf + 2 + nbuf]
        ssem = scr[nbuf + 2 + nbuf:]
        cid = lax.axis_index("c")
        sid = lax.axis_index("s")
        unit = sid if feature_split else sid * NCORES + cid
        has_extra = unit < extra
        pltpu.async_copy(e_hbm.at[0, pl.ds(unit * main, main)],
                         sidx.at[pl.ds(0, main)], isem)
        pltpu.async_copy(e_hbm.at[1, pl.ds(unit * main, main)],
                         didx.at[pl.ds(0, main)], isem)

        @pl.when(has_extra)
        def _():
            pltpu.async_copy(e_hbm.at[0, pl.ds(nunits * main + unit, 1)],
                             sidx.at[pl.ds(main, 1)], isem)
            pltpu.async_copy(e_hbm.at[1, pl.ds(nunits * main + unit, 1)],
                             didx.at[pl.ds(main, 1)], isem)

        z16 = jnp.zeros((16,), dtype)

        @pl.loop(0, CHUNK)
        def _(r):
            for c in range(width // 16):
                rows[0][r, pl.ds(c * 16, 16)] = z16

        nz = RPS // CHUNK
        rem = RPS - nz * CHUNK

        @pl.loop(0, nz)
        def _(i):
            pltpu.sync_copy(rows[0],
                            agg.at[pl.ds(sid * RPS + i * CHUNK, CHUNK)])

        if rem:
            pltpu.sync_copy(rows[0].at[pl.ds(0, rem)],
                            agg.at[pl.ds(sid * RPS + nz * CHUNK, rem)])

        pltpu.make_async_copy(e_hbm.at[0, pl.ds(unit * main, main)],
                              sidx.at[pl.ds(0, main)], isem).wait()
        pltpu.make_async_copy(e_hbm.at[1, pl.ds(unit * main, main)],
                              didx.at[pl.ds(0, main)], isem).wait()

        @pl.when(has_extra)
        def _():
            pltpu.make_async_copy(e_hbm.at[0, pl.ds(nunits * main + unit, 1)],
                                  sidx.at[pl.ds(main, 1)], isem).wait()
            pltpu.make_async_copy(e_hbm.at[1, pl.ds(nunits * main + unit, 1)],
                                  didx.at[pl.ds(main, 1)], isem).wait()

        plsc.subcore_barrier()

        tb = tbl_hbm.at[cid] if feature_split else tbl_hbm

        def gather(i, b):
            return pltpu.make_async_copy(tb.at[sidx.at[i]], rows[b], gsem[b])

        def scat(i, b):
            return pltpu.make_async_copy(rows[b], agg.at[didx.at[i]], ssem[b])

        for b in range(nbuf - 1):
            gather(b, b).start()

        @pl.loop(0, main // nbuf)
        def _(j):
            for k in range(nbuf):
                i = j * nbuf + k
                bn = (k + nbuf - 1) % nbuf

                @pl.when(i + nbuf - 1 < main)
                def _():
                    @pl.when(i >= 1)
                    def _():
                        scat(i - 1, bn).wait()

                    gather(i + nbuf - 1, bn).start()

                gather(i, k).wait()
                scat(i, k).start(add=True)

        for k in range(nbuf):
            scat(main - nbuf + k, k).wait()

        @pl.when(has_extra)
        def _():
            pltpu.sync_copy(tb.at[sidx.at[main]], rows[0])
            pltpu.sync_copy(rows[0], agg.at[didx.at[main]], add=True)

        plsc.subcore_barrier()
        pltpu.sync_copy(agg.at[pl.ds(sid * RPS, RPS)],
                        out_hbm.at[cid, pl.ds(sid * RPS, RPS)])

    return seg_sum_kernel(tbl, e3)


def _tc_encode(x, WeT, be, Wl0T, Ws0T, bs0):

    def body(x_ref, weT, be_ref, wlT, wsT, bs_ref, m0_ref, s0b_ref):
        h = jnp.dot(x_ref[...], weT[...], preferred_element_type=jnp.float32)
        h = h + be_ref[...]
        m0 = jnp.dot(h, wlT[...], preferred_element_type=jnp.float32)
        m0_ref[0] = m0[:, :H // 2]
        m0_ref[1] = m0[:, H // 2:]
        s0b_ref[...] = jnp.dot(h, wsT[...],
                               preferred_element_type=jnp.float32) + bs_ref[...]

    w_spec = pl.BlockSpec((H, H), lambda i: (0, 0))
    b_spec = pl.BlockSpec((1, H), lambda i: (0, 0))
    row_spec = pl.BlockSpec((BLK, H), lambda i: (i, 0))
    return pl.pallas_call(
        body,
        grid=(GRID,),
        in_specs=[row_spec, w_spec, b_spec, w_spec, w_spec, b_spec],
        out_specs=[pl.BlockSpec((NCORES, BLK, H // 2), lambda i: (0, i, 0)),
                   row_spec],
        out_shape=[
            jax.ShapeDtypeStruct((NCORES, NPAD, H // 2), jnp.float32),
            jax.ShapeDtypeStruct((NPAD, H), jnp.float32),
        ],
    )(x, WeT, be, Wl0T, Ws0T, bs0)


def _tc_spike_mid(agg0, self0b, Ws1T, bs1):

    def body(a_ref, sb_ref, wsT, bs_ref, s8_ref, s1b_ref, cnt_ref):
        i = pl.program_id(0)
        cur = jnp.concatenate([a_ref[0], a_ref[1]], axis=1) + sb_ref[...]
        row = lax.broadcasted_iota(jnp.int32, (BLK, H), 0) + i * BLK
        s = jnp.where((cur >= 1.0) & (row < N), 1.0, 0.0)
        s8_ref[...] = s.astype(jnp.uint8)
        s1b_ref[...] = jnp.dot(s, wsT[...],
                               preferred_element_type=jnp.float32) + bs_ref[...]

        @pl.when(i == 0)
        def _():
            cnt_ref[...] = jnp.zeros_like(cnt_ref)

        cnt_ref[...] += jnp.sum(s).reshape(1, 1)

    agg_spec = pl.BlockSpec((NCORES, BLK, H // 2), lambda i: (0, i, 0))
    row_spec = pl.BlockSpec((BLK, H), lambda i: (i, 0))
    return pl.pallas_call(
        body,
        grid=(GRID,),
        in_specs=[agg_spec, row_spec, pl.BlockSpec((H, H), lambda i: (0, 0)),
                  pl.BlockSpec((1, H), lambda i: (0, 0))],
        out_specs=[row_spec, row_spec, pl.BlockSpec((1, 1), lambda i: (0, 0))],
        out_shape=[
            jax.ShapeDtypeStruct((NPAD, H), jnp.uint8),
            jax.ShapeDtypeStruct((NPAD, H), jnp.float32),
            jax.ShapeDtypeStruct((1, 1), jnp.float32),
        ],
    )(agg0, self0b, Ws1T, bs1)


def _tc_heads(cnt1p, self1b, Wl1Tp, Wn1T, bn1, wn2, bn2, Wc1T, bc1, Wc2Tp,
              bc2p):

    def body(a_ref, sb_ref, wl1T, wn1T, bn1_ref, wn2_ref, bn2_ref, wc1T,
             bc1_ref, wc2T, bc2_ref, h_ref, np_ref, cnt_ref, gf_ref, gl_ref):
        i = pl.program_id(0)
        wa, wb = a_ref[0], a_ref[1]
        cntf = jnp.concatenate(
            [(((wa >> (8 * k)) & 0xFF) + ((wb >> (8 * k)) & 0xFF)
              ).astype(jnp.float32) for k in range(4)], axis=1)
        cur = jnp.dot(cntf, wl1T[...],
                      preferred_element_type=jnp.float32) + sb_ref[...]
        row = lax.broadcasted_iota(jnp.int32, (BLK, H), 0) + i * BLK
        h = jnp.where((cur >= 1.0) & (row < N), 1.0, 0.0)
        h_ref[...] = h
        nh = jnp.dot(h, wn1T[...], preferred_element_type=jnp.float32)
        nh = jnp.maximum(nh + bn1_ref[...], 0.0)
        logit = jnp.sum(nh * wn2_ref[...], axis=1, keepdims=True) + bn2_ref[0, 0]
        np_ref[...] = jnp.where(
            logit >= 0.0,
            1.0 / (1.0 + jnp.exp(-logit)),
            jnp.exp(logit) / (1.0 + jnp.exp(logit)),
        )

        @pl.when(i == 0)
        def _():
            cnt_ref[...] = jnp.zeros_like(cnt_ref)
            gf_ref[...] = jnp.zeros_like(gf_ref)

        cnt_ref[...] += jnp.sum(h).reshape(1, 1)
        gf_ref[...] += jnp.sum(h, axis=0, keepdims=True)

        @pl.when(i == GRID - 1)
        def _():
            gf = gf_ref[...] / 10000.0
            z = jnp.dot(gf, wc1T[...], preferred_element_type=jnp.float32)
            z = jnp.maximum(z + bc1_ref[...], 0.0)
            gl_ref[...] = jnp.dot(z, wc2T[...],
                                  preferred_element_type=jnp.float32) + bc2_ref[...]

    agg_spec = pl.BlockSpec((NCORES, BLK, H // 4), lambda i: (0, i, 0))
    row_spec = pl.BlockSpec((BLK, H), lambda i: (i, 0))
    fixed = lambda shape: pl.BlockSpec(shape, lambda i: tuple(0 for _ in shape))
    return pl.pallas_call(
        body,
        grid=(GRID,),
        in_specs=[agg_spec, row_spec, fixed((H, H)),
                  fixed((H, H // 2)), fixed((1, H // 2)),
                  fixed((1, H // 2)), fixed((1, 1)),
                  fixed((H, H // 2)), fixed((1, H // 2)),
                  fixed((H // 2, H)), fixed((1, H))],
        out_specs=[row_spec, pl.BlockSpec((BLK, 1), lambda i: (i, 0)),
                   fixed((1, 1)), fixed((1, H)), fixed((1, H))],
        out_shape=[
            jax.ShapeDtypeStruct((N, H), jnp.float32),
            jax.ShapeDtypeStruct((N, 1), jnp.float32),
            jax.ShapeDtypeStruct((1, 1), jnp.float32),
            jax.ShapeDtypeStruct((1, H), jnp.float32),
            jax.ShapeDtypeStruct((1, H), jnp.float32),
        ],
    )(cnt1p, self1b, Wl1Tp, Wn1T, bn1, wn2, bn2, Wc1T, bc1, Wc2Tp, bc2p)


def kernel(x, edge_index, W_enc, b_enc, W_lin0, W_self0, b_self0,
           W_lin1, W_self1, b_self1, Wn1, bn1, Wn2, bn2,
           Wc1, bc1, Wc2, bc2):
    e3 = edge_index.reshape(2, NCHT, CHUNK)
    m0, self0b = _tc_encode(
        x, W_enc.T, b_enc.reshape(1, H), W_lin0.T, W_self0.T,
        b_self0.reshape(1, H))
    agg0 = _sc_segment_sum(m0, e3, H // 2, jnp.float32,
                           feature_split=True, nbuf=4)
    s8, self1b, cnt0 = _tc_spike_mid(
        agg0, self0b, W_self1.T, b_self1.reshape(1, H))
    s_pack = jax.lax.bitcast_convert_type(
        s8.reshape(NPAD, H // 4, 4), jnp.int32)
    cnt1p = _sc_segment_sum(s_pack, e3, H // 4, jnp.int32,
                            feature_split=False, nbuf=6)
    perm = [4 * j + k for k in range(4) for j in range(H // 4)]
    Wl1Tp = W_lin1.T[jnp.array(perm), :]
    hp, npr, cnt1, _gf, gl = _tc_heads(
        cnt1p, self1b, Wl1Tp, Wn1.T, bn1.reshape(1, H // 2), Wn2,
        bn2.reshape(1, 1), Wc1.T, bc1.reshape(1, H // 2),
        jnp.pad(Wc2.T, ((0, 0), (0, H - 2))),
        jnp.pad(bc2, (0, H - 2)).reshape(1, H))

    return (gl[:, :2], npr, hp, cnt0[0, 0], cnt1[0, 0])

# --- scband reference (transcript-rebuilt; emitter-appended) ---
"""Pipeline reference for scband-spiking-gnn-51264729645523 (READ-ONLY COPY).

The authoritative reference and input builder live on the scoring server;
editing this copy changes nothing except your own understanding.
"""

import jax, jax.numpy as jnp
import numpy as np

N = 10000
E = 320000
F = 128
H = 128
C = 2
LIF_THRESHOLD = 1.0
LIF_DECAY = 0.9


def setup_inputs(seed: int = 0) -> dict:
    key = jax.random.key(seed)
    ks = jax.random.split(key, 20)
    x = jax.random.normal(ks[0], (N, F), dtype=jnp.float32)
    edge_index = jax.random.randint(ks[1], (2, E), 0, N, dtype=jnp.int32)
    sF = 1.0 / np.sqrt(F)
    sH = 1.0 / np.sqrt(H)
    sH2 = 1.0 / np.sqrt(H // 2)
    inp = {
        'x': x,
        'edge_index': edge_index,
        'W_enc': jax.random.normal(ks[2], (H, F), dtype=jnp.float32) * sF,
        'b_enc': jnp.zeros((H,), dtype=jnp.float32),
        'W_lin0': jax.random.normal(ks[3], (H, H), dtype=jnp.float32) * sH,
        'W_self0': jax.random.normal(ks[4], (H, H), dtype=jnp.float32) * sH,
        'b_self0': jnp.zeros((H,), dtype=jnp.float32),
        'W_lin1': jax.random.normal(ks[5], (H, H), dtype=jnp.float32) * sH,
        'W_self1': jax.random.normal(ks[6], (H, H), dtype=jnp.float32) * sH,
        'b_self1': jnp.zeros((H,), dtype=jnp.float32),
        'Wn1': jax.random.normal(ks[7], (H // 2, H), dtype=jnp.float32) * sH,
        'bn1': jnp.zeros((H // 2,), dtype=jnp.float32),
        'Wn2': jax.random.normal(ks[8], (1, H // 2), dtype=jnp.float32) * sH2,
        'bn2': jnp.zeros((1,), dtype=jnp.float32),
        'Wc1': jax.random.normal(ks[9], (H // 2, H), dtype=jnp.float32) * sH,
        'bc1': jnp.zeros((H // 2,), dtype=jnp.float32),
        'Wc2': jax.random.normal(ks[10], (C, H // 2), dtype=jnp.float32) * sH2,
        'bc2': jnp.zeros((C,), dtype=jnp.float32),
    }
    return inp


def _spiking_conv(h, src, dst, W_lin, W_self, b_self):
    # message: per-edge linear on gathered source features (PyG message on x_j)
    msg = h[src] @ W_lin.T
    # aggregate (aggr='add') via scatter-add to destination nodes
    agg = jax.ops.segment_sum(msg, dst, num_segments=N)
    # self transform
    input_current = agg + h @ W_self.T + b_self
    # LIF with freshly reset state (voltage=0, refractory=0), single step:
    # V = decay*0 + I = I; spike = (V >= threshold)
    spikes = (input_current >= LIF_THRESHOLD).astype(jnp.float32)
    return spikes


def reference(x, edge_index, W_enc, b_enc, W_lin0, W_self0, b_self0,
              W_lin1, W_self1, b_self1, Wn1, bn1, Wn2, bn2,
              Wc1, bc1, Wc2, bc2):
    src = edge_index[0]
    dst = edge_index[1]
    h = x @ W_enc.T + b_enc
    h = _spiking_conv(h, src, dst, W_lin0, W_self0, b_self0)
    spike_count0 = h.sum()
    h = _spiking_conv(h, src, dst, W_lin1, W_self1, b_self1)
    spike_count1 = h.sum()
    # node-level classifier
    node_hidden = jax.nn.relu(h @ Wn1.T + bn1)
    node_probs = jax.nn.sigmoid(node_hidden @ Wn2.T + bn2)
    # global pooling (batch is None -> mean over nodes); dropout p=0.0 is identity
    gf = h.mean(axis=0, keepdims=True)
    global_logits = jax.nn.relu(gf @ Wc1.T + bc1) @ Wc2.T + bc2
    return (global_logits, node_probs, h, spike_count0, spike_count1)

if __name__ == "__main__":
    import jax
    _d = setup_inputs()
    print(jax.jit(kernel)(*tuple(_d.values())))

</pallas_src>

<mosaic_0001>
#map = affine_map<(d0, d1) -> (0, 0, 0)>
module attributes {stable_mosaic.version = 14 : i64} {
  func.func @seg_sum_kernel(%arg0: i32, %arg1: i32, %arg2: memref<2x10240x64xf32, #tpu.memory_space<hbm>>, %arg3: memref<2x2500x128xi32, #tpu.memory_space<hbm>>, %arg4: memref<2x10240x64xf32, #tpu.memory_space<hbm>>, %arg5: memref<157x128xi32, #tpu.memory_space<vmem>>, %arg6: memref<157x128xi32, #tpu.memory_space<vmem>>, %arg7: memref<128x64xf32, #tpu.memory_space<vmem>>, %arg8: memref<128x64xf32, #tpu.memory_space<vmem>>, %arg9: memref<128x64xf32, #tpu.memory_space<vmem>>, %arg10: memref<128x64xf32, #tpu.memory_space<vmem>>, %arg11: memref<10112x64xf32, #tpu.memory_space<vmem_shared>>, %arg12: memref<!tpu.dma_semaphore, #tpu.memory_space<semaphore_mem>>, %arg13: memref<!tpu.dma_semaphore, #tpu.memory_space<semaphore_mem>>, %arg14: memref<!tpu.dma_semaphore, #tpu.memory_space<semaphore_mem>>, %arg15: memref<!tpu.dma_semaphore, #tpu.memory_space<semaphore_mem>>, %arg16: memref<!tpu.dma_semaphore, #tpu.memory_space<semaphore_mem>>, %arg17: memref<!tpu.dma_semaphore, #tpu.memory_space<semaphore_mem>>, %arg18: memref<!tpu.dma_semaphore, #tpu.memory_space<semaphore_mem>>, %arg19: memref<!tpu.dma_semaphore, #tpu.memory_space<semaphore_mem>>, %arg20: memref<!tpu.dma_semaphore, #tpu.memory_space<semaphore_mem>>) attributes {dimension_semantics = [#tpu.dimension_semantics<core_parallel>, #tpu.dimension_semantics<subcore_parallel>], iteration_bounds = array<i64: 2, 16>, scalar_prefetch = 0 : i64, scratch_operands = 16 : i64, tpu.core_type = #tpu.core_type<sc_vector_subcore>, window_params = [{transform_indices = #map}, {transform_indices = #map}, {transform_indices = #map}]} {
    %lt3A = arith.constant 4 : i32
    %lt3A_0 = arith.cmpi slt, %arg1, %lt3A : i32
    %mul3A = arith.constant 156 : i32
    %mul3A_1 = arith.muli %arg1, %mul3A : i32
    %dma_start3A = arith.constant 0 : i32
    %dma_start3A_2 = arith.constant 0 : i32
    %dma_start3A_3 = arith.constant 0 : i32
    %dma_start3A_4 = tpu.memref_slice %arg5[%dma_start3A_2, %dma_start3A_3] : memref<157x128xi32, #tpu.memory_space<vmem>> -> memref<156x128xi32, #tpu.memory_space<vmem>>
    %dma_start3A_5 = arith.constant 0 : i32
    %dma_start3A_6 = tpu.memref_slice %arg3[%dma_start3A, %mul3A_1, %dma_start3A_5] : memref<2x2500x128xi32, #tpu.memory_space<hbm>> -> memref<1x156x128xi32, #tpu.memory_space<hbm>>
    %dma_start3A_7 = tpu.memref_squeeze %dma_start3A_6 : memref<1x156x128xi32, #tpu.memory_space<hbm>> -> memref<156x128xi32, #tpu.memory_space<hbm>>
    %dma_start3A_8 = arith.constant 0 : i32
    %dma_start3A_9 = arith.constant 0 : i32
    %dma_start3A_10 = tpu.memref_slice %arg5[%dma_start3A_8, %dma_start3A_9] : memref<157x128xi32, #tpu.memory_space<vmem>> -> memref<156x128xi32, #tpu.memory_space<vmem>>
    %dma_start3A_11 = arith.constant 0 : i32
    %dma_start3A_12 = tpu.memref_slice %arg3[%dma_start3A, %mul3A_1, %dma_start3A_11] : memref<2x2500x128xi32, #tpu.memory_space<hbm>> -> memref<1x156x128xi32, #tpu.memory_space<hbm>>
    %dma_start3A_13 = tpu.memref_squeeze %dma_start3A_12 : memref<1x156x128xi32, #tpu.memory_space<hbm>> -> memref<156x128xi32, #tpu.memory_space<hbm>>
    tpu.enqueue_dma source(%dma_start3A_13 : memref<156x128xi32, #tpu.memory_space<hbm>>) target(%dma_start3A_10 : memref<156x128xi32, #tpu.memory_space<vmem>>) target_semaphore(%arg12 : memref<!tpu.dma_semaphore, #tpu.memory_space<semaphore_mem>>)
    %mul3A_14 = arith.constant 156 : i32
    %mul3A_15 = arith.muli %arg1, %mul3A_14 : i32
    %dma_start3A_16 = arith.constant 1 : i32
    %dma_start3A_17 = arith.constant 0 : i32
    %dma_start3A_18 = arith.constant 0 : i32
    %dma_start3A_19 = tpu.memref_slice %arg6[%dma_start3A_17, %dma_start3A_18] : memref<157x128xi32, #tpu.memory_space<vmem>> -> memref<156x128xi32, #tpu.memory_space<vmem>>
    %dma_start3A_20 = arith.constant 0 : i32
    %dma_start3A_21 = tpu.memref_slice %arg3[%dma_start3A_16, %mul3A_15, %dma_start3A_20] : memref<2x2500x128xi32, #tpu.memory_space<hbm>> -> memref<1x156x128xi32, #tpu.memory_space<hbm>>
    %dma_start3A_22 = tpu.memref_squeeze %dma_start3A_21 : memref<1x156x128xi32, #tpu.memory_space<hbm>> -> memref<156x128xi32, #tpu.memory_space<hbm>>
    %dma_start3A_23 = arith.constant 0 : i32
    %dma_start3A_24 = arith.constant 0 : i32
    %dma_start3A_25 = tpu.memref_slice %arg6[%dma_start3A_23, %dma_start3A_24] : memref<157x128xi32, #tpu.memory_space<vmem>> -> memref<156x128xi32, #tpu.memory_space<vmem>>
    %dma_start3A_26 = arith.constant 0 : i32
    %dma_start3A_27 = tpu.memref_slice %arg3[%dma_start3A_16, %mul3A_15, %dma_start3A_26] : memref<2x2500x128xi32, #tpu.memory_space<hbm>> -> memref<1x156x128xi32, #tpu.memory_space<hbm>>
    %dma_start3A_28 = tpu.memref_squeeze %dma_start3A_27 : memref<1x156x128xi32, #tpu.memory_space<hbm>> -> memref<156x128xi32, #tpu.memory_space<hbm>>
    tpu.enqueue_dma source(%dma_start3A_28 : memref<156x128xi32, #tpu.memory_space<hbm>>) target(%dma_start3A_25 : memref<156x128xi32, #tpu.memory_space<vmem>>) target_semaphore(%arg12 : memref<!tpu.dma_semaphore, #tpu.memory_space<semaphore_mem>>)
    %convert_element_type3A = arith.extui %lt3A_0 : i1 to i32
    %cond3A = arith.constant 0 : i32
    %cond3A_29 = arith.cmpi ne, %convert_element_type3A, %cond3A : i32
    scf.if %cond3A_29 {
      %add3A_149 = arith.constant 2496 : i32
      %add3A_150 = arith.addi %add3A_149, %arg1 : i32
      %dma_start3A_151 = arith.constant 0 : i32
      %dma_start3A_152 = arith.constant 156 : i32
      %dma_start3A_153 = arith.constant 0 : i32
      %dma_start3A_154 = tpu.memref_slice %arg5[%dma_start3A_152, %dma_start3A_153] : memref<157x128xi32, #tpu.memory_space<vmem>> -> memref<1x128xi32, #tpu.memory_space<vmem>>
      %dma_start3A_155 = arith.constant 0 : i32
      %dma_start3A_156 = tpu.memref_slice %arg3[%dma_start3A_151, %add3A_150, %dma_start3A_155] : memref<2x2500x128xi32, #tpu.memory_space<hbm>> -> memref<1x1x128xi32, #tpu.memory_space<hbm>>
      %dma_start3A_157 = tpu.memref_squeeze %dma_start3A_156 : memref<1x1x128xi32, #tpu.memory_space<hbm>> -> memref<1x128xi32, #tpu.memory_space<hbm>>
      %dma_start3A_158 = arith.constant 156 : i32
      %dma_start3A_159 = arith.constant 0 : i32
      %dma_start3A_160 = tpu.memref_slice %arg5[%dma_start3A_158, %dma_start3A_159] : memref<157x128xi32, #tpu.memory_space<vmem>> -> memref<1x128xi32, #tpu.memory_space<vmem>>
      %dma_start3A_161 = arith.constant 0 : i32
      %dma_start3A_162 = tpu.memref_slice %arg3[%dma_start3A_151, %add3A_150, %dma_start3A_161] : memref<2x2500x128xi32, #tpu.memory_space<hbm>> -> memref<1x1x128xi32, #tpu.memory_space<hbm>>
      %dma_start3A_163 = tpu.memref_squeeze %dma_start3A_162 : memref<1x1x128xi32, #tpu.memory_space<hbm>> -> memref<1x128xi32, #tpu.memory_space<hbm>>
      tpu.enqueue_dma source(%dma_start3A_163 : memref<1x128xi32, #tpu.memory_space<hbm>>) target(%dma_start3A_160 : memref<1x128xi32, #tpu.memory_space<vmem>>) target_semaphore(%arg12 : memref<!tpu.dma_semaphore, #tpu.memory_space<semaphore_mem>>)
      %add3A_164 = arith.constant 2496 : i32
      %add3A_165 = arith.addi %add3A_164, %arg1 : i32
      %dma_start3A_166 = arith.constant 1 : i32
      %dma_start3A_167 = arith.constant 156 : i32
      %dma_start3A_168 = arith.constant 0 : i32
      %dma_start3A_169 = tpu.memref_slice %arg6[%dma_start3A_167, %dma_start3A_168] : memref<157x128xi32, #tpu.memory_space<vmem>> -> memref<1x128xi32, #tpu.memory_space<vmem>>
      %dma_start3A_170 = arith.constant 0 : i32
      %dma_start3A_171 = tpu.memref_slice %arg3[%dma_start3A_166, %add3A_165, %dma_start3A_170] : memref<2x2500x128xi32, #tpu.memory_space<hbm>> -> memref<1x1x128xi32, #tpu.memory_space<hbm>>
      %dma_start3A_172 = tpu.memref_squeeze %dma_start3A_171 : memref<1x1x128xi32, #tpu.memory_space<hbm>> -> memref<1x128xi32, #tpu.memory_space<hbm>>
      %dma_start3A_173 = arith.constant 156 : i32
      %dma_start3A_174 = arith.constant 0 : i32
      %dma_start3A_175 = tpu.memref_slice %arg6[%dma_start3A_173, %dma_start3A_174] : memref<157x128xi32, #tpu.memory_space<vmem>> -> memref<1x128xi32, #tpu.memory_space<vmem>>
      %dma_start3A_176 = arith.constant 0 : i32
      %dma_start3A_177 = tpu.memref_slice %arg3[%dma_start3A_166, %add3A_165, %dma_start3A_176] : memref<2x2500x128xi32, #tpu.memory_space<hbm>> -> memref<1x1x128xi32, #tpu.memory_space<hbm>>
      %dma_start3A_178 = tpu.memref_squeeze %dma_start3A_177 : memref<1x1x128xi32, #tpu.memory_space<hbm>> -> memref<1x128xi32, #tpu.memory_space<hbm>>
      tpu.enqueue_dma source(%dma_start3A_178 : memref<1x128xi32, #tpu.memory_space<hbm>>) target(%dma_start3A_175 : memref<1x128xi32, #tpu.memory_space<vmem>>) target_semaphore(%arg12 : memref<!tpu.dma_semaphore, #tpu.memory_space<semaphore_mem>>)
    } else {
    }
    %broadcast_in_dim3A = arith.constant 0.000000e+00 : f32
    %broadcast_in_dim3A_30 = vector.broadcast %broadcast_in_dim3A : f32 to vector<16xf32>
    %scan3A = arith.constant 0 : i32
    %scan3A_31 = arith.constant 128 : i32
    %scan3A_32 = arith.addi %scan3A, %scan3A_31 : i32
    %scan3A_33 = arith.constant 1 : i32
    scf.for %scan3A_149 = %scan3A to %scan3A_32 step %scan3A_33  : i32 {
      %mul3A_150 = arith.constant 1 : i32
      %mul3A_151 = arith.muli %scan3A_149, %mul3A_150 : i32
      %add3A_152 = arith.constant 0 : i32
      %add3A_153 = arith.addi %add3A_152, %mul3A_151 : i32
      %swap3A = arith.index_cast %add3A_153 : i32 to index
      %swap3A_154 = arith.constant 0 : index
      %swap3A_155 = tpu.vector_load %arg7[%swap3A, %swap3A_154] {strides = array<i32>} : memref<128x64xf32, #tpu.memory_space<vmem>>, vector<1x16xf32>,
      %swap3A_156 = vector.shape_cast %swap3A_155 : vector<1x16xf32> to vector<16xf32>
      %swap3A_157 = vector.shape_cast %broadcast_in_dim3A_30 : vector<16xf32> to vector<1x16xf32>
      tpu.vector_store %arg7[%swap3A, %swap3A_154], %swap3A_157 {strides = array<i32>} : memref<128x64xf32, #tpu.memory_space<vmem>>, vector<1x16xf32>,
      %swap3A_158 = arith.index_cast %add3A_153 : i32 to index
      %swap3A_159 = arith.constant 16 : index
      %swap3A_160 = tpu.vector_load %arg7[%swap3A_158, %swap3A_159] {strides = array<i32>} : memref<128x64xf32, #tpu.memory_space<vmem>>, vector<1x16xf32>,
      %swap3A_161 = vector.shape_cast %swap3A_160 : vector<1x16xf32> to vector<16xf32>
      %swap3A_162 = vector.shape_cast %broadcast_in_dim3A_30 : vector<16xf32> to vector<1x16xf32>
      tpu.vector_store %arg7[%swap3A_158, %swap3A_159], %swap3A_162 {strides = array<i32>} : memref<128x64xf32, #tpu.memory_space<vmem>>, vector<1x16xf32>,
      %swap3A_163 = arith.index_cast %add3A_153 : i32 to index
      %swap3A_164 = arith.constant 32 : index
      %swap3A_165 = tpu.vector_load %arg7[%swap3A_163, %swap3A_164] {strides = array<i32>} : memref<128x64xf32, #tpu.memory_space<vmem>>, vector<1x16xf32>,
      %swap3A_166 = vector.shape_cast %swap3A_165 : vector<1x16xf32> to vector<16xf32>
      %swap3A_167 = vector.shape_cast %broadcast_in_dim3A_30 : vector<16xf32> to vector<1x16xf32>
      tpu.vector_store %arg7[%swap3A_163, %swap3A_164], %swap3A_167 {strides = array<i32>} : memref<128x64xf32, #tpu.memory_space<vmem>>, vector<1x16xf32>,
      %swap3A_168 = arith.index_cast %add3A_153 : i32 to index
      %swap3A_169 = arith.constant 48 : index
      %swap3A_170 = tpu.vector_load %arg7[%swap3A_168, %swap3A_169] {strides = array<i32>} : memref<128x64xf32, #tpu.memory_space<vmem>>, vector<1x16xf32>,
      %swap3A_171 = vector.shape_cast %swap3A_170 : vector<1x16xf32> to vector<16xf32>
      %swap3A_172 = vector.shape_cast %broadcast_in_dim3A_30 : vector<16xf32> to vector<1x16xf32>
      tpu.vector_store %arg7[%swap3A_168, %swap3A_169], %swap3A_172 {strides = array<i32>} : memref<128x64xf32, #tpu.memory_space<vmem>>, vector<1x16xf32>,
    }
    %scan3A_34 = arith.constant 128 : i32
    %scan3A_35 = arith.constant 0 : i32
    %scan3A_36 = arith.constant 4 : i32
    %scan3A_37 = arith.addi %scan3A_35, %scan3A_36 : i32
    %scan3A_38 = arith.constant 1 : i32
    scf.for %scan3A_149 = %scan3A_35 to %scan3A_37 step %scan3A_38  : i32 {
      %mul3A_150 = arith.constant 1 : i32
      %mul3A_151 = arith.muli %scan3A_149, %mul3A_150 : i32
      %add3A_152 = arith.constant 0 : i32
      %add3A_153 = arith.addi %add3A_152, %mul3A_151 : i32
      %mul3A_154 = arith.constant 632 : i32
      %mul3A_155 = arith.muli %arg1, %mul3A_154 : i32
      %mul3A_156 = arith.constant 128 : i32
      %mul3A_157 = arith.muli %add3A_153, %mul3A_156 : i32
      %add3A_158 = arith.addi %mul3A_155, %mul3A_157 : i32
      "tpu.region"() ({
        %run_scoped3A = tpu.sem_alloc : memref<!tpu.dma_semaphore, #tpu.memory_space<semaphore_mem>>
        %dma_start3A_159 = arith.constant 0 : i32
        %dma_start3A_160 = tpu.memref_slice %arg11[%add3A_158, %dma_start3A_159] : memref<10112x64xf32, #tpu.memory_space<vmem_shared>> -> memref<128x64xf32, #tpu.memory_space<vmem_shared>>
        %dma_start3A_161 = arith.constant 0 : i32
        %dma_start3A_162 = tpu.memref_slice %arg11[%add3A_158, %dma_start3A_161] : memref<10112x64xf32, #tpu.memory_space<vmem_shared>> -> memref<128x64xf32, #tpu.memory_space<vmem_shared>>
        tpu.enqueue_dma source(%arg7 : memref<128x64xf32, #tpu.memory_space<vmem>>) target(%dma_start3A_162 : memref<128x64xf32, #tpu.memory_space<vmem_shared>>) target_semaphore(%run_scoped3A : memref<!tpu.dma_semaphore, #tpu.memory_space<semaphore_mem>>)
        %dma_wait3A_163 = arith.constant 0 : i32
        %dma_wait3A_164 = tpu.memref_slice %arg11[%add3A_158, %dma_wait3A_163] : memref<10112x64xf32, #tpu.memory_space<vmem_shared>> -> memref<128x64xf32, #tpu.memory_space<vmem_shared>>
        %dma_wait3A_165 = arith.constant 0 : i32
        %dma_wait3A_166 = tpu.memref_slice %arg11[%add3A_158, %dma_wait3A_165] : memref<10112x64xf32, #tpu.memory_space<vmem_shared>> -> memref<128x64xf32, #tpu.memory_space<vmem_shared>>
        tpu.wait_dma2 semaphore(%run_scoped3A : memref<!tpu.dma_semaphore, #tpu.memory_space<semaphore_mem>>) src(%arg7 : memref<128x64xf32, #tpu.memory_space<vmem>>) dst(%dma_wait3A_166 : memref<128x64xf32, #tpu.memory_space<vmem_shared>>)
        tpu.yield
      }) : () -> ()
    }
    %scan3A_39 = arith.constant 4 : i32
    %mul3A_40 = arith.constant 632 : i32
    %mul3A_41 = arith.muli %arg1, %mul3A_40 : i32
    %add3A = arith.constant 512 : i32
    %add3A_42 = arith.addi %mul3A_41, %add3A : i32
    "tpu.region"() ({
      %run_scoped3A = tpu.sem_alloc : memref<!tpu.dma_semaphore, #tpu.memory_space<semaphore_mem>>
      %dma_start3A_149 = arith.constant 0 : i32
      %dma_start3A_150 = arith.constant 0 : i32
      %dma_start3A_151 = tpu.memref_slice %arg7[%dma_start3A_149, %dma_start3A_150] : memref<128x64xf32, #tpu.memory_space<vmem>> -> memref<120x64xf32, #tpu.memory_space<vmem>>
      %dma_start3A_152 = arith.constant 0 : i32
      %dma_start3A_153 = tpu.memref_slice %arg11[%add3A_42, %dma_start3A_152] : memref<10112x64xf32, #tpu.memory_space<vmem_shared>> -> memref<120x64xf32, #tpu.memory_space<vmem_shared>>
      %dma_start3A_154 = arith.constant 0 : i32
      %dma_start3A_155 = tpu.memref_slice %arg11[%add3A_42, %dma_start3A_154] : memref<10112x64xf32, #tpu.memory_space<vmem_shared>> -> memref<120x64xf32, #tpu.memory_space<vmem_shared>>
      %dma_start3A_156 = arith.constant 0 : i32
      %dma_start3A_157 = arith.constant 0 : i32
      %dma_start3A_158 = tpu.memref_slice %arg7[%dma_start3A_156, %dma_start3A_157] : memref<128x64xf32, #tpu.memory_space<vmem>> -> memref<120x64xf32, #tpu.memory_space<vmem>>
      tpu.enqueue_dma source(%dma_start3A_158 : memref<120x64xf32, #tpu.memory_space<vmem>>) target(%dma_start3A_155 : memref<120x64xf32, #tpu.memory_space<vmem_shared>>) target_semaphore(%run_scoped3A : memref<!tpu.dma_semaphore, #tpu.memory_space<semaphore_mem>>)
      %dma_wait3A_159 = arith.constant 0 : i32
      %dma_wait3A_160 = arith.constant 0 : i32
      %dma_wait3A_161 = tpu.memref_slice %arg7[%dma_wait3A_159, %dma_wait3A_160] : memref<128x64xf32, #tpu.memory_space<vmem>> -> memref<120x64xf32, #tpu.memory_space<vmem>>
      %dma_wait3A_162 = arith.constant 0 : i32
      %dma_wait3A_163 = tpu.memref_slice %arg11[%add3A_42, %dma_wait3A_162] : memref<10112x64xf32, #tpu.memory_space<vmem_shared>> -> memref<120x64xf32, #tpu.memory_space<vmem_shared>>
      %dma_wait3A_164 = arith.constant 0 : i32
      %dma_wait3A_165 = tpu.memref_slice %arg11[%add3A_42, %dma_wait3A_164] : memref<10112x64xf32, #tpu.memory_space<vmem_shared>> -> memref<120x64xf32, #tpu.memory_space<vmem_shared>>
      %dma_wait3A_166 = arith.constant 0 : i32
      %dma_wait3A_167 = arith.constant 0 : i32
      %dma_wait3A_168 = tpu.memref_slice %arg7[%dma_wait3A_166, %dma_wait3A_167] : memref<128x64xf32, #tpu.memory_space<vmem>> -> memref<120x64xf32, #tpu.memory_space<vmem>>
      tpu.wait_dma2 semaphore(%run_scoped3A : memref<!tpu.dma_semaphore, #tpu.memory_space<semaphore_mem>>) src(%dma_wait3A_168 : memref<120x64xf32, #tpu.memory_space<vmem>>) dst(%dma_wait3A_165 : memref<120x64xf32, #tpu.memory_space<vmem_shared>>)
      tpu.yield
    }) : () -> ()
    %mul3A_43 = arith.constant 156 : i32
    %mul3A_44 = arith.muli %arg1, %mul3A_43 : i32
    %dma_wait3A = arith.constant 0 : i32
    %dma_wait3A_45 = arith.constant 0 : i32
    %dma_wait3A_46 = arith.constant 0 : i32
    %dma_wait3A_47 = tpu.memref_slice %arg5[%dma_wait3A_45, %dma_wait3A_46] : memref<157x128xi32, #tpu.memory_space<vmem>> -> memref<156x128xi32, #tpu.memory_space<vmem>>
    %dma_wait3A_48 = arith.constant 0 : i32
    %dma_wait3A_49 = tpu.memref_slice %arg3[%dma_wait3A, %mul3A_44, %dma_wait3A_48] : memref<2x2500x128xi32, #tpu.memory_space<hbm>> -> memref<1x156x128xi32, #tpu.memory_space<hbm>>
    %dma_wait3A_50 = tpu.memref_squeeze %dma_wait3A_49 : memref<1x156x128xi32, #tpu.memory_space<hbm>> -> memref<156x128xi32, #tpu.memory_space<hbm>>
    %dma_wait3A_51 = arith.constant 0 : i32
    %dma_wait3A_52 = arith.constant 0 : i32
    %dma_wait3A_53 = tpu.memref_slice %arg5[%dma_wait3A_51, %dma_wait3A_52] : memref<157x128xi32, #tpu.memory_space<vmem>> -> memref<156x128xi32, #tpu.memory_space<vmem>>
    %dma_wait3A_54 = arith.constant 0 : i32
    %dma_wait3A_55 = tpu.memref_slice %arg3[%dma_wait3A, %mul3A_44, %dma_wait3A_54] : memref<2x2500x128xi32, #tpu.memory_space<hbm>> -> memref<1x156x128xi32, #tpu.memory_space<hbm>>
    %dma_wait3A_56 = tpu.memref_squeeze %dma_wait3A_55 : memref<1x156x128xi32, #tpu.memory_space<hbm>> -> memref<156x128xi32, #tpu.memory_space<hbm>>
    tpu.wait_dma2 semaphore(%arg12 : memref<!tpu.dma_semaphore, #tpu.memory_space<semaphore_mem>>) src(%dma_wait3A_56 : memref<156x128xi32, #tpu.memory_space<hbm>>) dst(%dma_wait3A_53 : memref<156x128xi32, #tpu.memory_space<vmem>>)
    %mul3A_57 = arith.constant 156 : i32
    %mul3A_58 = arith.muli %arg1, %mul3A_57 : i32
    %dma_wait3A_59 = arith.constant 1 : i32
    %dma_wait3A_60 = arith.constant 0 : i32
    %dma_wait3A_61 = arith.constant 0 : i32
    %dma_wait3A_62 = tpu.memref_slice %arg6[%dma_wait3A_60, %dma_wait3A_61] : memref<157x128xi32, #tpu.memory_space<vmem>> -> memref<156x128xi32, #tpu.memory_space<vmem>>
    %dma_wait3A_63 = arith.constant 0 : i32
    %dma_wait3A_64 = tpu.memref_slice %arg3[%dma_wait3A_59, %mul3A_58, %dma_wait3A_63] : memref<2x2500x128xi32, #tpu.memory_space<hbm>> -> memref<1x156x128xi32, #tpu.memory_space<hbm>>
    %dma_wait3A_65 = tpu.memref_squeeze %dma_wait3A_64 : memref<1x156x128xi32, #tpu.memory_space<hbm>> -> memref<156x128xi32, #tpu.memory_space<hbm>>
    %dma_wait3A_66 = arith.constant 0 : i32
    %dma_wait3A_67 = arith.constant 0 : i32
    %dma_wait3A_68 = tpu.memref_slice %arg6[%dma_wait3A_66, %dma_wait3A_67] : memref<157x128xi32, #tpu.memory_space<vmem>> -> memref<156x128xi32, #tpu.memory_space<vmem>>
    %dma_wait3A_69 = arith.constant 0 : i32
    %dma_wait3A_70 = tpu.memref_slice %arg3[%dma_wait3A_59, %mul3A_58, %dma_wait3A_69] : memref<2x2500x128xi32, #tpu.memory_space<hbm>> -> memref<1x156x128xi32, #tpu.memory_space<hbm>>
    %dma_wait3A_71 = tpu.memref_squeeze %dma_wait3A_70 : memref<1x156x128xi32, #tpu.memory_space<hbm>> -> memref<156x128xi32, #tpu.memory_space<hbm>>
    tpu.wait_dma2 semaphore(%arg12 : memref<!tpu.dma_semaphore, #tpu.memory_space<semaphore_mem>>) src(%dma_wait3A_71 : memref<156x128xi32, #tpu.memory_space<hbm>>) dst(%dma_wait3A_68 : memref<156x128xi32, #tpu.memory_space<vmem>>)
    %convert_element_type3A_72 = arith.extui %lt3A_0 : i1 to i32
    %cond3A_73 = arith.constant 0 : i32
    %cond3A_74 = arith.cmpi ne, %convert_element_type3A_72, %cond3A_73 : i32
    scf.if %cond3A_74 {
      %add3A_149 = arith.constant 2496 : i32
      %add3A_150 = arith.addi %add3A_149, %arg1 : i32
      %dma_wait3A_151 = arith.constant 0 : i32
      %dma_wait3A_152 = arith.constant 156 : i32
      %dma_wait3A_153 = arith.constant 0 : i32
      %dma_wait3A_154 = tpu.memref_slice %arg5[%dma_wait3A_152, %dma_wait3A_153] : memref<157x128xi32, #tpu.memory_space<vmem>> -> memref<1x128xi32, #tpu.memory_space<vmem>>
      %dma_wait3A_155 = arith.constant 0 : i32
      %dma_wait3A_156 = tpu.memref_slice %arg3[%dma_wait3A_151, %add3A_150, %dma_wait3A_155] : memref<2x2500x128xi32, #tpu.memory_space<hbm>> -> memref<1x1x128xi32, #tpu.memory_space<hbm>>
      %dma_wait3A_157 = tpu.memref_squeeze %dma_wait3A_156 : memref<1x1x128xi32, #tpu.memory_space<hbm>> -> memref<1x128xi32, #tpu.memory_space<hbm>>
      %dma_wait3A_158 = arith.constant 156 : i32
      %dma_wait3A_159 = arith.constant 0 : i32
      %dma_wait3A_160 = tpu.memref_slice %arg5[%dma_wait3A_158, %dma_wait3A_159] : memref<157x128xi32, #tpu.memory_space<vmem>> -> memref<1x128xi32, #tpu.memory_space<vmem>>
      %dma_wait3A_161 = arith.constant 0 : i32
      %dma_wait3A_162 = tpu.memref_slice %arg3[%dma_wait3A_151, %add3A_150, %dma_wait3A_161] : memref<2x2500x128xi32, #tpu.memory_space<hbm>> -> memref<1x1x128xi32, #tpu.memory_space<hbm>>
      %dma_wait3A_163 = tpu.memref_squeeze %dma_wait3A_162 : memref<1x1x128xi32, #tpu.memory_space<hbm>> -> memref<1x128xi32, #tpu.memory_space<hbm>>
      tpu.wait_dma2 semaphore(%arg12 : memref<!tpu.dma_semaphore, #tpu.memory_space<semaphore_mem>>) src(%dma_wait3A_163 : memref<1x128xi32, #tpu.memory_space<hbm>>) dst(%dma_wait3A_160 : memref<1x128xi32, #tpu.memory_space<vmem>>)
      %add3A_164 = arith.constant 2496 : i32
      %add3A_165 = arith.addi %add3A_164, %arg1 : i32
      %dma_wait3A_166 = arith.constant 1 : i32
      %dma_wait3A_167 = arith.constant 156 : i32
      %dma_wait3A_168 = arith.constant 0 : i32
      %dma_wait3A_169 = tpu.memref_slice %arg6[%dma_wait3A_167, %dma_wait3A_168] : memref<157x128xi32, #tpu.memory_space<vmem>> -> memref<1x128xi32, #tpu.memory_space<vmem>>
      %dma_wait3A_170 = arith.constant 0 : i32
      %dma_wait3A_171 = tpu.memref_slice %arg3[%dma_wait3A_166, %add3A_165, %dma_wait3A_170] : memref<2x2500x128xi32, #tpu.memory_space<hbm>> -> memref<1x1x128xi32, #tpu.memory_space<hbm>>
      %dma_wait3A_172 = tpu.memref_squeeze %dma_wait3A_171 : memref<1x1x128xi32, #tpu.memory_space<hbm>> -> memref<1x128xi32, #tpu.memory_space<hbm>>
      %dma_wait3A_173 = arith.constant 156 : i32
      %dma_wait3A_174 = arith.constant 0 : i32
      %dma_wait3A_175 = tpu.memref_slice %arg6[%dma_wait3A_173, %dma_wait3A_174] : memref<157x128xi32, #tpu.memory_space<vmem>> -> memref<1x128xi32, #tpu.memory_space<vmem>>
      %dma_wait3A_176 = arith.constant 0 : i32
      %dma_wait3A_177 = tpu.memref_slice %arg3[%dma_wait3A_166, %add3A_165, %dma_wait3A_176] : memref<2x2500x128xi32, #tpu.memory_space<hbm>> -> memref<1x1x128xi32, #tpu.memory_space<hbm>>
      %dma_wait3A_178 = tpu.memref_squeeze %dma_wait3A_177 : memref<1x1x128xi32, #tpu.memory_space<hbm>> -> memref<1x128xi32, #tpu.memory_space<hbm>>
      tpu.wait_dma2 semaphore(%arg12 : memref<!tpu.dma_semaphore, #tpu.memory_space<semaphore_mem>>) src(%dma_wait3A_178 : memref<1x128xi32, #tpu.memory_space<hbm>>) dst(%dma_wait3A_175 : memref<1x128xi32, #tpu.memory_space<vmem>>)
    } else {
    }
    %barrier3A = arith.constant 0 : index
    tpu.barrier barrier_id(%barrier3A)
    %dma_start3A_75 = arith.constant 0 : i32
    %dma_start3A_76 = arith.constant 0 : i32
    %dma_start3A_77 = tpu.memref_slice %arg5[%dma_start3A_75, %dma_start3A_76] : memref<157x128xi32, #tpu.memory_space<vmem>> -> memref<1x128xi32, #tpu.memory_space<vmem>>
    %dma_start3A_78 = tpu.memref_squeeze %dma_start3A_77 : memref<1x128xi32, #tpu.memory_space<vmem>> -> memref<128xi32, #tpu.memory_space<vmem>>
    %dma_start3A_79 = arith.constant 0 : i32
    %dma_start3A_80 = arith.constant 0 : i32
    %dma_start3A_81 = tpu.memref_slice %arg2[%arg0, %dma_start3A_79, %dma_start3A_80] : memref<2x10240x64xf32, #tpu.memory_space<hbm>> -> memref<1x10240x64xf32, #tpu.memory_space<hbm>>
    %dma_start3A_82 = tpu.memref_squeeze %dma_start3A_81 : memref<1x10240x64xf32, #tpu.memory_space<hbm>> -> memref<10240x64xf32, #tpu.memory_space<hbm>>
    %dma_start3A_83 = arith.constant 0 : i32
    %dma_start3A_84 = arith.constant 0 : i32
    %dma_start3A_85 = tpu.memref_slice %dma_start3A_82[%dma_start3A_83, %dma_start3A_84] : memref<10240x64xf32, #tpu.memory_space<hbm>> -> memref<10240x64xf32, #tpu.memory_space<hbm>>
    tpu.enqueue_indirect_dma source(%dma_start3A_85 : memref<10240x64xf32, #tpu.memory_space<hbm>>) target(%arg7 : memref<128x64xf32, #tpu.memory_space<vmem>>) offsets(%dma_start3A_78 : memref<128xi32, #tpu.memory_space<vmem>>) semaphore(%arg13 : memref<!tpu.dma_semaphore, #tpu.memory_space<semaphore_mem>>)
    %dma_start3A_86 = arith.constant 1 : i32
    %dma_start3A_87 = arith.constant 0 : i32
    %dma_start3A_88 = tpu.memref_slice %arg5[%dma_start3A_86, %dma_start3A_87] : memref<157x128xi32, #tpu.memory_space<vmem>> -> memref<1x128xi32, #tpu.memory_space<vmem>>
    %dma_start3A_89 = tpu.memref_squeeze %dma_start3A_88 : memref<1x128xi32, #tpu.memory_space<vmem>> -> memref<128xi32, #tpu.memory_space<vmem>>
    %dma_start3A_90 = arith.constant 0 : i32
    %dma_start3A_91 = arith.constant 0 : i32
    %dma_start3A_92 = tpu.memref_slice %arg2[%arg0, %dma_start3A_90, %dma_start3A_91] : memref<2x10240x64xf32, #tpu.memory_space<hbm>> -> memref<1x10240x64xf32, #tpu.memory_space<hbm>>
    %dma_start3A_93 = tpu.memref_squeeze %dma_start3A_92 : memref<1x10240x64xf32, #tpu.memory_space<hbm>> -> memref<10240x64xf32, #tpu.memory_space<hbm>>
    %dma_start3A_94 = arith.constant 0 : i32
    %dma_start3A_95 = arith.constant 0 : i32
    %dma_start3A_96 = tpu.memref_slice %dma_start3A_93[%dma_start3A_94, %dma_start3A_95] : memref<10240x64xf32, #tpu.memory_space<hbm>> -> memref<10240x64xf32, #tpu.memory_space<hbm>>
    tpu.enqueue_indirect_dma source(%dma_start3A_96 : memref<10240x64xf32, #tpu.memory_space<hbm>>) target(%arg8 : memref<128x64xf32, #tpu.memory_space<vmem>>) offsets(%dma_start3A_89 : memref<128xi32, #tpu.memory_space<vmem>>) semaphore(%arg14 : memref<!tpu.dma_semaphore, #tpu.memory_space<semaphore_mem>>)
    %dma_start3A_97 = arith.constant 2 : i32
    %dma_start3A_98 = arith.constant 0 : i32
    %dma_start3A_99 = tpu.memref_slice %arg5[%dma_start3A_97, %dma_start3A_98] : memref<157x128xi32, #tpu.memory_space<vmem>> -> memref<1x128xi32, #tpu.memory_space<vmem>>
    %dma_start3A_100 = tpu.memref_squeeze %dma_start3A_99 : memref<1x128xi32, #tpu.memory_space<vmem>> -> memref<128xi32, #tpu.memory_space<vmem>>
    %dma_start3A_101 = arith.constant 0 : i32
    %dma_start3A_102 = arith.constant 0 : i32
    %dma_start3A_103 = tpu.memref_slice %arg2[%arg0, %dma_start3A_101, %dma_start3A_102] : memref<2x10240x64xf32, #tpu.memory_space<hbm>> -> memref<1x10240x64xf32, #tpu.memory_space<hbm>>
    %dma_start3A_104 = tpu.memref_squeeze %dma_start3A_103 : memref<1x10240x64xf32, #tpu.memory_space<hbm>> -> memref<10240x64xf32, #tpu.memory_space<hbm>>
    %dma_start3A_105 = arith.constant 0 : i32
    %dma_start3A_106 = arith.constant 0 : i32
    %dma_start3A_107 = tpu.memref_slice %dma_start3A_104[%dma_start3A_105, %dma_start3A_106] : memref<10240x64xf32, #tpu.memory_space<hbm>> -> memref<10240x64xf32, #tpu.memory_space<hbm>>
    tpu.enqueue_indirect_dma source(%dma_start3A_107 : memref<10240x64xf32, #tpu.memory_space<hbm>>) target(%arg9 : memref<128x64xf32, #tpu.memory_space<vmem>>) offsets(%dma_start3A_100 : memref<128xi32, #tpu.memory_space<vmem>>) semaphore(%arg15 : memref<!tpu.dma_semaphore, #tpu.memory_space<semaphore_mem>>)
    %scan3A_108 = arith.constant 0 : i32
    %scan3A_109 = arith.constant 39 : i32
    %scan3A_110 = arith.addi %scan3A_108, %scan3A_109 : i32
    %scan3A_111 = arith.constant 1 : i32
    scf.for %scan3A_149 = %scan3A_108 to %scan3A_110 step %scan3A_111  : i32 {
      %mul3A_150 = arith.constant 1 : i32
      %mul3A_151 = arith.muli %scan3A_149, %mul3A_150 : i32
      %add3A_152 = arith.constant 0 : i32
      %add3A_153 = arith.addi %add3A_152, %mul3A_151 : i32
      %mul3A_154 = arith.constant 4 : i32
      %mul3A_155 = arith.muli %add3A_153, %mul3A_154 : i32
      %add3A_156 = arith.constant 0 : i32
      %add3A_157 = arith.addi %mul3A_155, %add3A_156 : i32
      %add3A_158 = arith.constant 4 : i32
      %add3A_159 = arith.addi %add3A_157, %add3A_158 : i32
      %sub3A = arith.constant 1 : i32
      %sub3A_160 = arith.subi %add3A_159, %sub3A : i32
      %lt3A_161 = arith.constant 156 : i32
      %lt3A_162 = arith.cmpi slt, %sub3A_160, %lt3A_161 : i32
      %convert_element_type3A_163 = arith.extui %lt3A_162 : i1 to i32
      %cond3A_164 = arith.constant 0 : i32
      %cond3A_165 = arith.cmpi ne, %convert_element_type3A_163, %cond3A_164 : i32
      scf.if %cond3A_165 {
        %ge3A = arith.constant 1 : i32
        %ge3A_269 = arith.cmpi sge, %add3A_157, %ge3A : i32
        %convert_element_type3A_270 = arith.extui %ge3A_269 : i1 to i32
        %cond3A_271 = arith.constant 0 : i32
        %cond3A_272 = arith.cmpi ne, %convert_element_type3A_270, %cond3A_271 : i32
        scf.if %cond3A_272 {
          %sub3A_287 = arith.constant 1 : i32
          %sub3A_288 = arith.subi %add3A_157, %sub3A_287 : i32
          %dma_wait3A_289 = arith.constant 0 : i32
          %dma_wait3A_290 = tpu.memref_slice %arg6[%sub3A_288, %dma_wait3A_289] : memref<157x128xi32, #tpu.memory_space<vmem>> -> memref<1x128xi32, #tpu.memory_space<vmem>>
          %dma_wait3A_291 = tpu.memref_squeeze %dma_wait3A_290 : memref<1x128xi32, #tpu.memory_space<vmem>> -> memref<128xi32, #tpu.memory_space<vmem>>
          %dma_wait3A_292 = arith.constant 0 : i32
          %dma_wait3A_293 = arith.constant 0 : i32
          %dma_wait3A_294 = tpu.memref_slice %arg11[%dma_wait3A_292, %dma_wait3A_293] : memref<10112x64xf32, #tpu.memory_space<vmem_shared>> -> memref<10112x64xf32, #tpu.memory_space<vmem_shared>>
          tpu.wait_indirect_dma semaphore(%arg20 : memref<!tpu.dma_semaphore, #tpu.memory_space<semaphore_mem>>) src(%arg10 : memref<128x64xf32, #tpu.memory_space<vmem>>) dst(%dma_wait3A_294 : memref<10112x64xf32, #tpu.memory_space<vmem_shared>>)
        } else {
        }
        %add3A_273 = arith.constant 4 : i32
        %add3A_274 = arith.addi %add3A_157, %add3A_273 : i32
        %sub3A_275 = arith.constant 1 : i32
        %sub3A_276 = arith.subi %add3A_274, %sub3A_275 : i32
        %dma_start3A_277 = arith.constant 0 : i32
        %dma_start3A_278 = tpu.memref_slice %arg5[%sub3A_276, %dma_start3A_277] : memref<157x128xi32, #tpu.memory_space<vmem>> -> memref<1x128xi32, #tpu.memory_space<vmem>>
        %dma_start3A_279 = tpu.memref_squeeze %dma_start3A_278 : memref<1x128xi32, #tpu.memory_space<vmem>> -> memref<128xi32, #tpu.memory_space<vmem>>
        %dma_start3A_280 = arith.constant 0 : i32
        %dma_start3A_281 = arith.constant 0 : i32
        %dma_start3A_282 = tpu.memref_slice %arg2[%arg0, %dma_start3A_280, %dma_start3A_281] : memref<2x10240x64xf32, #tpu.memory_space<hbm>> -> memref<1x10240x64xf32, #tpu.memory_space<hbm>>
        %dma_start3A_283 = tpu.memref_squeeze %dma_start3A_282 : memref<1x10240x64xf32, #tpu.memory_space<hbm>> -> memref<10240x64xf32, #tpu.memory_space<hbm>>
        %dma_start3A_284 = arith.constant 0 : i32
        %dma_start3A_285 = arith.constant 0 : i32
        %dma_start3A_286 = tpu.memref_slice %dma_start3A_283[%dma_start3A_284, %dma_start3A_285] : memref<10240x64xf32, #tpu.memory_space<hbm>> -> memref<10240x64xf32, #tpu.memory_space<hbm>>
        tpu.enqueue_indirect_dma source(%dma_start3A_286 : memref<10240x64xf32, #tpu.memory_space<hbm>>) target(%arg10 : memref<128x64xf32, #tpu.memory_space<vmem>>) offsets(%dma_start3A_279 : memref<128xi32, #tpu.memory_space<vmem>>) semaphore(%arg16 : memref<!tpu.dma_semaphore, #tpu.memory_space<semaphore_mem>>)
      } else {
      }
      %dma_wait3A_166 = arith.constant 0 : i32
      %dma_wait3A_167 = tpu.memref_slice %arg5[%add3A_157, %dma_wait3A_166] : memref<157x128xi32, #tpu.memory_space<vmem>> -> memref<1x128xi32, #tpu.memory_space<vmem>>
      %dma_wait3A_168 = tpu.memref_squeeze %dma_wait3A_167 : memref<1x128xi32, #tpu.memory_space<vmem>> -> memref<128xi32, #tpu.memory_space<vmem>>
      %dma_wait3A_169 = arith.constant 0 : i32
      %dma_wait3A_170 = arith.constant 0 : i32
      %dma_wait3A_171 = tpu.memref_slice %arg2[%arg0, %dma_wait3A_169, %dma_wait3A_170] : memref<2x10240x64xf32, #tpu.memory_space<hbm>> -> memref<1x10240x64xf32, #tpu.memory_space<hbm>>
      %dma_wait3A_172 = tpu.memref_squeeze %dma_wait3A_171 : memref<1x10240x64xf32, #tpu.memory_space<hbm>> -> memref<10240x64xf32, #tpu.memory_space<hbm>>
      %dma_wait3A_173 = arith.constant 0 : i32
      %dma_wait3A_174 = arith.constant 0 : i32
      %dma_wait3A_175 = tpu.memref_slice %dma_wait3A_172[%dma_wait3A_173, %dma_wait3A_174] : memref<10240x64xf32, #tpu.memory_space<hbm>> -> memref<10240x64xf32, #tpu.memory_space<hbm>>
      tpu.wait_indirect_dma semaphore(%arg13 : memref<!tpu.dma_semaphore, #tpu.memory_space<semaphore_mem>>) src(%dma_wait3A_175 : memref<10240x64xf32, #tpu.memory_space<hbm>>) dst(%arg7 : memref<128x64xf32, #tpu.memory_space<vmem>>)
      %dma_start3A_176 = arith.constant 0 : i32
      %dma_start3A_177 = tpu.memref_slice %arg6[%add3A_157, %dma_start3A_176] : memref<157x128xi32, #tpu.memory_space<vmem>> -> memref<1x128xi32, #tpu.memory_space<vmem>>
      %dma_start3A_178 = tpu.memref_squeeze %dma_start3A_177 : memref<1x128xi32, #tpu.memory_space<vmem>> -> memref<128xi32, #tpu.memory_space<vmem>>
      %dma_start3A_179 = arith.constant 0 : i32
      %dma_start3A_180 = arith.constant 0 : i32
      %dma_start3A_181 = tpu.memref_slice %arg11[%dma_start3A_179, %dma_start3A_180] : memref<10112x64xf32, #tpu.memory_space<vmem_shared>> -> memref<10112x64xf32, #tpu.memory_space<vmem_shared>>
      tpu.enqueue_indirect_dma source(%arg7 : memref<128x64xf32, #tpu.memory_space<vmem>>) target(%dma_start3A_181 : memref<10112x64xf32, #tpu.memory_space<vmem_shared>>) offsets(%dma_start3A_178 : memref<128xi32, #tpu.memory_space<vmem>>) semaphore(%arg17 : memref<!tpu.dma_semaphore, #tpu.memory_space<semaphore_mem>>) {add = true}
      %mul3A_182 = arith.constant 4 : i32
      %mul3A_183 = arith.muli %add3A_153, %mul3A_182 : i32
      %add3A_184 = arith.constant 1 : i32
      %add3A_185 = arith.addi %mul3A_183, %add3A_184 : i32
      %add3A_186 = arith.constant 4 : i32
      %add3A_187 = arith.addi %add3A_185, %add3A_186 : i32
      %sub3A_188 = arith.constant 1 : i32
      %sub3A_189 = arith.subi %add3A_187, %sub3A_188 : i32
      %lt3A_190 = arith.constant 156 : i32
      %lt3A_191 = arith.cmpi slt, %sub3A_189, %lt3A_190 : i32
      %convert_element_type3A_192 = arith.extui %lt3A_191 : i1 to i32
      %cond3A_193 = arith.constant 0 : i32
      %cond3A_194 = arith.cmpi ne, %convert_element_type3A_192, %cond3A_193 : i32
      scf.if %cond3A_194 {
        %ge3A = arith.constant 1 : i32
        %ge3A_269 = arith.cmpi sge, %add3A_185, %ge3A : i32
        %convert_element_type3A_270 = arith.extui %ge3A_269 : i1 to i32
        %cond3A_271 = arith.constant 0 : i32
        %cond3A_272 = arith.cmpi ne, %convert_element_type3A_270, %cond3A_271 : i32
        scf.if %cond3A_272 {
          %sub3A_287 = arith.constant 1 : i32
          %sub3A_288 = arith.subi %add3A_185, %sub3A_287 : i32
          %dma_wait3A_289 = arith.constant 0 : i32
          %dma_wait3A_290 = tpu.memref_slice %arg6[%sub3A_288, %dma_wait3A_289] : memref<157x128xi32, #tpu.memory_space<vmem>> -> memref<1x128xi32, #tpu.memory_space<vmem>>
          %dma_wait3A_291 = tpu.memref_squeeze %dma_wait3A_290 : memref<1x128xi32, #tpu.memory_space<vmem>> -> memref<128xi32, #tpu.memory_space<vmem>>
          %dma_wait3A_292 = arith.constant 0 : i32
          %dma_wait3A_293 = arith.constant 0 : i32
          %dma_wait3A_294 = tpu.memref_slice %arg11[%dma_wait3A_292, %dma_wait3A_293] : memref<10112x64xf32, #tpu.memory_space<vmem_shared>> -> memref<10112x64xf32, #tpu.memory_space<vmem_shared>>
          tpu.wait_indirect_dma semaphore(%arg17 : memref<!tpu.dma_semaphore, #tpu.memory_space<semaphore_mem>>) src(%arg7 : memref<128x64xf32, #tpu.memory_space<vmem>>) dst(%dma_wait3A_294 : memref<10112x64xf32, #tpu.memory_space<vmem_shared>>)
        } else {
        }
        %add3A_273 = arith.constant 4 : i32
        %add3A_274 = arith.addi %add3A_185, %add3A_273 : i32
        %sub3A_275 = arith.constant 1 : i32
        %sub3A_276 = arith.subi %add3A_274, %sub3A_275 : i32
        %dma_start3A_277 = arith.constant 0 : i32
        %dma_start3A_278 = tpu.memref_slice %arg5[%sub3A_276, %dma_start3A_277] : memref<157x128xi32, #tpu.memory_space<vmem>> -> memref<1x128xi32, #tpu.memory_space<vmem>>
        %dma_start3A_279 = tpu.memref_squeeze %dma_start3A_278 : memref<1x128xi32, #tpu.memory_space<vmem>> -> memref<128xi32, #tpu.memory_space<vmem>>
        %dma_start3A_280 = arith.constant 0 : i32
        %dma_start3A_281 = arith.constant 0 : i32
        %dma_start3A_282 = tpu.memref_slice %arg2[%arg0, %dma_start3A_280, %dma_start3A_281] : memref<2x10240x64xf32, #tpu.memory_space<hbm>> -> memref<1x10240x64xf32, #tpu.memory_space<hbm>>
        %dma_start3A_283 = tpu.memref_squeeze %dma_start3A_282 : memref<1x10240x64xf32, #tpu.memory_space<hbm>> -> memref<10240x64xf32, #tpu.memory_space<hbm>>
        %dma_start3A_284 = arith.constant 0 : i32
        %dma_start3A_285 = arith.constant 0 : i32
        %dma_start3A_286 = tpu.memref_slice %dma_start3A_283[%dma_start3A_284, %dma_start3A_285] : memref<10240x64xf32, #tpu.memory_space<hbm>> -> memref<10240x64xf32, #tpu.memory_space<hbm>>
        tpu.enqueue_indirect_dma source(%dma_start3A_286 : memref<10240x64xf32, #tpu.memory_space<hbm>>) target(%arg7 : memref<128x64xf32, #tpu.memory_space<vmem>>) offsets(%dma_start3A_279 : memref<128xi32, #tpu.memory_space<vmem>>) semaphore(%arg13 : memref<!tpu.dma_semaphore, #tpu.memory_space<semaphore_mem>>)
      } else {
      }
      %dma_wait3A_195 = arith.constant 0 : i32
      %dma_wait3A_196 = tpu.memref_slice %arg5[%add3A_185, %dma_wait3A_195] : memref<157x128xi32, #tpu.memory_space<vmem>> -> memref<1x128xi32, #tpu.memory_space<vmem>>
      %dma_wait3A_197 = tpu.memref_squeeze %dma_wait3A_196 : memref<1x128xi32, #tpu.memory_space<vmem>> -> memref<128xi32, #tpu.memory_space<vmem>>
      %dma_wait3A_198 = arith.constant 0 : i32
      %dma_wait3A_199 = arith.constant 0 : i32
      %dma_wait3A_200 = tpu.memref_slice %arg2[%arg0, %dma_wait3A_198, %dma_wait3A_199] : memref<2x10240x64xf32, #tpu.memory_space<hbm>> -> memref<1x10240x64xf32, #tpu.memory_space<hbm>>
      %dma_wait3A_201 = tpu.memref_squeeze %dma_wait3A_200 : memref<1x10240x64xf32, #tpu.memory_space<hbm>> -> memref<10240x64xf32, #tpu.memory_space<hbm>>
      %dma_wait3A_202 = arith.constant 0 : i32
      %dma_wait3A_203 = arith.constant 0 : i32
      %dma_wait3A_204 = tpu.memref_slice %dma_wait3A_201[%dma_wait3A_202, %dma_wait3A_203] : memref<10240x64xf32, #tpu.memory_space<hbm>> -> memref<10240x64xf32, #tpu.memory_space<hbm>>
      tpu.wait_indirect_dma semaphore(%arg14 : memref<!tpu.dma_semaphore, #tpu.memory_space<semaphore_mem>>) src(%dma_wait3A_204 : memref<10240x64xf32, #tpu.memory_space<hbm>>) dst(%arg8 : memref<128x64xf32, #tpu.memory_space<vmem>>)
      %dma_start3A_205 = arith.constant 0 : i32
      %dma_start3A_206 = tpu.memref_slice %arg6[%add3A_185, %dma_start3A_205] : memref<157x128xi32, #tpu.memory_space<vmem>> -> memref<1x128xi32, #tpu.memory_space<vmem>>
      %dma_start3A_207 = tpu.memref_squeeze %dma_start3A_206 : memref<1x128xi32, #tpu.memory_space<vmem>> -> memref<128xi32, #tpu.memory_space<vmem>>
      %dma_start3A_208 = arith.constant 0 : i32
      %dma_start3A_209 = arith.constant 0 : i32
      %dma_start3A_210 = tpu.memref_slice %arg11[%dma_start3A_208, %dma_start3A_209] : memref<10112x64xf32, #tpu.memory_space<vmem_shared>> -> memref<10112x64xf32, #tpu.memory_space<vmem_shared>>
      tpu.enqueue_indirect_dma source(%arg8 : memref<128x64xf32, #tpu.memory_space<vmem>>) target(%dma_start3A_210 : memref<10112x64xf32, #tpu.memory_space<vmem_shared>>) offsets(%dma_start3A_207 : memref<128xi32, #tpu.memory_space<vmem>>) semaphore(%arg18 : memref<!tpu.dma_semaphore, #tpu.memory_space<semaphore_mem>>) {add = true}
      %mul3A_211 = arith.constant 4 : i32
      %mul3A_212 = arith.muli %add3A_153, %mul3A_211 : i32
      %add3A_213 = arith.constant 2 : i32
      %add3A_214 = arith.addi %mul3A_212, %add3A_213 : i32
      %add3A_215 = arith.constant 4 : i32
      %add3A_216 = arith.addi %add3A_214, %add3A_215 : i32
      %sub3A_217 = arith.constant 1 : i32
      %sub3A_218 = arith.subi %add3A_216, %sub3A_217 : i32
      %lt3A_219 = arith.constant 156 : i32
      %lt3A_220 = arith.cmpi slt, %sub3A_218, %lt3A_219 : i32
      %convert_element_type3A_221 = arith.extui %lt3A_220 : i1 to i32
      %cond3A_222 = arith.constant 0 : i32
      %cond3A_223 = arith.cmpi ne, %convert_element_type3A_221, %cond3A_222 : i32
      scf.if %cond3A_223 {
        %ge3A = arith.constant 1 : i32
        %ge3A_269 = arith.cmpi sge, %add3A_214, %ge3A : i32
        %convert_element_type3A_270 = arith.extui %ge3A_269 : i1 to i32
        %cond3A_271 = arith.constant 0 : i32
        %cond3A_272 = arith.cmpi ne, %convert_element_type3A_270, %cond3A_271 : i32
        scf.if %cond3A_272 {
          %sub3A_287 = arith.constant 1 : i32
          %sub3A_288 = arith.subi %add3A_214, %sub3A_287 : i32
          %dma_wait3A_289 = arith.constant 0 : i32
          %dma_wait3A_290 = tpu.memref_slice %arg6[%sub3A_288, %dma_wait3A_289] : memref<157x128xi32, #tpu.memory_space<vmem>> -> memref<1x128xi32, #tpu.memory_space<vmem>>
          %dma_wait3A_291 = tpu.memref_squeeze %dma_wait3A_290 : memref<1x128xi32, #tpu.memory_space<vmem>> -> memref<128xi32, #tpu.memory_space<vmem>>
          %dma_wait3A_292 = arith.constant 0 : i32
          %dma_wait3A_293 = arith.constant 0 : i32
          %dma_wait3A_294 = tpu.memref_slice %arg11[%dma_wait3A_292, %dma_wait3A_293] : memref<10112x64xf32, #tpu.memory_space<vmem_shared>> -> memref<10112x64xf32, #tpu.memory_space<vmem_shared>>
          tpu.wait_indirect_dma semaphore(%arg18 : memref<!tpu.dma_semaphore, #tpu.memory_space<semaphore_mem>>) src(%arg8 : memref<128x64xf32, #tpu.memory_space<vmem>>) dst(%dma_wait3A_294 : memref<10112x64xf32, #tpu.memory_space<vmem_shared>>)
        } else {
        }
        %add3A_273 = arith.constant 4 : i32
        %add3A_274 = arith.addi %add3A_214, %add3A_273 : i32
        %sub3A_275 = arith.constant 1 : i32
        %sub3A_276 = arith.subi %add3A_274, %sub3A_275 : i32
        %dma_start3A_277 = arith.constant 0 : i32
        %dma_start3A_278 = tpu.memref_slice %arg5[%sub3A_276, %dma_start3A_277] : memref<157x128xi32, #tpu.memory_space<vmem>> -> memref<1x128xi32, #tpu.memory_space<vmem>>
        %dma_start3A_279 = tpu.memref_squeeze %dma_start3A_278 : memref<1x128xi32, #tpu.memory_space<vmem>> -> memref<128xi32, #tpu.memory_space<vmem>>
        %dma_start3A_280 = arith.constant 0 : i32
        %dma_start3A_281 = arith.constant 0 : i32
        %dma_start3A_282 = tpu.memref_slice %arg2[%arg0, %dma_start3A_280, %dma_start3A_281] : memref<2x10240x64xf32, #tpu.memory_space<hbm>> -> memref<1x10240x64xf32, #tpu.memory_space<hbm>>
        %dma_start3A_283 = tpu.memref_squeeze %dma_start3A_282 : memref<1x10240x64xf32, #tpu.memory_space<hbm>> -> memref<10240x64xf32, #tpu.memory_space<hbm>>
        %dma_start3A_284 = arith.constant 0 : i32
        %dma_start3A_285 = arith.constant 0 : i32
        %dma_start3A_286 = tpu.memref_slice %dma_start3A_283[%dma_start3A_284, %dma_start3A_285] : memref<10240x64xf32, #tpu.memory_space<hbm>> -> memref<10240x64xf32, #tpu.memory_space<hbm>>
        tpu.enqueue_indirect_dma source(%dma_start3A_286 : memref<10240x64xf32, #tpu.memory_space<hbm>>) target(%arg8 : memref<128x64xf32, #tpu.memory_space<vmem>>) offsets(%dma_start3A_279 : memref<128xi32, #tpu.memory_space<vmem>>) semaphore(%arg14 : memref<!tpu.dma_semaphore, #tpu.memory_space<semaphore_mem>>)
      } else {
      }
      %dma_wait3A_224 = arith.constant 0 : i32
      %dma_wait3A_225 = tpu.memref_slice %arg5[%add3A_214, %dma_wait3A_224] : memref<157x128xi32, #tpu.memory_space<vmem>> -> memref<1x128xi32, #tpu.memory_space<vmem>>
      %dma_wait3A_226 = tpu.memref_squeeze %dma_wait3A_225 : memref<1x128xi32, #tpu.memory_space<vmem>> -> memref<128xi32, #tpu.memory_space<vmem>>
      %dma_wait3A_227 = arith.constant 0 : i32
      %dma_wait3A_228 = arith.constant 0 : i32
      %dma_wait3A_229 = tpu.memref_slice %arg2[%arg0, %dma_wait3A_227, %dma_wait3A_228] : memref<2x10240x64xf32, #tpu.memory_space<hbm>> -> memref<1x10240x64xf32, #tpu.memory_space<hbm>>
      %dma_wait3A_230 = tpu.memref_squeeze %dma_wait3A_229 : memref<1x10240x64xf32, #tpu.memory_space<hbm>> -> memref<10240x64xf32, #tpu.memory_space<hbm>>
      %dma_wait3A_231 = arith.constant 0 : i32
      %dma_wait3A_232 = arith.constant 0 : i32
      %dma_wait3A_233 = tpu.memref_slice %dma_wait3A_230[%dma_wait3A_231, %dma_wait3A_232] : memref<10240x64xf32, #tpu.memory_space<hbm>> -> memref<10240x64xf32, #tpu.memory_space<hbm>>
      tpu.wait_indirect_dma semaphore(%arg15 : memref<!tpu.dma_semaphore, #tpu.memory_space<semaphore_mem>>) src(%dma_wait3A_233 : memref<10240x64xf32, #tpu.memory_space<hbm>>) dst(%arg9 : memref<128x64xf32, #tpu.memory_space<vmem>>)
      %dma_start3A_234 = arith.constant 0 : i32
      %dma_start3A_235 = tpu.memref_slice %arg6[%add3A_214, %dma_start3A_234] : memref<157x128xi32, #tpu.memory_space<vmem>> -> memref<1x128xi32, #tpu.memory_space<vmem>>
      %dma_start3A_236 = tpu.memref_squeeze %dma_start3A_235 : memref<1x128xi32, #tpu.memory_space<vmem>> -> memref<128xi32, #tpu.memory_space<vmem>>
      %dma_start3A_237 = arith.constant 0 : i32
      %dma_start3A_238 = arith.constant 0 : i32
      %dma_start3A_239 = tpu.memref_slice %arg11[%dma_start3A_237, %dma_start3A_238] : memref<10112x64xf32, #tpu.memory_space<vmem_shared>> -> memref<10112x64xf32, #tpu.memory_space<vmem_shared>>
      tpu.enqueue_indirect_dma source(%arg9 : memref<128x64xf32, #tpu.memory_space<vmem>>) target(%dma_start3A_239 : memref<10112x64xf32, #tpu.memory_space<vmem_shared>>) offsets(%dma_start3A_236 : memref<128xi32, #tpu.memory_space<vmem>>) semaphore(%arg19 : memref<!tpu.dma_semaphore, #tpu.memory_space<semaphore_mem>>) {add = true}
      %mul3A_240 = arith.constant 4 : i32
      %mul3A_241 = arith.muli %add3A_153, %mul3A_240 : i32
      %add3A_242 = arith.constant 3 : i32
      %add3A_243 = arith.addi %mul3A_241, %add3A_242 : i32
      %add3A_244 = arith.constant 4 : i32
      %add3A_245 = arith.addi %add3A_243, %add3A_244 : i32
      %sub3A_246 = arith.constant 1 : i32
      %sub3A_247 = arith.subi %add3A_245, %sub3A_246 : i32
      %lt3A_248 = arith.constant 156 : i32
      %lt3A_249 = arith.cmpi slt, %sub3A_247, %lt3A_248 : i32
      %convert_element_type3A_250 = arith.extui %lt3A_249 : i1 to i32
      %cond3A_251 = arith.constant 0 : i32
      %cond3A_252 = arith.cmpi ne, %convert_element_type3A_250, %cond3A_251 : i32
      scf.if %cond3A_252 {
        %ge3A = arith.constant 1 : i32
        %ge3A_269 = arith.cmpi sge, %add3A_243, %ge3A : i32
        %convert_element_type3A_270 = arith.extui %ge3A_269 : i1 to i32
        %cond3A_271 = arith.constant 0 : i32
        %cond3A_272 = arith.cmpi ne, %convert_element_type3A_270, %cond3A_271 : i32
        scf.if %cond3A_272 {
          %sub3A_287 = arith.constant 1 : i32
          %sub3A_288 = arith.subi %add3A_243, %sub3A_287 : i32
          %dma_wait3A_289 = arith.constant 0 : i32
          %dma_wait3A_290 = tpu.memref_slice %arg6[%sub3A_288, %dma_wait3A_289] : memref<157x128xi32, #tpu.memory_space<vmem>> -> memref<1x128xi32, #tpu.memory_space<vmem>>
          %dma_wait3A_291 = tpu.memref_squeeze %dma_wait3A_290 : memref<1x128xi32, #tpu.memory_space<vmem>> -> memref<128xi32, #tpu.memory_space<vmem>>
          %dma_wait3A_292 = arith.constant 0 : i32
          %dma_wait3A_293 = arith.constant 0 : i32
          %dma_wait3A_294 = tpu.memref_slice %arg11[%dma_wait3A_292, %dma_wait3A_293] : memref<10112x64xf32, #tpu.memory_space<vmem_shared>> -> memref<10112x64xf32, #tpu.memory_space<vmem_shared>>
          tpu.wait_indirect_dma semaphore(%arg19 : memref<!tpu.dma_semaphore, #tpu.memory_space<semaphore_mem>>) src(%arg9 : memref<128x64xf32, #tpu.memory_space<vmem>>) dst(%dma_wait3A_294 : memref<10112x64xf32, #tpu.memory_space<vmem_shared>>)
        } else {
        }
        %add3A_273 = arith.constant 4 : i32
        %add3A_274 = arith.addi %add3A_243, %add3A_273 : i32
        %sub3A_275 = arith.constant 1 : i32
        %sub3A_276 = arith.subi %add3A_274, %sub3A_275 : i32
        %dma_start3A_277 = arith.constant 0 : i32
        %dma_start3A_278 = tpu.memref_slice %arg5[%sub3A_276, %dma_start3A_277] : memref<157x128xi32, #tpu.memory_space<vmem>> -> memref<1x128xi32, #tpu.memory_space<vmem>>
        %dma_start3A_279 = tpu.memref_squeeze %dma_start3A_278 : memref<1x128xi32, #tpu.memory_space<vmem>> -> memref<128xi32, #tpu.memory_space<vmem>>
        %dma_start3A_280 = arith.constant 0 : i32
        %dma_start3A_281 = arith.constant 0 : i32
        %dma_start3A_282 = tpu.memref_slice %arg2[%arg0, %dma_start3A_280, %dma_start3A_281] : memref<2x10240x64xf32, #tpu.memory_space<hbm>> -> memref<1x10240x64xf32, #tpu.memory_space<hbm>>
        %dma_start3A_283 = tpu.memref_squeeze %dma_start3A_282 : memref<1x10240x64xf32, #tpu.memory_space<hbm>> -> memref<10240x64xf32, #tpu.memory_space<hbm>>
        %dma_start3A_284 = arith.constant 0 : i32
        %dma_start3A_285 = arith.constant 0 : i32
        %dma_start3A_286 = tpu.memref_slice %dma_start3A_283[%dma_start3A_284, %dma_start3A_285] : memref<10240x64xf32, #tpu.memory_space<hbm>> -> memref<10240x64xf32, #tpu.memory_space<hbm>>
        tpu.enqueue_indirect_dma source(%dma_start3A_286 : memref<10240x64xf32, #tpu.memory_space<hbm>>) target(%arg9 : memref<128x64xf32, #tpu.memory_space<vmem>>) offsets(%dma_start3A_279 : memref<128xi32, #tpu.memory_space<vmem>>) semaphore(%arg15 : memref<!tpu.dma_semaphore, #tpu.memory_space<semaphore_mem>>)
      } else {
      }
      %dma_wait3A_253 = arith.constant 0 : i32
      %dma_wait3A_254 = tpu.memref_slice %arg5[%add3A_243, %dma_wait3A_253] : memref<157x128xi32, #tpu.memory_space<vmem>> -> memref<1x128xi32, #tpu.memory_space<vmem>>
      %dma_wait3A_255 = tpu.memref_squeeze %dma_wait3A_254 : memref<1x128xi32, #tpu.memory_space<vmem>> -> memref<128xi32, #tpu.memory_space<vmem>>
      %dma_wait3A_256 = arith.constant 0 : i32
      %dma_wait3A_257 = arith.constant 0 : i32
      %dma_wait3A_258 = tpu.memref_slice %arg2[%arg0, %dma_wait3A_256, %dma_wait3A_257] : memref<2x10240x64xf32, #tpu.memory_space<hbm>> -> memref<1x10240x64xf32, #tpu.memory_space<hbm>>
      %dma_wait3A_259 = tpu.memref_squeeze %dma_wait3A_258 : memref<1x10240x64xf32, #tpu.memory_space<hbm>> -> memref<10240x64xf32, #tpu.memory_space<hbm>>
      %dma_wait3A_260 = arith.constant 0 : i32
      %dma_wait3A_261 = arith.constant 0 : i32
      %dma_wait3A_262 = tpu.memref_slice %dma_wait3A_259[%dma_wait3A_260, %dma_wait3A_261] : memref<10240x64xf32, #tpu.memory_space<hbm>> -> memref<10240x64xf32, #tpu.memory_space<hbm>>
      tpu.wait_indirect_dma semaphore(%arg16 : memref<!tpu.dma_semaphore, #tpu.memory_space<semaphore_mem>>) src(%dma_wait3A_262 : memref<10240x64xf32, #tpu.memory_space<hbm>>) dst(%arg10 : memref<128x64xf32, #tpu.memory_space<vmem>>)
      %dma_start3A_263 = arith.constant 0 : i32
      %dma_start3A_264 = tpu.memref_slice %arg6[%add3A_243, %dma_start3A_263] : memref<157x128xi32, #tpu.memory_space<vmem>> -> memref<1x128xi32, #tpu.memory_space<vmem>>
      %dma_start3A_265 = tpu.memref_squeeze %dma_start3A_264 : memref<1x128xi32, #tpu.memory_space<vmem>> -> memref<128xi32, #tpu.memory_space<vmem>>
      %dma_start3A_266 = arith.constant 0 : i32
      %dma_start3A_267 = arith.constant 0 : i32
      %dma_start3A_268 = tpu.memref_slice %arg11[%dma_start3A_266, %dma_start3A_267] : memref<10112x64xf32, #tpu.memory_space<vmem_shared>> -> memref<10112x64xf32, #tpu.memory_space<vmem_shared>>
      tpu.enqueue_indirect_dma source(%arg10 : memref<128x64xf32, #tpu.memory_space<vmem>>) target(%dma_start3A_268 : memref<10112x64xf32, #tpu.memory_space<vmem_shared>>) offsets(%dma_start3A_265 : memref<128xi32, #tpu.memory_space<vmem>>) semaphore(%arg20 : memref<!tpu.dma_semaphore, #tpu.memory_space<semaphore_mem>>) {add = true}
    }
    %scan3A_112 = arith.constant 39 : i32
    %dma_wait3A_113 = arith.constant 152 : i32
    %dma_wait3A_114 = arith.constant 0 : i32
    %dma_wait3A_115 = tpu.memref_slice %arg6[%dma_wait3A_113, %dma_wait3A_114] : memref<157x128xi32, #tpu.memory_space<vmem>> -> memref<1x128xi32, #tpu.memory_space<vmem>>
    %dma_wait3A_116 = tpu.memref_squeeze %dma_wait3A_115 : memref<1x128xi32, #tpu.memory_space<vmem>> -> memref<128xi32, #tpu.memory_space<vmem>>
    %dma_wait3A_117 = arith.constant 0 : i32
    %dma_wait3A_118 = arith.constant 0 : i32
    %dma_wait3A_119 = tpu.memref_slice %arg11[%dma_wait3A_117, %dma_wait3A_118] : memref<10112x64xf32, #tpu.memory_space<vmem_shared>> -> memref<10112x64xf32, #tpu.memory_space<vmem_shared>>
    tpu.wait_indirect_dma semaphore(%arg17 : memref<!tpu.dma_semaphore, #tpu.memory_space<semaphore_mem>>) src(%arg7 : memref<128x64xf32, #tpu.memory_space<vmem>>) dst(%dma_wait3A_119 : memref<10112x64xf32, #tpu.memory_space<vmem_shared>>)
    %dma_wait3A_120 = arith.constant 153 : i32
    %dma_wait3A_121 = arith.constant 0 : i32
    %dma_wait3A_122 = tpu.memref_slice %arg6[%dma_wait3A_120, %dma_wait3A_121] : memref<157x128xi32, #tpu.memory_space<vmem>> -> memref<1x128xi32, #tpu.memory_space<vmem>>
    %dma_wait3A_123 = tpu.memref_squeeze %dma_wait3A_122 : memref<1x128xi32, #tpu.memory_space<vmem>> -> memref<128xi32, #tpu.memory_space<vmem>>
    %dma_wait3A_124 = arith.constant 0 : i32
    %dma_wait3A_125 = arith.constant 0 : i32
    %dma_wait3A_126 = tpu.memref_slice %arg11[%dma_wait3A_124, %dma_wait3A_125] : memref<10112x64xf32, #tpu.memory_space<vmem_shared>> -> memref<10112x64xf32, #tpu.memory_space<vmem_shared>>
    tpu.wait_indirect_dma semaphore(%arg18 : memref<!tpu.dma_semaphore, #tpu.memory_space<semaphore_mem>>) src(%arg8 : memref<128x64xf32, #tpu.memory_space<vmem>>) dst(%dma_wait3A_126 : memref<10112x64xf32, #tpu.memory_space<vmem_shared>>)
    %dma_wait3A_127 = arith.constant 154 : i32
    %dma_wait3A_128 = arith.constant 0 : i32
    %dma_wait3A_129 = tpu.memref_slice %arg6[%dma_wait3A_127, %dma_wait3A_128] : memref<157x128xi32, #tpu.memory_space<vmem>> -> memref<1x128xi32, #tpu.memory_space<vmem>>
    %dma_wait3A_130 = tpu.memref_squeeze %dma_wait3A_129 : memref<1x128xi32, #tpu.memory_space<vmem>> -> memref<128xi32, #tpu.memory_space<vmem>>
    %dma_wait3A_131 = arith.constant 0 : i32
    %dma_wait3A_132 = arith.constant 0 : i32
    %dma_wait3A_133 = tpu.memref_slice %arg11[%dma_wait3A_131, %dma_wait3A_132] : memref<10112x64xf32, #tpu.memory_space<vmem_shared>> -> memref<10112x64xf32, #tpu.memory_space<vmem_shared>>
    tpu.wait_indirect_dma semaphore(%arg19 : memref<!tpu.dma_semaphore, #tpu.memory_space<semaphore_mem>>) src(%arg9 : memref<128x64xf32, #tpu.memory_space<vmem>>) dst(%dma_wait3A_133 : memref<10112x64xf32, #tpu.memory_space<vmem_shared>>)
    %dma_wait3A_134 = arith.constant 155 : i32
    %dma_wait3A_135 = arith.constant 0 : i32
    %dma_wait3A_136 = tpu.memref_slice %arg6[%dma_wait3A_134, %dma_wait3A_135] : memref<157x128xi32, #tpu.memory_space<vmem>> -> memref<1x128xi32, #tpu.memory_space<vmem>>
    %dma_wait3A_137 = tpu.memref_squeeze %dma_wait3A_136 : memref<1x128xi32, #tpu.memory_space<vmem>> -> memref<128xi32, #tpu.memory_space<vmem>>
    %dma_wait3A_138 = arith.constant 0 : i32
    %dma_wait3A_139 = arith.constant 0 : i32
    %dma_wait3A_140 = tpu.memref_slice %arg11[%dma_wait3A_138, %dma_wait3A_139] : memref<10112x64xf32, #tpu.memory_space<vmem_shared>> -> memref<10112x64xf32, #tpu.memory_space<vmem_shared>>
    tpu.wait_indirect_dma semaphore(%arg20 : memref<!tpu.dma_semaphore, #tpu.memory_space<semaphore_mem>>) src(%arg10 : memref<128x64xf32, #tpu.memory_space<vmem>>) dst(%dma_wait3A_140 : memref<10112x64xf32, #tpu.memory_space<vmem_shared>>)
    %convert_element_type3A_141 = arith.extui %lt3A_0 : i1 to i32
    %cond3A_142 = arith.constant 0 : i32
    %cond3A_143 = arith.cmpi ne, %convert_element_type3A_141, %cond3A_142 : i32
    scf.if %cond3A_143 {
      %run_scoped3A = arith.constant 156 : i32
      "tpu.region"() ({
        %run_scoped3A_150 = tpu.sem_alloc : memref<!tpu.dma_semaphore, #tpu.memory_space<semaphore_mem>>
        %dma_start3A_151 = arith.constant 0 : i32
        %dma_start3A_152 = tpu.memref_slice %arg5[%run_scoped3A, %dma_start3A_151] : memref<157x128xi32, #tpu.memory_space<vmem>> -> memref<1x128xi32, #tpu.memory_space<vmem>>
        %dma_start3A_153 = tpu.memref_squeeze %dma_start3A_152 : memref<1x128xi32, #tpu.memory_space<vmem>> -> memref<128xi32, #tpu.memory_space<vmem>>
        %dma_start3A_154 = arith.constant 0 : i32
        %dma_start3A_155 = arith.constant 0 : i32
        %dma_start3A_156 = tpu.memref_slice %arg2[%arg0, %dma_start3A_154, %dma_start3A_155] : memref<2x10240x64xf32, #tpu.memory_space<hbm>> -> memref<1x10240x64xf32, #tpu.memory_space<hbm>>
        %dma_start3A_157 = tpu.memref_squeeze %dma_start3A_156 : memref<1x10240x64xf32, #tpu.memory_space<hbm>> -> memref<10240x64xf32, #tpu.memory_space<hbm>>
        %dma_start3A_158 = arith.constant 0 : i32
        %dma_start3A_159 = arith.constant 0 : i32
        %dma_start3A_160 = tpu.memref_slice %dma_start3A_157[%dma_start3A_158, %dma_start3A_159] : memref<10240x64xf32, #tpu.memory_space<hbm>> -> memref<10240x64xf32, #tpu.memory_space<hbm>>
        tpu.enqueue_indirect_dma source(%dma_start3A_160 : memref<10240x64xf32, #tpu.memory_space<hbm>>) target(%arg7 : memref<128x64xf32, #tpu.memory_space<vmem>>) offsets(%dma_start3A_153 : memref<128xi32, #tpu.memory_space<vmem>>) semaphore(%run_scoped3A_150 : memref<!tpu.dma_semaphore, #tpu.memory_space<semaphore_mem>>)
        %dma_wait3A_161 = arith.constant 0 : i32
        %dma_wait3A_162 = tpu.memref_slice %arg5[%run_scoped3A, %dma_wait3A_161] : memref<157x128xi32, #tpu.memory_space<vmem>> -> memref<1x128xi32, #tpu.memory_space<vmem>>
        %dma_wait3A_163 = tpu.memref_squeeze %dma_wait3A_162 : memref<1x128xi32, #tpu.memory_space<vmem>> -> memref<128xi32, #tpu.memory_space<vmem>>
        %dma_wait3A_164 = arith.constant 0 : i32
        %dma_wait3A_165 = arith.constant 0 : i32
        %dma_wait3A_166 = tpu.memref_slice %arg2[%arg0, %dma_wait3A_164, %dma_wait3A_165] : memref<2x10240x64xf32, #tpu.memory_space<hbm>> -> memref<1x10240x64xf32, #tpu.memory_space<hbm>>
        %dma_wait3A_167 = tpu.memref_squeeze %dma_wait3A_166 : memref<1x10240x64xf32, #tpu.memory_space<hbm>> -> memref<10240x64xf32, #tpu.memory_space<hbm>>
        %dma_wait3A_168 = arith.constant 0 : i32
        %dma_wait3A_169 = arith.constant 0 : i32
        %dma_wait3A_170 = tpu.memref_slice %dma_wait3A_167[%dma_wait3A_168, %dma_wait3A_169] : memref<10240x64xf32, #tpu.memory_space<hbm>> -> memref<10240x64xf32, #tpu.memory_space<hbm>>
        tpu.wait_indirect_dma semaphore(%run_scoped3A_150 : memref<!tpu.dma_semaphore, #tpu.memory_space<semaphore_mem>>) src(%dma_wait3A_170 : memref<10240x64xf32, #tpu.memory_space<hbm>>) dst(%arg7 : memref<128x64xf32, #tpu.memory_space<vmem>>)
        tpu.yield
      }) : () -> ()
      %run_scoped3A_149 = arith.constant 156 : i32
      "tpu.region"() ({
        %run_scoped3A_150 = tpu.sem_alloc : memref<!tpu.dma_semaphore, #tpu.memory_space<semaphore_mem>>
        %dma_start3A_151 = arith.constant 0 : i32
        %dma_start3A_152 = tpu.memref_slice %arg6[%run_scoped3A_149, %dma_start3A_151] : memref<157x128xi32, #tpu.memory_space<vmem>> -> memref<1x128xi32, #tpu.memory_space<vmem>>
        %dma_start3A_153 = tpu.memref_squeeze %dma_start3A_152 : memref<1x128xi32, #tpu.memory_space<vmem>> -> memref<128xi32, #tpu.memory_space<vmem>>
        %dma_start3A_154 = arith.constant 0 : i32
        %dma_start3A_155 = arith.constant 0 : i32
        %dma_start3A_156 = tpu.memref_slice %arg11[%dma_start3A_154, %dma_start3A_155] : memref<10112x64xf32, #tpu.memory_space<vmem_shared>> -> memref<10112x64xf32, #tpu.memory_space<vmem_shared>>
        tpu.enqueue_indirect_dma source(%arg7 : memref<128x64xf32, #tpu.memory_space<vmem>>) target(%dma_start3A_156 : memref<10112x64xf32, #tpu.memory_space<vmem_shared>>) offsets(%dma_start3A_153 : memref<128xi32, #tpu.memory_space<vmem>>) semaphore(%run_scoped3A_150 : memref<!tpu.dma_semaphore, #tpu.memory_space<semaphore_mem>>) {add = true}
        %dma_wait3A_157 = arith.constant 0 : i32
        %dma_wait3A_158 = tpu.memref_slice %arg6[%run_scoped3A_149, %dma_wait3A_157] : memref<157x128xi32, #tpu.memory_space<vmem>> -> memref<1x128xi32, #tpu.memory_space<vmem>>
        %dma_wait3A_159 = tpu.memref_squeeze %dma_wait3A_158 : memref<1x128xi32, #tpu.memory_space<vmem>> -> memref<128xi32, #tpu.memory_space<vmem>>
        %dma_wait3A_160 = arith.constant 0 : i32
        %dma_wait3A_161 = arith.constant 0 : i32
        %dma_wait3A_162 = tpu.memref_slice %arg11[%dma_wait3A_160, %dma_wait3A_161] : memref<10112x64xf32, #tpu.memory_space<vmem_shared>> -> memref<10112x64xf32, #tpu.memory_space<vmem_shared>>
        tpu.wait_indirect_dma semaphore(%run_scoped3A_150 : memref<!tpu.dma_semaphore, #tpu.memory_space<semaphore_mem>>) src(%arg7 : memref<128x64xf32, #tpu.memory_space<vmem>>) dst(%dma_wait3A_162 : memref<10112x64xf32, #tpu.memory_space<vmem_shared>>)
        tpu.yield
      }) : () -> ()
    } else {
    }
    %barrier3A_144 = arith.constant 0 : index
    tpu.barrier barrier_id(%barrier3A_144)
    %mul3A_145 = arith.constant 632 : i32
    %mul3A_146 = arith.muli %arg1, %mul3A_145 : i32
    %mul3A_147 = arith.constant 632 : i32
    %mul3A_148 = arith.muli %arg1, %mul3A_147 : i32
    "tpu.region"() ({
      %run_scoped3A = tpu.sem_alloc : memref<!tpu.dma_semaphore, #tpu.memory_space<semaphore_mem>>
      %dma_start3A_149 = arith.constant 0 : i32
      %dma_start3A_150 = tpu.memref_slice %arg4[%arg0, %mul3A_148, %dma_start3A_149] : memref<2x10240x64xf32, #tpu.memory_space<hbm>> -> memref<1x632x64xf32, #tpu.memory_space<hbm>>
      %dma_start3A_151 = tpu.memref_squeeze %dma_start3A_150 : memref<1x632x64xf32, #tpu.memory_space<hbm>> -> memref<632x64xf32, #tpu.memory_space<hbm>>
      %dma_start3A_152 = arith.constant 0 : i32
      %dma_start3A_153 = tpu.memref_slice %arg11[%mul3A_146, %dma_start3A_152] : memref<10112x64xf32, #tpu.memory_space<vmem_shared>> -> memref<632x64xf32, #tpu.memory_space<vmem_shared>>
      tpu.enqueue_dma source(%dma_start3A_153 : memref<632x64xf32, #tpu.memory_space<vmem_shared>>) target(%dma_start3A_151 : memref<632x64xf32, #tpu.memory_space<hbm>>) target_semaphore(%run_scoped3A : memref<!tpu.dma_semaphore, #tpu.memory_space<semaphore_mem>>)
      %dma_wait3A_154 = arith.constant 0 : i32
      %dma_wait3A_155 = tpu.memref_slice %arg4[%arg0, %mul3A_148, %dma_wait3A_154] : memref<2x10240x64xf32, #tpu.memory_space<hbm>> -> memref<1x632x64xf32, #tpu.memory_space<hbm>>
      %dma_wait3A_156 = tpu.memref_squeeze %dma_wait3A_155 : memref<1x632x64xf32, #tpu.memory_space<hbm>> -> memref<632x64xf32, #tpu.memory_space<hbm>>
      %dma_wait3A_157 = arith.constant 0 : i32
      %dma_wait3A_158 = tpu.memref_slice %arg11[%mul3A_146, %dma_wait3A_157] : memref<10112x64xf32, #tpu.memory_space<vmem_shared>> -> memref<632x64xf32, #tpu.memory_space<vmem_shared>>
      tpu.wait_dma2 semaphore(%run_scoped3A : memref<!tpu.dma_semaphore, #tpu.memory_space<semaphore_mem>>) src(%dma_wait3A_158 : memref<632x64xf32, #tpu.memory_space<vmem_shared>>) dst(%dma_wait3A_156 : memref<632x64xf32, #tpu.memory_space<hbm>>)
      tpu.yield
    }) : () -> ()
    return
  }
}

#map = affine_map<(d0, d1) -> (0, 0)>
#map1 = affine_map<(d0, d1) -> (0, 0, 0)>
module attributes {stable_mosaic.version = 14 : i64} {
  func.func @seg_sum_kernel(%arg0: i32, %arg1: i32, %arg2: memref<10240x32xi32, #tpu.memory_space<hbm>>, %arg3: memref<2x2500x128xi32, #tpu.memory_space<hbm>>, %arg4: memref<2x10240x32xi32, #tpu.memory_space<hbm>>, %arg5: memref<79x128xi32, #tpu.memory_space<vmem>>, %arg6: memref<79x128xi32, #tpu.memory_space<vmem>>, %arg7: memref<128x32xi32, #tpu.memory_space<vmem>>, %arg8: memref<128x32xi32, #tpu.memory_space<vmem>>, %arg9: memref<128x32xi32, #tpu.memory_space<vmem>>, %arg10: memref<128x32xi32, #tpu.memory_space<vmem>>, %arg11: memref<128x32xi32, #tpu.memory_space<vmem>>, %arg12: memref<128x32xi32, #tpu.memory_space<vmem>>, %arg13: memref<10112x32xi32, #tpu.memory_space<vmem_shared>>, %arg14: memref<!tpu.dma_semaphore, #tpu.memory_space<semaphore_mem>>, %arg15: memref<!tpu.dma_semaphore, #tpu.memory_space<semaphore_mem>>, %arg16: memref<!tpu.dma_semaphore, #tpu.memory_space<semaphore_mem>>, %arg17: memref<!tpu.dma_semaphore, #tpu.memory_space<semaphore_mem>>, %arg18: memref<!tpu.dma_semaphore, #tpu.memory_space<semaphore_mem>>, %arg19: memref<!tpu.dma_semaphore, #tpu.memory_space<semaphore_mem>>, %arg20: memref<!tpu.dma_semaphore, #tpu.memory_space<semaphore_mem>>, %arg21: memref<!tpu.dma_semaphore, #tpu.memory_space<semaphore_mem>>, %arg22: memref<!tpu.dma_semaphore, #tpu.memory_space<semaphore_mem>>, %arg23: memref<!tpu.dma_semaphore, #tpu.memory_space<semaphore_mem>>, %arg24: memref<!tpu.dma_semaphore, #tpu.memory_space<semaphore_mem>>, %arg25: memref<!tpu.dma_semaphore, #tpu.memory_space<semaphore_mem>>, %arg26: memref<!tpu.dma_semaphore, #tpu.memory_space<semaphore_mem>>) attributes {dimension_semantics = [#tpu.dimension_semantics<core_parallel>, #tpu.dimension_semantics<subcore_parallel>], iteration_bounds = array<i64: 2, 16>, scalar_prefetch = 0 : i64, scratch_operands = 22 : i64, tpu.core_type = #tpu.core_type<sc_vector_subcore>, window_params = [{transform_indices = #map}, {transform_indices = #map1}, {transform_indices = #map1}]} {
    %mul3A = arith.constant 2 : i32
    %mul3A_0 = arith.muli %arg1, %mul3A : i32
    %add3A = arith.addi %mul3A_0, %arg0 : i32
    %lt3A = arith.constant 4 : i32
    %lt3A_1 = arith.cmpi slt, %add3A, %lt3A : i32
    %mul3A_2 = arith.constant 78 : i32
    %mul3A_3 = arith.muli %add3A, %mul3A_2 : i32
    %dma_start3A = arith.constant 0 : i32
    %dma_start3A_4 = arith.constant 0 : i32
    %dma_start3A_5 = arith.constant 0 : i32
    %dma_start3A_6 = tpu.memref_slice %arg5[%dma_start3A_4, %dma_start3A_5] : memref<79x128xi32, #tpu.memory_space<vmem>> -> memref<78x128xi32, #tpu.memory_space<vmem>>
    %dma_start3A_7 = arith.constant 0 : i32
    %dma_start3A_8 = tpu.memref_slice %arg3[%dma_start3A, %mul3A_3, %dma_start3A_7] : memref<2x2500x128xi32, #tpu.memory_space<hbm>> -> memref<1x78x128xi32, #tpu.memory_space<hbm>>
    %dma_start3A_9 = tpu.memref_squeeze %dma_start3A_8 : memref<1x78x128xi32, #tpu.memory_space<hbm>> -> memref<78x128xi32, #tpu.memory_space<hbm>>
    %dma_start3A_10 = arith.constant 0 : i32
    %dma_start3A_11 = arith.constant 0 : i32
    %dma_start3A_12 = tpu.memref_slice %arg5[%dma_start3A_10, %dma_start3A_11] : memref<79x128xi32, #tpu.memory_space<vmem>> -> memref<78x128xi32, #tpu.memory_space<vmem>>
    %dma_start3A_13 = arith.constant 0 : i32
    %dma_start3A_14 = tpu.memref_slice %arg3[%dma_start3A, %mul3A_3, %dma_start3A_13] : memref<2x2500x128xi32, #tpu.memory_space<hbm>> -> memref<1x78x128xi32, #tpu.memory_space<hbm>>
    %dma_start3A_15 = tpu.memref_squeeze %dma_start3A_14 : memref<1x78x128xi32, #tpu.memory_space<hbm>> -> memref<78x128xi32, #tpu.memory_space<hbm>>
    tpu.enqueue_dma source(%dma_start3A_15 : memref<78x128xi32, #tpu.memory_space<hbm>>) target(%dma_start3A_12 : memref<78x128xi32, #tpu.memory_space<vmem>>) target_semaphore(%arg14 : memref<!tpu.dma_semaphore, #tpu.memory_space<semaphore_mem>>)
    %mul3A_16 = arith.constant 78 : i32
    %mul3A_17 = arith.muli %add3A, %mul3A_16 : i32
    %dma_start3A_18 = arith.constant 1 : i32
    %dma_start3A_19 = arith.constant 0 : i32
    %dma_start3A_20 = arith.constant 0 : i32
    %dma_start3A_21 = tpu.memref_slice %arg6[%dma_start3A_19, %dma_start3A_20] : memref<79x128xi32, #tpu.memory_space<vmem>> -> memref<78x128xi32, #tpu.memory_space<vmem>>
    %dma_start3A_22 = arith.constant 0 : i32
    %dma_start3A_23 = tpu.memref_slice %arg3[%dma_start3A_18, %mul3A_17, %dma_start3A_22] : memref<2x2500x128xi32, #tpu.memory_space<hbm>> -> memref<1x78x128xi32, #tpu.memory_space<hbm>>
    %dma_start3A_24 = tpu.memref_squeeze %dma_start3A_23 : memref<1x78x128xi32, #tpu.memory_space<hbm>> -> memref<78x128xi32, #tpu.memory_space<hbm>>
    %dma_start3A_25 = arith.constant 0 : i32
    %dma_start3A_26 = arith.constant 0 : i32
    %dma_start3A_27 = tpu.memref_slice %arg6[%dma_start3A_25, %dma_start3A_26] : memref<79x128xi32, #tpu.memory_space<vmem>> -> memref<78x128xi32, #tpu.memory_space<vmem>>
    %dma_start3A_28 = arith.constant 0 : i32
    %dma_start3A_29 = tpu.memref_slice %arg3[%dma_start3A_18, %mul3A_17, %dma_start3A_28] : memref<2x2500x128xi32, #tpu.memory_space<hbm>> -> memref<1x78x128xi32, #tpu.memory_space<hbm>>
    %dma_start3A_30 = tpu.memref_squeeze %dma_start3A_29 : memref<1x78x128xi32, #tpu.memory_space<hbm>> -> memref<78x128xi32, #tpu.memory_space<hbm>>
    tpu.enqueue_dma source(%dma_start3A_30 : memref<78x128xi32, #tpu.memory_space<hbm>>) target(%dma_start3A_27 : memref<78x128xi32, #tpu.memory_space<vmem>>) target_semaphore(%arg14 : memref<!tpu.dma_semaphore, #tpu.memory_space<semaphore_mem>>)
    %convert_element_type3A = arith.extui %lt3A_1 : i1 to i32
    %cond3A = arith.constant 0 : i32
    %cond3A_31 = arith.cmpi ne, %convert_element_type3A, %cond3A : i32
    scf.if %cond3A_31 {
      %add3A_168 = arith.constant 2496 : i32
      %add3A_169 = arith.addi %add3A_168, %add3A : i32
      %dma_start3A_170 = arith.constant 0 : i32
      %dma_start3A_171 = arith.constant 78 : i32
      %dma_start3A_172 = arith.constant 0 : i32
      %dma_start3A_173 = tpu.memref_slice %arg5[%dma_start3A_171, %dma_start3A_172] : memref<79x128xi32, #tpu.memory_space<vmem>> -> memref<1x128xi32, #tpu.memory_space<vmem>>
      %dma_start3A_174 = arith.constant 0 : i32
      %dma_start3A_175 = tpu.memref_slice %arg3[%dma_start3A_170, %add3A_169, %dma_start3A_174] : memref<2x2500x128xi32, #tpu.memory_space<hbm>> -> memref<1x1x128xi32, #tpu.memory_space<hbm>>
      %dma_start3A_176 = tpu.memref_squeeze %dma_start3A_175 : memref<1x1x128xi32, #tpu.memory_space<hbm>> -> memref<1x128xi32, #tpu.memory_space<hbm>>
      %dma_start3A_177 = arith.constant 78 : i32
      %dma_start3A_178 = arith.constant 0 : i32
      %dma_start3A_179 = tpu.memref_slice %arg5[%dma_start3A_177, %dma_start3A_178] : memref<79x128xi32, #tpu.memory_space<vmem>> -> memref<1x128xi32, #tpu.memory_space<vmem>>
      %dma_start3A_180 = arith.constant 0 : i32
      %dma_start3A_181 = tpu.memref_slice %arg3[%dma_start3A_170, %add3A_169, %dma_start3A_180] : memref<2x2500x128xi32, #tpu.memory_space<hbm>> -> memref<1x1x128xi32, #tpu.memory_space<hbm>>
      %dma_start3A_182 = tpu.memref_squeeze %dma_start3A_181 : memref<1x1x128xi32, #tpu.memory_space<hbm>> -> memref<1x128xi32, #tpu.memory_space<hbm>>
      tpu.enqueue_dma source(%dma_start3A_182 : memref<1x128xi32, #tpu.memory_space<hbm>>) target(%dma_start3A_179 : memref<1x128xi32, #tpu.memory_space<vmem>>) target_semaphore(%arg14 : memref<!tpu.dma_semaphore, #tpu.memory_space<semaphore_mem>>)
      %add3A_183 = arith.constant 2496 : i32
      %add3A_184 = arith.addi %add3A_183, %add3A : i32
      %dma_start3A_185 = arith.constant 1 : i32
      %dma_start3A_186 = arith.constant 78 : i32
      %dma_start3A_187 = arith.constant 0 : i32
      %dma_start3A_188 = tpu.memref_slice %arg6[%dma_start3A_186, %dma_start3A_187] : memref<79x128xi32, #tpu.memory_space<vmem>> -> memref<1x128xi32, #tpu.memory_space<vmem>>
      %dma_start3A_189 = arith.constant 0 : i32
      %dma_start3A_190 = tpu.memref_slice %arg3[%dma_start3A_185, %add3A_184, %dma_start3A_189] : memref<2x2500x128xi32, #tpu.memory_space<hbm>> -> memref<1x1x128xi32, #tpu.memory_space<hbm>>
      %dma_start3A_191 = tpu.memref_squeeze %dma_start3A_190 : memref<1x1x128xi32, #tpu.memory_space<hbm>> -> memref<1x128xi32, #tpu.memory_space<hbm>>
      %dma_start3A_192 = arith.constant 78 : i32
      %dma_start3A_193 = arith.constant 0 : i32
      %dma_start3A_194 = tpu.memref_slice %arg6[%dma_start3A_192, %dma_start3A_193] : memref<79x128xi32, #tpu.memory_space<vmem>> -> memref<1x128xi32, #tpu.memory_space<vmem>>
      %dma_start3A_195 = arith.constant 0 : i32
      %dma_start3A_196 = tpu.memref_slice %arg3[%dma_start3A_185, %add3A_184, %dma_start3A_195] : memref<2x2500x128xi32, #tpu.memory_space<hbm>> -> memref<1x1x128xi32, #tpu.memory_space<hbm>>
      %dma_start3A_197 = tpu.memref_squeeze %dma_start3A_196 : memref<1x1x128xi32, #tpu.memory_space<hbm>> -> memref<1x128xi32, #tpu.memory_space<hbm>>
      tpu.enqueue_dma source(%dma_start3A_197 : memref<1x128xi32, #tpu.memory_space<hbm>>) target(%dma_start3A_194 : memref<1x128xi32, #tpu.memory_space<vmem>>) target_semaphore(%arg14 : memref<!tpu.dma_semaphore, #tpu.memory_space<semaphore_mem>>)
    } else {
    }
    %broadcast_in_dim3A = arith.constant 0 : i32
    %broadcast_in_dim3A_32 = vector.broadcast %broadcast_in_dim3A : i32 to vector<16xi32>
    %scan3A = arith.constant 0 : i32
    %scan3A_33 = arith.constant 128 : i32
    %scan3A_34 = arith.addi %scan3A, %scan3A_33 : i32
    %scan3A_35 = arith.constant 1 : i32
    scf.for %scan3A_168 = %scan3A to %scan3A_34 step %scan3A_35  : i32 {
      %mul3A_169 = arith.constant 1 : i32
      %mul3A_170 = arith.muli %scan3A_168, %mul3A_169 : i32
      %add3A_171 = arith.constant 0 : i32
      %add3A_172 = arith.addi %add3A_171, %mul3A_170 : i32
      %swap3A = arith.index_cast %add3A_172 : i32 to index
      %swap3A_173 = arith.constant 0 : index
      %swap3A_174 = tpu.vector_load %arg7[%swap3A, %swap3A_173] {strides = array<i32>} : memref<128x32xi32, #tpu.memory_space<vmem>>, vector<1x16xi32>,
      %swap3A_175 = vector.shape_cast %swap3A_174 : vector<1x16xi32> to vector<16xi32>
      %swap3A_176 = vector.shape_cast %broadcast_in_dim3A_32 : vector<16xi32> to vector<1x16xi32>
      tpu.vector_store %arg7[%swap3A, %swap3A_173], %swap3A_176 {strides = array<i32>} : memref<128x32xi32, #tpu.memory_space<vmem>>, vector<1x16xi32>,
      %swap3A_177 = arith.index_cast %add3A_172 : i32 to index
      %swap3A_178 = arith.constant 16 : index
      %swap3A_179 = tpu.vector_load %arg7[%swap3A_177, %swap3A_178] {strides = array<i32>} : memref<128x32xi32, #tpu.memory_space<vmem>>, vector<1x16xi32>,
      %swap3A_180 = vector.shape_cast %swap3A_179 : vector<1x16xi32> to vector<16xi32>
      %swap3A_181 = vector.shape_cast %broadcast_in_dim3A_32 : vector<16xi32> to vector<1x16xi32>
      tpu.vector_store %arg7[%swap3A_177, %swap3A_178], %swap3A_181 {strides = array<i32>} : memref<128x32xi32, #tpu.memory_space<vmem>>, vector<1x16xi32>,
    }
    %scan3A_36 = arith.constant 128 : i32
    %scan3A_37 = arith.constant 0 : i32
    %scan3A_38 = arith.constant 4 : i32
    %scan3A_39 = arith.addi %scan3A_37, %scan3A_38 : i32
    %scan3A_40 = arith.constant 1 : i32
    scf.for %scan3A_168 = %scan3A_37 to %scan3A_39 step %scan3A_40  : i32 {
      %mul3A_169 = arith.constant 1 : i32
      %mul3A_170 = arith.muli %scan3A_168, %mul3A_169 : i32
      %add3A_171 = arith.constant 0 : i32
      %add3A_172 = arith.addi %add3A_171, %mul3A_170 : i32
      %mul3A_173 = arith.constant 632 : i32
      %mul3A_174 = arith.muli %arg1, %mul3A_173 : i32
      %mul3A_175 = arith.constant 128 : i32
      %mul3A_176 = arith.muli %add3A_172, %mul3A_175 : i32
      %add3A_177 = arith.addi %mul3A_174, %mul3A_176 : i32
      "tpu.region"() ({
        %run_scoped3A = tpu.sem_alloc : memref<!tpu.dma_semaphore, #tpu.memory_space<semaphore_mem>>
        %dma_start3A_178 = arith.constant 0 : i32
        %dma_start3A_179 = tpu.memref_slice %arg13[%add3A_177, %dma_start3A_178] : memref<10112x32xi32, #tpu.memory_space<vmem_shared>> -> memref<128x32xi32, #tpu.memory_space<vmem_shared>>
        %dma_start3A_180 = arith.constant 0 : i32
        %dma_start3A_181 = tpu.memref_slice %arg13[%add3A_177, %dma_start3A_180] : memref<10112x32xi32, #tpu.memory_space<vmem_shared>> -> memref<128x32xi32, #tpu.memory_space<vmem_shared>>
        tpu.enqueue_dma source(%arg7 : memref<128x32xi32, #tpu.memory_space<vmem>>) target(%dma_start3A_181 : memref<128x32xi32, #tpu.memory_space<vmem_shared>>) target_semaphore(%run_scoped3A : memref<!tpu.dma_semaphore, #tpu.memory_space<semaphore_mem>>)
        %dma_wait3A_182 = arith.constant 0 : i32
        %dma_wait3A_183 = tpu.memref_slice %arg13[%add3A_177, %dma_wait3A_182] : memref<10112x32xi32, #tpu.memory_space<vmem_shared>> -> memref<128x32xi32, #tpu.memory_space<vmem_shared>>
        %dma_wait3A_184 = arith.constant 0 : i32
        %dma_wait3A_185 = tpu.memref_slice %arg13[%add3A_177, %dma_wait3A_184] : memref<10112x32xi32, #tpu.memory_space<vmem_shared>> -> memref<128x32xi32, #tpu.memory_space<vmem_shared>>
        tpu.wait_dma2 semaphore(%run_scoped3A : memref<!tpu.dma_semaphore, #tpu.memory_space<semaphore_mem>>) src(%arg7 : memref<128x32xi32, #tpu.memory_space<vmem>>) dst(%dma_wait3A_185 : memref<128x32xi32, #tpu.memory_space<vmem_shared>>)
        tpu.yield
      }) : () -> ()
    }
    %scan3A_41 = arith.constant 4 : i32
    %mul3A_42 = arith.constant 632 : i32
    %mul3A_43 = arith.muli %arg1, %mul3A_42 : i32
    %add3A_44 = arith.constant 512 : i32
    %add3A_45 = arith.addi %mul3A_43, %add3A_44 : i32
    "tpu.region"() ({
      %run_scoped3A = tpu.sem_alloc : memref<!tpu.dma_semaphore, #tpu.memory_space<semaphore_mem>>
      %dma_start3A_168 = arith.constant 0 : i32
      %dma_start3A_169 = arith.constant 0 : i32
      %dma_start3A_170 = tpu.memref_slice %arg7[%dma_start3A_168, %dma_start3A_169] : memref<128x32xi32, #tpu.memory_space<vmem>> -> memref<120x32xi32, #tpu.memory_space<vmem>>
      %dma_start3A_171 = arith.constant 0 : i32
      %dma_start3A_172 = tpu.memref_slice %arg13[%add3A_45, %dma_start3A_171] : memref<10112x32xi32, #tpu.memory_space<vmem_shared>> -> memref<120x32xi32, #tpu.memory_space<vmem_shared>>
      %dma_start3A_173 = arith.constant 0 : i32
      %dma_start3A_174 = tpu.memref_slice %arg13[%add3A_45, %dma_start3A_173] : memref<10112x32xi32, #tpu.memory_space<vmem_shared>> -> memref<120x32xi32, #tpu.memory_space<vmem_shared>>
      %dma_start3A_175 = arith.constant 0 : i32
      %dma_start3A_176 = arith.constant 0 : i32
      %dma_start3A_177 = tpu.memref_slice %arg7[%dma_start3A_175, %dma_start3A_176] : memref<128x32xi32, #tpu.memory_space<vmem>> -> memref<120x32xi32, #tpu.memory_space<vmem>>
      tpu.enqueue_dma source(%dma_start3A_177 : memref<120x32xi32, #tpu.memory_space<vmem>>) target(%dma_start3A_174 : memref<120x32xi32, #tpu.memory_space<vmem_shared>>) target_semaphore(%run_scoped3A : memref<!tpu.dma_semaphore, #tpu.memory_space<semaphore_mem>>)
      %dma_wait3A_178 = arith.constant 0 : i32
      %dma_wait3A_179 = arith.constant 0 : i32
      %dma_wait3A_180 = tpu.memref_slice %arg7[%dma_wait3A_178, %dma_wait3A_179] : memref<128x32xi32, #tpu.memory_space<vmem>> -> memref<120x32xi32, #tpu.memory_space<vmem>>
      %dma_wait3A_181 = arith.constant 0 : i32
      %dma_wait3A_182 = tpu.memref_slice %arg13[%add3A_45, %dma_wait3A_181] : memref<10112x32xi32, #tpu.memory_space<vmem_shared>> -> memref<120x32xi32, #tpu.memory_space<vmem_shared>>
      %dma_wait3A_183 = arith.constant 0 : i32
      %dma_wait3A_184 = tpu.memref_slice %arg13[%add3A_45, %dma_wait3A_183] : memref<10112x32xi32, #tpu.memory_space<vmem_shared>> -> memref<120x32xi32, #tpu.memory_space<vmem_shared>>
      %dma_wait3A_185 = arith.constant 0 : i32
      %dma_wait3A_186 = arith.constant 0 : i32
      %dma_wait3A_187 = tpu.memref_slice %arg7[%dma_wait3A_185, %dma_wait3A_186] : memref<128x32xi32, #tpu.memory_space<vmem>> -> memref<120x32xi32, #tpu.memory_space<vmem>>
      tpu.wait_dma2 semaphore(%run_scoped3A : memref<!tpu.dma_semaphore, #tpu.memory_space<semaphore_mem>>) src(%dma_wait3A_187 : memref<120x32xi32, #tpu.memory_space<vmem>>) dst(%dma_wait3A_184 : memref<120x32xi32, #tpu.memory_space<vmem_shared>>)
      tpu.yield
    }) : () -> ()
    %mul3A_46 = arith.constant 78 : i32
    %mul3A_47 = arith.muli %add3A, %mul3A_46 : i32
    %dma_wait3A = arith.constant 0 : i32
    %dma_wait3A_48 = arith.constant 0 : i32
    %dma_wait3A_49 = arith.constant 0 : i32
    %dma_wait3A_50 = tpu.memref_slice %arg5[%dma_wait3A_48, %dma_wait3A_49] : memref<79x128xi32, #tpu.memory_space<vmem>> -> memref<78x128xi32, #tpu.memory_space<vmem>>
    %dma_wait3A_51 = arith.constant 0 : i32
    %dma_wait3A_52 = tpu.memref_slice %arg3[%dma_wait3A, %mul3A_47, %dma_wait3A_51] : memref<2x2500x128xi32, #tpu.memory_space<hbm>> -> memref<1x78x128xi32, #tpu.memory_space<hbm>>
    %dma_wait3A_53 = tpu.memref_squeeze %dma_wait3A_52 : memref<1x78x128xi32, #tpu.memory_space<hbm>> -> memref<78x128xi32, #tpu.memory_space<hbm>>
    %dma_wait3A_54 = arith.constant 0 : i32
    %dma_wait3A_55 = arith.constant 0 : i32
    %dma_wait3A_56 = tpu.memref_slice %arg5[%dma_wait3A_54, %dma_wait3A_55] : memref<79x128xi32, #tpu.memory_space<vmem>> -> memref<78x128xi32, #tpu.memory_space<vmem>>
    %dma_wait3A_57 = arith.constant 0 : i32
    %dma_wait3A_58 = tpu.memref_slice %arg3[%dma_wait3A, %mul3A_47, %dma_wait3A_57] : memref<2x2500x128xi32, #tpu.memory_space<hbm>> -> memref<1x78x128xi32, #tpu.memory_space<hbm>>
    %dma_wait3A_59 = tpu.memref_squeeze %dma_wait3A_58 : memref<1x78x128xi32, #tpu.memory_space<hbm>> -> memref<78x128xi32, #tpu.memory_space<hbm>>
    tpu.wait_dma2 semaphore(%arg14 : memref<!tpu.dma_semaphore, #tpu.memory_space<semaphore_mem>>) src(%dma_wait3A_59 : memref<78x128xi32, #tpu.memory_space<hbm>>) dst(%dma_wait3A_56 : memref<78x128xi32, #tpu.memory_space<vmem>>)
    %mul3A_60 = arith.constant 78 : i32
    %mul3A_61 = arith.muli %add3A, %mul3A_60 : i32
    %dma_wait3A_62 = arith.constant 1 : i32
    %dma_wait3A_63 = arith.constant 0 : i32
    %dma_wait3A_64 = arith.constant 0 : i32
    %dma_wait3A_65 = tpu.memref_slice %arg6[%dma_wait3A_63, %dma_wait3A_64] : memref<79x128xi32, #tpu.memory_space<vmem>> -> memref<78x128xi32, #tpu.memory_space<vmem>>
    %dma_wait3A_66 = arith.constant 0 : i32
    %dma_wait3A_67 = tpu.memref_slice %arg3[%dma_wait3A_62, %mul3A_61, %dma_wait3A_66] : memref<2x2500x128xi32, #tpu.memory_space<hbm>> -> memref<1x78x128xi32, #tpu.memory_space<hbm>>
    %dma_wait3A_68 = tpu.memref_squeeze %dma_wait3A_67 : memref<1x78x128xi32, #tpu.memory_space<hbm>> -> memref<78x128xi32, #tpu.memory_space<hbm>>
    %dma_wait3A_69 = arith.constant 0 : i32
    %dma_wait3A_70 = arith.constant 0 : i32
    %dma_wait3A_71 = tpu.memref_slice %arg6[%dma_wait3A_69, %dma_wait3A_70] : memref<79x128xi32, #tpu.memory_space<vmem>> -> memref<78x128xi32, #tpu.memory_space<vmem>>
    %dma_wait3A_72 = arith.constant 0 : i32
    %dma_wait3A_73 = tpu.memref_slice %arg3[%dma_wait3A_62, %mul3A_61, %dma_wait3A_72] : memref<2x2500x128xi32, #tpu.memory_space<hbm>> -> memref<1x78x128xi32, #tpu.memory_space<hbm>>
    %dma_wait3A_74 = tpu.memref_squeeze %dma_wait3A_73 : memref<1x78x128xi32, #tpu.memory_space<hbm>> -> memref<78x128xi32, #tpu.memory_space<hbm>>
    tpu.wait_dma2 semaphore(%arg14 : memref<!tpu.dma_semaphore, #tpu.memory_space<semaphore_mem>>) src(%dma_wait3A_74 : memref<78x128xi32, #tpu.memory_space<hbm>>) dst(%dma_wait3A_71 : memref<78x128xi32, #tpu.memory_space<vmem>>)
    %convert_element_type3A_75 = arith.extui %lt3A_1 : i1 to i32
    %cond3A_76 = arith.constant 0 : i32
    %cond3A_77 = arith.cmpi ne, %convert_element_type3A_75, %cond3A_76 : i32
    scf.if %cond3A_77 {
      %add3A_168 = arith.constant 2496 : i32
      %add3A_169 = arith.addi %add3A_168, %add3A : i32
      %dma_wait3A_170 = arith.constant 0 : i32
      %dma_wait3A_171 = arith.constant 78 : i32
      %dma_wait3A_172 = arith.constant 0 : i32
      %dma_wait3A_173 = tpu.memref_slice %arg5[%dma_wait3A_171, %dma_wait3A_172] : memref<79x128xi32, #tpu.memory_space<vmem>> -> memref<1x128xi32, #tpu.memory_space<vmem>>
      %dma_wait3A_174 = arith.constant 0 : i32
      %dma_wait3A_175 = tpu.memref_slice %arg3[%dma_wait3A_170, %add3A_169, %dma_wait3A_174] : memref<2x2500x128xi32, #tpu.memory_space<hbm>> -> memref<1x1x128xi32, #tpu.memory_space<hbm>>
      %dma_wait3A_176 = tpu.memref_squeeze %dma_wait3A_175 : memref<1x1x128xi32, #tpu.memory_space<hbm>> -> memref<1x128xi32, #tpu.memory_space<hbm>>
      %dma_wait3A_177 = arith.constant 78 : i32
      %dma_wait3A_178 = arith.constant 0 : i32
      %dma_wait3A_179 = tpu.memref_slice %arg5[%dma_wait3A_177, %dma_wait3A_178] : memref<79x128xi32, #tpu.memory_space<vmem>> -> memref<1x128xi32, #tpu.memory_space<vmem>>
      %dma_wait3A_180 = arith.constant 0 : i32
      %dma_wait3A_181 = tpu.memref_slice %arg3[%dma_wait3A_170, %add3A_169, %dma_wait3A_180] : memref<2x2500x128xi32, #tpu.memory_space<hbm>> -> memref<1x1x128xi32, #tpu.memory_space<hbm>>
      %dma_wait3A_182 = tpu.memref_squeeze %dma_wait3A_181 : memref<1x1x128xi32, #tpu.memory_space<hbm>> -> memref<1x128xi32, #tpu.memory_space<hbm>>
      tpu.wait_dma2 semaphore(%arg14 : memref<!tpu.dma_semaphore, #tpu.memory_space<semaphore_mem>>) src(%dma_wait3A_182 : memref<1x128xi32, #tpu.memory_space<hbm>>) dst(%dma_wait3A_179 : memref<1x128xi32, #tpu.memory_space<vmem>>)
      %add3A_183 = arith.constant 2496 : i32
      %add3A_184 = arith.addi %add3A_183, %add3A : i32
      %dma_wait3A_185 = arith.constant 1 : i32
      %dma_wait3A_186 = arith.constant 78 : i32
      %dma_wait3A_187 = arith.constant 0 : i32
      %dma_wait3A_188 = tpu.memref_slice %arg6[%dma_wait3A_186, %dma_wait3A_187] : memref<79x128xi32, #tpu.memory_space<vmem>> -> memref<1x128xi32, #tpu.memory_space<vmem>>
      %dma_wait3A_189 = arith.constant 0 : i32
      %dma_wait3A_190 = tpu.memref_slice %arg3[%dma_wait3A_185, %add3A_184, %dma_wait3A_189] : memref<2x2500x128xi32, #tpu.memory_space<hbm>> -> memref<1x1x128xi32, #tpu.memory_space<hbm>>
      %dma_wait3A_191 = tpu.memref_squeeze %dma_wait3A_190 : memref<1x1x128xi32, #tpu.memory_space<hbm>> -> memref<1x128xi32, #tpu.memory_space<hbm>>
      %dma_wait3A_192 = arith.constant 78 : i32
      %dma_wait3A_193 = arith.constant 0 : i32
      %dma_wait3A_194 = tpu.memref_slice %arg6[%dma_wait3A_192, %dma_wait3A_193] : memref<79x128xi32, #tpu.memory_space<vmem>> -> memref<1x128xi32, #tpu.memory_space<vmem>>
      %dma_wait3A_195 = arith.constant 0 : i32
      %dma_wait3A_196 = tpu.memref_slice %arg3[%dma_wait3A_185, %add3A_184, %dma_wait3A_195] : memref<2x2500x128xi32, #tpu.memory_space<hbm>> -> memref<1x1x128xi32, #tpu.memory_space<hbm>>
      %dma_wait3A_197 = tpu.memref_squeeze %dma_wait3A_196 : memref<1x1x128xi32, #tpu.memory_space<hbm>> -> memref<1x128xi32, #tpu.memory_space<hbm>>
      tpu.wait_dma2 semaphore(%arg14 : memref<!tpu.dma_semaphore, #tpu.memory_space<semaphore_mem>>) src(%dma_wait3A_197 : memref<1x128xi32, #tpu.memory_space<hbm>>) dst(%dma_wait3A_194 : memref<1x128xi32, #tpu.memory_space<vmem>>)
    } else {
    }
    %barrier3A = arith.constant 0 : index
    tpu.barrier barrier_id(%barrier3A)
    %dma_start3A_78 = arith.constant 0 : i32
    %dma_start3A_79 = arith.constant 0 : i32
    %dma_start3A_80 = tpu.memref_slice %arg5[%dma_start3A_78, %dma_start3A_79] : memref<79x128xi32, #tpu.memory_space<vmem>> -> memref<1x128xi32, #tpu.memory_space<vmem>>
    %dma_start3A_81 = tpu.memref_squeeze %dma_start3A_80 : memref<1x128xi32, #tpu.memory_space<vmem>> -> memref<128xi32, #tpu.memory_space<vmem>>
    %dma_start3A_82 = arith.constant 0 : i32
    %dma_start3A_83 = arith.constant 0 : i32
    %dma_start3A_84 = tpu.memref_slice %arg2[%dma_start3A_82, %dma_start3A_83] : memref<10240x32xi32, #tpu.memory_space<hbm>> -> memref<10240x32xi32, #tpu.memory_space<hbm>>
    tpu.enqueue_indirect_dma source(%dma_start3A_84 : memref<10240x32xi32, #tpu.memory_space<hbm>>) target(%arg7 : memref<128x32xi32, #tpu.memory_space<vmem>>) offsets(%dma_start3A_81 : memref<128xi32, #tpu.memory_space<vmem>>) semaphore(%arg15 : memref<!tpu.dma_semaphore, #tpu.memory_space<semaphore_mem>>)
    %dma_start3A_85 = arith.constant 1 : i32
    %dma_start3A_86 = arith.constant 0 : i32
    %dma_start3A_87 = tpu.memref_slice %arg5[%dma_start3A_85, %dma_start3A_86] : memref<79x128xi32, #tpu.memory_space<vmem>> -> memref<1x128xi32, #tpu.memory_space<vmem>>
    %dma_start3A_88 = tpu.memref_squeeze %dma_start3A_87 : memref<1x128xi32, #tpu.memory_space<vmem>> -> memref<128xi32, #tpu.memory_space<vmem>>
    %dma_start3A_89 = arith.constant 0 : i32
    %dma_start3A_90 = arith.constant 0 : i32
    %dma_start3A_91 = tpu.memref_slice %arg2[%dma_start3A_89, %dma_start3A_90] : memref<10240x32xi32, #tpu.memory_space<hbm>> -> memref<10240x32xi32, #tpu.memory_space<hbm>>
    tpu.enqueue_indirect_dma source(%dma_start3A_91 : memref<10240x32xi32, #tpu.memory_space<hbm>>) target(%arg8 : memref<128x32xi32, #tpu.memory_space<vmem>>) offsets(%dma_start3A_88 : memref<128xi32, #tpu.memory_space<vmem>>) semaphore(%arg16 : memref<!tpu.dma_semaphore, #tpu.memory_space<semaphore_mem>>)
    %dma_start3A_92 = arith.constant 2 : i32
    %dma_start3A_93 = arith.constant 0 : i32
    %dma_start3A_94 = tpu.memref_slice %arg5[%dma_start3A_92, %dma_start3A_93] : memref<79x128xi32, #tpu.memory_space<vmem>> -> memref<1x128xi32, #tpu.memory_space<vmem>>
    %dma_start3A_95 = tpu.memref_squeeze %dma_start3A_94 : memref<1x128xi32, #tpu.memory_space<vmem>> -> memref<128xi32, #tpu.memory_space<vmem>>
    %dma_start3A_96 = arith.constant 0 : i32
    %dma_start3A_97 = arith.constant 0 : i32
    %dma_start3A_98 = tpu.memref_slice %arg2[%dma_start3A_96, %dma_start3A_97] : memref<10240x32xi32, #tpu.memory_space<hbm>> -> memref<10240x32xi32, #tpu.memory_space<hbm>>
    tpu.enqueue_indirect_dma source(%dma_start3A_98 : memref<10240x32xi32, #tpu.memory_space<hbm>>) target(%arg9 : memref<128x32xi32, #tpu.memory_space<vmem>>) offsets(%dma_start3A_95 : memref<128xi32, #tpu.memory_space<vmem>>) semaphore(%arg17 : memref<!tpu.dma_semaphore, #tpu.memory_space<semaphore_mem>>)
    %dma_start3A_99 = arith.constant 3 : i32
    %dma_start3A_100 = arith.constant 0 : i32
    %dma_start3A_101 = tpu.memref_slice %arg5[%dma_start3A_99, %dma_start3A_100] : memref<79x128xi32, #tpu.memory_space<vmem>> -> memref<1x128xi32, #tpu.memory_space<vmem>>
    %dma_start3A_102 = tpu.memref_squeeze %dma_start3A_101 : memref<1x128xi32, #tpu.memory_space<vmem>> -> memref<128xi32, #tpu.memory_space<vmem>>
    %dma_start3A_103 = arith.constant 0 : i32
    %dma_start3A_104 = arith.constant 0 : i32
    %dma_start3A_105 = tpu.memref_slice %arg2[%dma_start3A_103, %dma_start3A_104] : memref<10240x32xi32, #tpu.memory_space<hbm>> -> memref<10240x32xi32, #tpu.memory_space<hbm>>
    tpu.enqueue_indirect_dma source(%dma_start3A_105 : memref<10240x32xi32, #tpu.memory_space<hbm>>) target(%arg10 : memref<128x32xi32, #tpu.memory_space<vmem>>) offsets(%dma_start3A_102 : memref<128xi32, #tpu.memory_space<vmem>>) semaphore(%arg18 : memref<!tpu.dma_semaphore, #tpu.memory_space<semaphore_mem>>)
    %dma_start3A_106 = arith.constant 4 : i32
    %dma_start3A_107 = arith.constant 0 : i32
    %dma_start3A_108 = tpu.memref_slice %arg5[%dma_start3A_106, %dma_start3A_107] : memref<79x128xi32, #tpu.memory_space<vmem>> -> memref<1x128xi32, #tpu.memory_space<vmem>>
    %dma_start3A_109 = tpu.memref_squeeze %dma_start3A_108 : memref<1x128xi32, #tpu.memory_space<vmem>> -> memref<128xi32, #tpu.memory_space<vmem>>
    %dma_start3A_110 = arith.constant 0 : i32
    %dma_start3A_111 = arith.constant 0 : i32
    %dma_start3A_112 = tpu.memref_slice %arg2[%dma_start3A_110, %dma_start3A_111] : memref<10240x32xi32, #tpu.memory_space<hbm>> -> memref<10240x32xi32, #tpu.memory_space<hbm>>
    tpu.enqueue_indirect_dma source(%dma_start3A_112 : memref<10240x32xi32, #tpu.memory_space<hbm>>) target(%arg11 : memref<128x32xi32, #tpu.memory_space<vmem>>) offsets(%dma_start3A_109 : memref<128xi32, #tpu.memory_space<vmem>>) semaphore(%arg19 : memref<!tpu.dma_semaphore, #tpu.memory_space<semaphore_mem>>)
    %scan3A_113 = arith.constant 0 : i32
    %scan3A_114 = arith.constant 13 : i32
    %scan3A_115 = arith.addi %scan3A_113, %scan3A_114 : i32
    %scan3A_116 = arith.constant 1 : i32
    scf.for %scan3A_168 = %scan3A_113 to %scan3A_115 step %scan3A_116  : i32 {
      %mul3A_169 = arith.constant 1 : i32
      %mul3A_170 = arith.muli %scan3A_168, %mul3A_169 : i32
      %add3A_171 = arith.constant 0 : i32
      %add3A_172 = arith.addi %add3A_171, %mul3A_170 : i32
      %mul3A_173 = arith.constant 6 : i32
      %mul3A_174 = arith.muli %add3A_172, %mul3A_173 : i32
      %add3A_175 = arith.constant 0 : i32
      %add3A_176 = arith.addi %mul3A_174, %add3A_175 : i32
      %add3A_177 = arith.constant 6 : i32
      %add3A_178 = arith.addi %add3A_176, %add3A_177 : i32
      %sub3A = arith.constant 1 : i32
      %sub3A_179 = arith.subi %add3A_178, %sub3A : i32
      %lt3A_180 = arith.constant 78 : i32
      %lt3A_181 = arith.cmpi slt, %sub3A_179, %lt3A_180 : i32
      %convert_element_type3A_182 = arith.extui %lt3A_181 : i1 to i32
      %cond3A_183 = arith.constant 0 : i32
      %cond3A_184 = arith.cmpi ne, %convert_element_type3A_182, %cond3A_183 : i32
      scf.if %cond3A_184 {
        %ge3A = arith.constant 1 : i32
        %ge3A_322 = arith.cmpi sge, %add3A_176, %ge3A : i32
        %convert_element_type3A_323 = arith.extui %ge3A_322 : i1 to i32
        %cond3A_324 = arith.constant 0 : i32
        %cond3A_325 = arith.cmpi ne, %convert_element_type3A_323, %cond3A_324 : i32
        scf.if %cond3A_325 {
          %sub3A_336 = arith.constant 1 : i32
          %sub3A_337 = arith.subi %add3A_176, %sub3A_336 : i32
          %dma_wait3A_338 = arith.constant 0 : i32
          %dma_wait3A_339 = tpu.memref_slice %arg6[%sub3A_337, %dma_wait3A_338] : memref<79x128xi32, #tpu.memory_space<vmem>> -> memref<1x128xi32, #tpu.memory_space<vmem>>
          %dma_wait3A_340 = tpu.memref_squeeze %dma_wait3A_339 : memref<1x128xi32, #tpu.memory_space<vmem>> -> memref<128xi32, #tpu.memory_space<vmem>>
          %dma_wait3A_341 = arith.constant 0 : i32
          %dma_wait3A_342 = arith.constant 0 : i32
          %dma_wait3A_343 = tpu.memref_slice %arg13[%dma_wait3A_341, %dma_wait3A_342] : memref<10112x32xi32, #tpu.memory_space<vmem_shared>> -> memref<10112x32xi32, #tpu.memory_space<vmem_shared>>
          tpu.wait_indirect_dma semaphore(%arg26 : memref<!tpu.dma_semaphore, #tpu.memory_space<semaphore_mem>>) src(%arg12 : memref<128x32xi32, #tpu.memory_space<vmem>>) dst(%dma_wait3A_343 : memref<10112x32xi32, #tpu.memory_space<vmem_shared>>)
        } else {
        }
        %add3A_326 = arith.constant 6 : i32
        %add3A_327 = arith.addi %add3A_176, %add3A_326 : i32
        %sub3A_328 = arith.constant 1 : i32
        %sub3A_329 = arith.subi %add3A_327, %sub3A_328 : i32
        %dma_start3A_330 = arith.constant 0 : i32
        %dma_start3A_331 = tpu.memref_slice %arg5[%sub3A_329, %dma_start3A_330] : memref<79x128xi32, #tpu.memory_space<vmem>> -> memref<1x128xi32, #tpu.memory_space<vmem>>
        %dma_start3A_332 = tpu.memref_squeeze %dma_start3A_331 : memref<1x128xi32, #tpu.memory_space<vmem>> -> memref<128xi32, #tpu.memory_space<vmem>>
        %dma_start3A_333 = arith.constant 0 : i32
        %dma_start3A_334 = arith.constant 0 : i32
        %dma_start3A_335 = tpu.memref_slice %arg2[%dma_start3A_333, %dma_start3A_334] : memref<10240x32xi32, #tpu.memory_space<hbm>> -> memref<10240x32xi32, #tpu.memory_space<hbm>>
        tpu.enqueue_indirect_dma source(%dma_start3A_335 : memref<10240x32xi32, #tpu.memory_space<hbm>>) target(%arg12 : memref<128x32xi32, #tpu.memory_space<vmem>>) offsets(%dma_start3A_332 : memref<128xi32, #tpu.memory_space<vmem>>) semaphore(%arg20 : memref<!tpu.dma_semaphore, #tpu.memory_space<semaphore_mem>>)
      } else {
      }
      %dma_wait3A_185 = arith.constant 0 : i32
      %dma_wait3A_186 = tpu.memref_slice %arg5[%add3A_176, %dma_wait3A_185] : memref<79x128xi32, #tpu.memory_space<vmem>> -> memref<1x128xi32, #tpu.memory_space<vmem>>
      %dma_wait3A_187 = tpu.memref_squeeze %dma_wait3A_186 : memref<1x128xi32, #tpu.memory_space<vmem>> -> memref<128xi32, #tpu.memory_space<vmem>>
      %dma_wait3A_188 = arith.constant 0 : i32
      %dma_wait3A_189 = arith.constant 0 : i32
      %dma_wait3A_190 = tpu.memref_slice %arg2[%dma_wait3A_188, %dma_wait3A_189] : memref<10240x32xi32, #tpu.memory_space<hbm>> -> memref<10240x32xi32, #tpu.memory_space<hbm>>
      tpu.wait_indirect_dma semaphore(%arg15 : memref<!tpu.dma_semaphore, #tpu.memory_space<semaphore_mem>>) src(%dma_wait3A_190 : memref<10240x32xi32, #tpu.memory_space<hbm>>) dst(%arg7 : memref<128x32xi32, #tpu.memory_space<vmem>>)
      %dma_start3A_191 = arith.constant 0 : i32
      %dma_start3A_192 = tpu.memref_slice %arg6[%add3A_176, %dma_start3A_191] : memref<79x128xi32, #tpu.memory_space<vmem>> -> memref<1x128xi32, #tpu.memory_space<vmem>>
      %dma_start3A_193 = tpu.memref_squeeze %dma_start3A_192 : memref<1x128xi32, #tpu.memory_space<vmem>> -> memref<128xi32, #tpu.memory_space<vmem>>
      %dma_start3A_194 = arith.constant 0 : i32
      %dma_start3A_195 = arith.constant 0 : i32
      %dma_start3A_196 = tpu.memref_slice %arg13[%dma_start3A_194, %dma_start3A_195] : memref<10112x32xi32, #tpu.memory_space<vmem_shared>> -> memref<10112x32xi32, #tpu.memory_space<vmem_shared>>
      tpu.enqueue_indirect_dma source(%arg7 : memref<128x32xi32, #tpu.memory_space<vmem>>) target(%dma_start3A_196 : memref<10112x32xi32, #tpu.memory_space<vmem_shared>>) offsets(%dma_start3A_193 : memref<128xi32, #tpu.memory_space<vmem>>) semaphore(%arg21 : memref<!tpu.dma_semaphore, #tpu.memory_space<semaphore_mem>>) {add = true}
      %mul3A_197 = arith.constant 6 : i32
      %mul3A_198 = arith.muli %add3A_172, %mul3A_197 : i32
      %add3A_199 = arith.constant 1 : i32
      %add3A_200 = arith.addi %mul3A_198, %add3A_199 : i32
      %add3A_201 = arith.constant 6 : i32
      %add3A_202 = arith.addi %add3A_200, %add3A_201 : i32
      %sub3A_203 = arith.constant 1 : i32
      %sub3A_204 = arith.subi %add3A_202, %sub3A_203 : i32
      %lt3A_205 = arith.constant 78 : i32
      %lt3A_206 = arith.cmpi slt, %sub3A_204, %lt3A_205 : i32
      %convert_element_type3A_207 = arith.extui %lt3A_206 : i1 to i32
      %cond3A_208 = arith.constant 0 : i32
      %cond3A_209 = arith.cmpi ne, %convert_element_type3A_207, %cond3A_208 : i32
      scf.if %cond3A_209 {
        %ge3A = arith.constant 1 : i32
        %ge3A_322 = arith.cmpi sge, %add3A_200, %ge3A : i32
        %convert_element_type3A_323 = arith.extui %ge3A_322 : i1 to i32
        %cond3A_324 = arith.constant 0 : i32
        %cond3A_325 = arith.cmpi ne, %convert_element_type3A_323, %cond3A_324 : i32
        scf.if %cond3A_325 {
          %sub3A_336 = arith.constant 1 : i32
          %sub3A_337 = arith.subi %add3A_200, %sub3A_336 : i32
          %dma_wait3A_338 = arith.constant 0 : i32
          %dma_wait3A_339 = tpu.memref_slice %arg6[%sub3A_337, %dma_wait3A_338] : memref<79x128xi32, #tpu.memory_space<vmem>> -> memref<1x128xi32, #tpu.memory_space<vmem>>
          %dma_wait3A_340 = tpu.memref_squeeze %dma_wait3A_339 : memref<1x128xi32, #tpu.memory_space<vmem>> -> memref<128xi32, #tpu.memory_space<vmem>>
          %dma_wait3A_341 = arith.constant 0 : i32
          %dma_wait3A_342 = arith.constant 0 : i32
          %dma_wait3A_343 = tpu.memref_slice %arg13[%dma_wait3A_341, %dma_wait3A_342] : memref<10112x32xi32, #tpu.memory_space<vmem_shared>> -> memref<10112x32xi32, #tpu.memory_space<vmem_shared>>
          tpu.wait_indirect_dma semaphore(%arg21 : memref<!tpu.dma_semaphore, #tpu.memory_space<semaphore_mem>>) src(%arg7 : memref<128x32xi32, #tpu.memory_space<vmem>>) dst(%dma_wait3A_343 : memref<10112x32xi32, #tpu.memory_space<vmem_shared>>)
        } else {
        }
        %add3A_326 = arith.constant 6 : i32
        %add3A_327 = arith.addi %add3A_200, %add3A_326 : i32
        %sub3A_328 = arith.constant 1 : i32
        %sub3A_329 = arith.subi %add3A_327, %sub3A_328 : i32
        %dma_start3A_330 = arith.constant 0 : i32
        %dma_start3A_331 = tpu.memref_slice %arg5[%sub3A_329, %dma_start3A_330] : memref<79x128xi32, #tpu.memory_space<vmem>> -> memref<1x128xi32, #tpu.memory_space<vmem>>
        %dma_start3A_332 = tpu.memref_squeeze %dma_start3A_331 : memref<1x128xi32, #tpu.memory_space<vmem>> -> memref<128xi32, #tpu.memory_space<vmem>>
        %dma_start3A_333 = arith.constant 0 : i32
        %dma_start3A_334 = arith.constant 0 : i32
        %dma_start3A_335 = tpu.memref_slice %arg2[%dma_start3A_333, %dma_start3A_334] : memref<10240x32xi32, #tpu.memory_space<hbm>> -> memref<10240x32xi32, #tpu.memory_space<hbm>>
        tpu.enqueue_indirect_dma source(%dma_start3A_335 : memref<10240x32xi32, #tpu.memory_space<hbm>>) target(%arg7 : memref<128x32xi32, #tpu.memory_space<vmem>>) offsets(%dma_start3A_332 : memref<128xi32, #tpu.memory_space<vmem>>) semaphore(%arg15 : memref<!tpu.dma_semaphore, #tpu.memory_space<semaphore_mem>>)
      } else {
      }
      %dma_wait3A_210 = arith.constant 0 : i32
      %dma_wait3A_211 = tpu.memref_slice %arg5[%add3A_200, %dma_wait3A_210] : memref<79x128xi32, #tpu.memory_space<vmem>> -> memref<1x128xi32, #tpu.memory_space<vmem>>
      %dma_wait3A_212 = tpu.memref_squeeze %dma_wait3A_211 : memref<1x128xi32, #tpu.memory_space<vmem>> -> memref<128xi32, #tpu.memory_space<vmem>>
      %dma_wait3A_213 = arith.constant 0 : i32
      %dma_wait3A_214 = arith.constant 0 : i32
      %dma_wait3A_215 = tpu.memref_slice %arg2[%dma_wait3A_213, %dma_wait3A_214] : memref<10240x32xi32, #tpu.memory_space<hbm>> -> memref<10240x32xi32, #tpu.memory_space<hbm>>
      tpu.wait_indirect_dma semaphore(%arg16 : memref<!tpu.dma_semaphore, #tpu.memory_space<semaphore_mem>>) src(%dma_wait3A_215 : memref<10240x32xi32, #tpu.memory_space<hbm>>) dst(%arg8 : memref<128x32xi32, #tpu.memory_space<vmem>>)
      %dma_start3A_216 = arith.constant 0 : i32
      %dma_start3A_217 = tpu.memref_slice %arg6[%add3A_200, %dma_start3A_216] : memref<79x128xi32, #tpu.memory_space<vmem>> -> memref<1x128xi32, #tpu.memory_space<vmem>>
      %dma_start3A_218 = tpu.memref_squeeze %dma_start3A_217 : memref<1x128xi32, #tpu.memory_space<vmem>> -> memref<128xi32, #tpu.memory_space<vmem>>
      %dma_start3A_219 = arith.constant 0 : i32
      %dma_start3A_220 = arith.constant 0 : i32
      %dma_start3A_221 = tpu.memref_slice %arg13[%dma_start3A_219, %dma_start3A_220] : memref<10112x32xi32, #tpu.memory_space<vmem_shared>> -> memref<10112x32xi32, #tpu.memory_space<vmem_shared>>
      tpu.enqueue_indirect_dma source(%arg8 : memref<128x32xi32, #tpu.memory_space<vmem>>) target(%dma_start3A_221 : memref<10112x32xi32, #tpu.memory_space<vmem_shared>>) offsets(%dma_start3A_218 : memref<128xi32, #tpu.memory_space<vmem>>) semaphore(%arg22 : memref<!tpu.dma_semaphore, #tpu.memory_space<semaphore_mem>>) {add = true}
      %mul3A_222 = arith.constant 6 : i32
      %mul3A_223 = arith.muli %add3A_172, %mul3A_222 : i32
      %add3A_224 = arith.constant 2 : i32
      %add3A_225 = arith.addi %mul3A_223, %add3A_224 : i32
      %add3A_226 = arith.constant 6 : i32
      %add3A_227 = arith.addi %add3A_225, %add3A_226 : i32
      %sub3A_228 = arith.constant 1 : i32
      %sub3A_229 = arith.subi %add3A_227, %sub3A_228 : i32
      %lt3A_230 = arith.constant 78 : i32
      %lt3A_231 = arith.cmpi slt, %sub3A_229, %lt3A_230 : i32
      %convert_element_type3A_232 = arith.extui %lt3A_231 : i1 to i32
      %cond3A_233 = arith.constant 0 : i32
      %cond3A_234 = arith.cmpi ne, %convert_element_type3A_232, %cond3A_233 : i32
      scf.if %cond3A_234 {
        %ge3A = arith.constant 1 : i32
        %ge3A_322 = arith.cmpi sge, %add3A_225, %ge3A : i32
        %convert_element_type3A_323 = arith.extui %ge3A_322 : i1 to i32
        %cond3A_324 = arith.constant 0 : i32
        %cond3A_325 = arith.cmpi ne, %convert_element_type3A_323, %cond3A_324 : i32
        scf.if %cond3A_325 {
          %sub3A_336 = arith.constant 1 : i32
          %sub3A_337 = arith.subi %add3A_225, %sub3A_336 : i32
          %dma_wait3A_338 = arith.constant 0 : i32
          %dma_wait3A_339 = tpu.memref_slice %arg6[%sub3A_337, %dma_wait3A_338] : memref<79x128xi32, #tpu.memory_space<vmem>> -> memref<1x128xi32, #tpu.memory_space<vmem>>
          %dma_wait3A_340 = tpu.memref_squeeze %dma_wait3A_339 : memref<1x128xi32, #tpu.memory_space<vmem>> -> memref<128xi32, #tpu.memory_space<vmem>>
          %dma_wait3A_341 = arith.constant 0 : i32
          %dma_wait3A_342 = arith.constant 0 : i32
          %dma_wait3A_343 = tpu.memref_slice %arg13[%dma_wait3A_341, %dma_wait3A_342] : memref<10112x32xi32, #tpu.memory_space<vmem_shared>> -> memref<10112x32xi32, #tpu.memory_space<vmem_shared>>
          tpu.wait_indirect_dma semaphore(%arg22 : memref<!tpu.dma_semaphore, #tpu.memory_space<semaphore_mem>>) src(%arg8 : memref<128x32xi32, #tpu.memory_space<vmem>>) dst(%dma_wait3A_343 : memref<10112x32xi32, #tpu.memory_space<vmem_shared>>)
        } else {
        }
        %add3A_326 = arith.constant 6 : i32
        %add3A_327 = arith.addi %add3A_225, %add3A_326 : i32
        %sub3A_328 = arith.constant 1 : i32
        %sub3A_329 = arith.subi %add3A_327, %sub3A_328 : i32
        %dma_start3A_330 = arith.constant 0 : i32
        %dma_start3A_331 = tpu.memref_slice %arg5[%sub3A_329, %dma_start3A_330] : memref<79x128xi32, #tpu.memory_space<vmem>> -> memref<1x128xi32, #tpu.memory_space<vmem>>
        %dma_start3A_332 = tpu.memref_squeeze %dma_start3A_331 : memref<1x128xi32, #tpu.memory_space<vmem>> -> memref<128xi32, #tpu.memory_space<vmem>>
        %dma_start3A_333 = arith.constant 0 : i32
        %dma_start3A_334 = arith.constant 0 : i32
        %dma_start3A_335 = tpu.memref_slice %arg2[%dma_start3A_333, %dma_start3A_334] : memref<10240x32xi32, #tpu.memory_space<hbm>> -> memref<10240x32xi32, #tpu.memory_space<hbm>>
        tpu.enqueue_indirect_dma source(%dma_start3A_335 : memref<10240x32xi32, #tpu.memory_space<hbm>>) target(%arg8 : memref<128x32xi32, #tpu.memory_space<vmem>>) offsets(%dma_start3A_332 : memref<128xi32, #tpu.memory_space<vmem>>) semaphore(%arg16 : memref<!tpu.dma_semaphore, #tpu.memory_space<semaphore_mem>>)
      } else {
      }
      %dma_wait3A_235 = arith.constant 0 : i32
      %dma_wait3A_236 = tpu.memref_slice %arg5[%add3A_225, %dma_wait3A_235] : memref<79x128xi32, #tpu.memory_space<vmem>> -> memref<1x128xi32, #tpu.memory_space<vmem>>
      %dma_wait3A_237 = tpu.memref_squeeze %dma_wait3A_236 : memref<1x128xi32, #tpu.memory_space<vmem>> -> memref<128xi32, #tpu.memory_space<vmem>>
      %dma_wait3A_238 = arith.constant 0 : i32
      %dma_wait3A_239 = arith.constant 0 : i32
      %dma_wait3A_240 = tpu.memref_slice %arg2[%dma_wait3A_238, %dma_wait3A_239] : memref<10240x32xi32, #tpu.memory_space<hbm>> -> memref<10240x32xi32, #tpu.memory_space<hbm>>
      tpu.wait_indirect_dma semaphore(%arg17 : memref<!tpu.dma_semaphore, #tpu.memory_space<semaphore_mem>>) src(%dma_wait3A_240 : memref<10240x32xi32, #tpu.memory_space<hbm>>) dst(%arg9 : memref<128x32xi32, #tpu.memory_space<vmem>>)
      %dma_start3A_241 = arith.constant 0 : i32
      %dma_start3A_242 = tpu.memref_slice %arg6[%add3A_225, %dma_start3A_241] : memref<79x128xi32, #tpu.memory_space<vmem>> -> memref<1x128xi32, #tpu.memory_space<vmem>>
      %dma_start3A_243 = tpu.memref_squeeze %dma_start3A_242 : memref<1x128xi32, #tpu.memory_space<vmem>> -> memref<128xi32, #tpu.memory_space<vmem>>
      %dma_start3A_244 = arith.constant 0 : i32
      %dma_start3A_245 = arith.constant 0 : i32
      %dma_start3A_246 = tpu.memref_slice %arg13[%dma_start3A_244, %dma_start3A_245] : memref<10112x32xi32, #tpu.memory_space<vmem_shared>> -> memref<10112x32xi32, #tpu.memory_space<vmem_shared>>
      tpu.enqueue_indirect_dma source(%arg9 : memref<128x32xi32, #tpu.memory_space<vmem>>) target(%dma_start3A_246 : memref<10112x32xi32, #tpu.memory_space<vmem_shared>>) offsets(%dma_start3A_243 : memref<128xi32, #tpu.memory_space<vmem>>) semaphore(%arg23 : memref<!tpu.dma_semaphore, #tpu.memory_space<semaphore_mem>>) {add = true}
      %mul3A_247 = arith.constant 6 : i32
      %mul3A_248 = arith.muli %add3A_172, %mul3A_247 : i32
      %add3A_249 = arith.constant 3 : i32
      %add3A_250 = arith.addi %mul3A_248, %add3A_249 : i32
      %add3A_251 = arith.constant 6 : i32
      %add3A_252 = arith.addi %add3A_250, %add3A_251 : i32
      %sub3A_253 = arith.constant 1 : i32
      %sub3A_254 = arith.subi %add3A_252, %sub3A_253 : i32
      %lt3A_255 = arith.constant 78 : i32
      %lt3A_256 = arith.cmpi slt, %sub3A_254, %lt3A_255 : i32
      %convert_element_type3A_257 = arith.extui %lt3A_256 : i1 to i32
      %cond3A_258 = arith.constant 0 : i32
      %cond3A_259 = arith.cmpi ne, %convert_element_type3A_257, %cond3A_258 : i32
      scf.if %cond3A_259 {
        %ge3A = arith.constant 1 : i32
        %ge3A_322 = arith.cmpi sge, %add3A_250, %ge3A : i32
        %convert_element_type3A_323 = arith.extui %ge3A_322 : i1 to i32
        %cond3A_324 = arith.constant 0 : i32
        %cond3A_325 = arith.cmpi ne, %convert_element_type3A_323, %cond3A_324 : i32
        scf.if %cond3A_325 {
          %sub3A_336 = arith.constant 1 : i32
          %sub3A_337 = arith.subi %add3A_250, %sub3A_336 : i32
          %dma_wait3A_338 = arith.constant 0 : i32
          %dma_wait3A_339 = tpu.memref_slice %arg6[%sub3A_337, %dma_wait3A_338] : memref<79x128xi32, #tpu.memory_space<vmem>> -> memref<1x128xi32, #tpu.memory_space<vmem>>
          %dma_wait3A_340 = tpu.memref_squeeze %dma_wait3A_339 : memref<1x128xi32, #tpu.memory_space<vmem>> -> memref<128xi32, #tpu.memory_space<vmem>>
          %dma_wait3A_341 = arith.constant 0 : i32
          %dma_wait3A_342 = arith.constant 0 : i32
          %dma_wait3A_343 = tpu.memref_slice %arg13[%dma_wait3A_341, %dma_wait3A_342] : memref<10112x32xi32, #tpu.memory_space<vmem_shared>> -> memref<10112x32xi32, #tpu.memory_space<vmem_shared>>
          tpu.wait_indirect_dma semaphore(%arg23 : memref<!tpu.dma_semaphore, #tpu.memory_space<semaphore_mem>>) src(%arg9 : memref<128x32xi32, #tpu.memory_space<vmem>>) dst(%dma_wait3A_343 : memref<10112x32xi32, #tpu.memory_space<vmem_shared>>)
        } else {
        }
        %add3A_326 = arith.constant 6 : i32
        %add3A_327 = arith.addi %add3A_250, %add3A_326 : i32
        %sub3A_328 = arith.constant 1 : i32
        %sub3A_329 = arith.subi %add3A_327, %sub3A_328 : i32
        %dma_start3A_330 = arith.constant 0 : i32
        %dma_start3A_331 = tpu.memref_slice %arg5[%sub3A_329, %dma_start3A_330] : memref<79x128xi32, #tpu.memory_space<vmem>> -> memref<1x128xi32, #tpu.memory_space<vmem>>
        %dma_start3A_332 = tpu.memref_squeeze %dma_start3A_331 : memref<1x128xi32, #tpu.memory_space<vmem>> -> memref<128xi32, #tpu.memory_space<vmem>>
        %dma_start3A_333 = arith.constant 0 : i32
        %dma_start3A_334 = arith.constant 0 : i32
        %dma_start3A_335 = tpu.memref_slice %arg2[%dma_start3A_333, %dma_start3A_334] : memref<10240x32xi32, #tpu.memory_space<hbm>> -> memref<10240x32xi32, #tpu.memory_space<hbm>>
        tpu.enqueue_indirect_dma source(%dma_start3A_335 : memref<10240x32xi32, #tpu.memory_space<hbm>>) target(%arg9 : memref<128x32xi32, #tpu.memory_space<vmem>>) offsets(%dma_start3A_332 : memref<128xi32, #tpu.memory_space<vmem>>) semaphore(%arg17 : memref<!tpu.dma_semaphore, #tpu.memory_space<semaphore_mem>>)
      } else {
      }
      %dma_wait3A_260 = arith.constant 0 : i32
      %dma_wait3A_261 = tpu.memref_slice %arg5[%add3A_250, %dma_wait3A_260] : memref<79x128xi32, #tpu.memory_space<vmem>> -> memref<1x128xi32, #tpu.memory_space<vmem>>
      %dma_wait3A_262 = tpu.memref_squeeze %dma_wait3A_261 : memref<1x128xi32, #tpu.memory_space<vmem>> -> memref<128xi32, #tpu.memory_space<vmem>>
      %dma_wait3A_263 = arith.constant 0 : i32
      %dma_wait3A_264 = arith.constant 0 : i32
      %dma_wait3A_265 = tpu.memref_slice %arg2[%dma_wait3A_263, %dma_wait3A_264] : memref<10240x32xi32, #tpu.memory_space<hbm>> -> memref<10240x32xi32, #tpu.memory_space<hbm>>
      tpu.wait_indirect_dma semaphore(%arg18 : memref<!tpu.dma_semaphore, #tpu.memory_space<semaphore_mem>>) src(%dma_wait3A_265 : memref<10240x32xi32, #tpu.memory_space<hbm>>) dst(%arg10 : memref<128x32xi32, #tpu.memory_space<vmem>>)
      %dma_start3A_266 = arith.constant 0 : i32
      %dma_start3A_267 = tpu.memref_slice %arg6[%add3A_250, %dma_start3A_266] : memref<79x128xi32, #tpu.memory_space<vmem>> -> memref<1x128xi32, #tpu.memory_space<vmem>>
      %dma_start3A_268 = tpu.memref_squeeze %dma_start3A_267 : memref<1x128xi32, #tpu.memory_space<vmem>> -> memref<128xi32, #tpu.memory_space<vmem>>
      %dma_start3A_269 = arith.constant 0 : i32
      %dma_start3A_270 = arith.constant 0 : i32
      %dma_start3A_271 = tpu.memref_slice %arg13[%dma_start3A_269, %dma_start3A_270] : memref<10112x32xi32, #tpu.memory_space<vmem_shared>> -> memref<10112x32xi32, #tpu.memory_space<vmem_shared>>
      tpu.enqueue_indirect_dma source(%arg10 : memref<128x32xi32, #tpu.memory_space<vmem>>) target(%dma_start3A_271 : memref<10112x32xi32, #tpu.memory_space<vmem_shared>>) offsets(%dma_start3A_268 : memref<128xi32, #tpu.memory_space<vmem>>) semaphore(%arg24 : memref<!tpu.dma_semaphore, #tpu.memory_space<semaphore_mem>>) {add = true}
      %mul3A_272 = arith.constant 6 : i32
      %mul3A_273 = arith.muli %add3A_172, %mul3A_272 : i32
      %add3A_274 = arith.constant 4 : i32
      %add3A_275 = arith.addi %mul3A_273, %add3A_274 : i32
      %add3A_276 = arith.constant 6 : i32
      %add3A_277 = arith.addi %add3A_275, %add3A_276 : i32
      %sub3A_278 = arith.constant 1 : i32
      %sub3A_279 = arith.subi %add3A_277, %sub3A_278 : i32
      %lt3A_280 = arith.constant 78 : i32
      %lt3A_281 = arith.cmpi slt, %sub3A_279, %lt3A_280 : i32
      %convert_element_type3A_282 = arith.extui %lt3A_281 : i1 to i32
      %cond3A_283 = arith.constant 0 : i32
      %cond3A_284 = arith.cmpi ne, %convert_element_type3A_282, %cond3A_283 : i32
      scf.if %cond3A_284 {
        %ge3A = arith.constant 1 : i32
        %ge3A_322 = arith.cmpi sge, %add3A_275, %ge3A : i32
        %convert_element_type3A_323 = arith.extui %ge3A_322 : i1 to i32
        %cond3A_324 = arith.constant 0 : i32
        %cond3A_325 = arith.cmpi ne, %convert_element_type3A_323, %cond3A_324 : i32
        scf.if %cond3A_325 {
          %sub3A_336 = arith.constant 1 : i32
          %sub3A_337 = arith.subi %add3A_275, %sub3A_336 : i32
          %dma_wait3A_338 = arith.constant 0 : i32
          %dma_wait3A_339 = tpu.memref_slice %arg6[%sub3A_337, %dma_wait3A_338] : memref<79x128xi32, #tpu.memory_space<vmem>> -> memref<1x128xi32, #tpu.memory_space<vmem>>
          %dma_wait3A_340 = tpu.memref_squeeze %dma_wait3A_339 : memref<1x128xi32, #tpu.memory_space<vmem>> -> memref<128xi32, #tpu.memory_space<vmem>>
          %dma_wait3A_341 = arith.constant 0 : i32
          %dma_wait3A_342 = arith.constant 0 : i32
          %dma_wait3A_343 = tpu.memref_slice %arg13[%dma_wait3A_341, %dma_wait3A_342] : memref<10112x32xi32, #tpu.memory_space<vmem_shared>> -> memref<10112x32xi32, #tpu.memory_space<vmem_shared>>
          tpu.wait_indirect_dma semaphore(%arg24 : memref<!tpu.dma_semaphore, #tpu.memory_space<semaphore_mem>>) src(%arg10 : memref<128x32xi32, #tpu.memory_space<vmem>>) dst(%dma_wait3A_343 : memref<10112x32xi32, #tpu.memory_space<vmem_shared>>)
        } else {
        }
        %add3A_326 = arith.constant 6 : i32
        %add3A_327 = arith.addi %add3A_275, %add3A_326 : i32
        %sub3A_328 = arith.constant 1 : i32
        %sub3A_329 = arith.subi %add3A_327, %sub3A_328 : i32
        %dma_start3A_330 = arith.constant 0 : i32
        %dma_start3A_331 = tpu.memref_slice %arg5[%sub3A_329, %dma_start3A_330] : memref<79x128xi32, #tpu.memory_space<vmem>> -> memref<1x128xi32, #tpu.memory_space<vmem>>
        %dma_start3A_332 = tpu.memref_squeeze %dma_start3A_331 : memref<1x128xi32, #tpu.memory_space<vmem>> -> memref<128xi32, #tpu.memory_space<vmem>>
        %dma_start3A_333 = arith.constant 0 : i32
        %dma_start3A_334 = arith.constant 0 : i32
        %dma_start3A_335 = tpu.memref_slice %arg2[%dma_start3A_333, %dma_start3A_334] : memref<10240x32xi32, #tpu.memory_space<hbm>> -> memref<10240x32xi32, #tpu.memory_space<hbm>>
        tpu.enqueue_indirect_dma source(%dma_start3A_335 : memref<10240x32xi32, #tpu.memory_space<hbm>>) target(%arg10 : memref<128x32xi32, #tpu.memory_space<vmem>>) offsets(%dma_start3A_332 : memref<128xi32, #tpu.memory_space<vmem>>) semaphore(%arg18 : memref<!tpu.dma_semaphore, #tpu.memory_space<semaphore_mem>>)
      } else {
      }
      %dma_wait3A_285 = arith.constant 0 : i32
      %dma_wait3A_286 = tpu.memref_slice %arg5[%add3A_275, %dma_wait3A_285] : memref<79x128xi32, #tpu.memory_space<vmem>> -> memref<1x128xi32, #tpu.memory_space<vmem>>
      %dma_wait3A_287 = tpu.memref_squeeze %dma_wait3A_286 : memref<1x128xi32, #tpu.memory_space<vmem>> -> memref<128xi32, #tpu.memory_space<vmem>>
      %dma_wait3A_288 = arith.constant 0 : i32
      %dma_wait3A_289 = arith.constant 0 : i32
      %dma_wait3A_290 = tpu.memref_slice %arg2[%dma_wait3A_288, %dma_wait3A_289] : memref<10240x32xi32, #tpu.memory_space<hbm>> -> memref<10240x32xi32, #tpu.memory_space<hbm>>
      tpu.wait_indirect_dma semaphore(%arg19 : memref<!tpu.dma_semaphore, #tpu.memory_space<semaphore_mem>>) src(%dma_wait3A_290 : memref<10240x32xi32, #tpu.memory_space<hbm>>) dst(%arg11 : memref<128x32xi32, #tpu.memory_space<vmem>>)
      %dma_start3A_291 = arith.constant 0 : i32
      %dma_start3A_292 = tpu.memref_slice %arg6[%add3A_275, %dma_start3A_291] : memref<79x128xi32, #tpu.memory_space<vmem>> -> memref<1x128xi32, #tpu.memory_space<vmem>>
      %dma_start3A_293 = tpu.memref_squeeze %dma_start3A_292 : memref<1x128xi32, #tpu.memory_space<vmem>> -> memref<128xi32, #tpu.memory_space<vmem>>
      %dma_start3A_294 = arith.constant 0 : i32
      %dma_start3A_295 = arith.constant 0 : i32
      %dma_start3A_296 = tpu.memref_slice %arg13[%dma_start3A_294, %dma_start3A_295] : memref<10112x32xi32, #tpu.memory_space<vmem_shared>> -> memref<10112x32xi32, #tpu.memory_space<vmem_shared>>
      tpu.enqueue_indirect_dma source(%arg11 : memref<128x32xi32, #tpu.memory_space<vmem>>) target(%dma_start3A_296 : memref<10112x32xi32, #tpu.memory_space<vmem_shared>>) offsets(%dma_start3A_293 : memref<128xi32, #tpu.memory_space<vmem>>) semaphore(%arg25 : memref<!tpu.dma_semaphore, #tpu.memory_space<semaphore_mem>>) {add = true}
      %mul3A_297 = arith.constant 6 : i32
      %mul3A_298 = arith.muli %add3A_172, %mul3A_297 : i32
      %add3A_299 = arith.constant 5 : i32
      %add3A_300 = arith.addi %mul3A_298, %add3A_299 : i32
      %add3A_301 = arith.constant 6 : i32
      %add3A_302 = arith.addi %add3A_300, %add3A_301 : i32
      %sub3A_303 = arith.constant 1 : i32
      %sub3A_304 = arith.subi %add3A_302, %sub3A_303 : i32
      %lt3A_305 = arith.constant 78 : i32
      %lt3A_306 = arith.cmpi slt, %sub3A_304, %lt3A_305 : i32
      %convert_element_type3A_307 = arith.extui %lt3A_306 : i1 to i32
      %cond3A_308 = arith.constant 0 : i32
      %cond3A_309 = arith.cmpi ne, %convert_element_type3A_307, %cond3A_308 : i32
      scf.if %cond3A_309 {
        %ge3A = arith.constant 1 : i32
        %ge3A_322 = arith.cmpi sge, %add3A_300, %ge3A : i32
        %convert_element_type3A_323 = arith.extui %ge3A_322 : i1 to i32
        %cond3A_324 = arith.constant 0 : i32
        %cond3A_325 = arith.cmpi ne, %convert_element_type3A_323, %cond3A_324 : i32
        scf.if %cond3A_325 {
          %sub3A_336 = arith.constant 1 : i32
          %sub3A_337 = arith.subi %add3A_300, %sub3A_336 : i32
          %dma_wait3A_338 = arith.constant 0 : i32
          %dma_wait3A_339 = tpu.memref_slice %arg6[%sub3A_337, %dma_wait3A_338] : memref<79x128xi32, #tpu.memory_space<vmem>> -> memref<1x128xi32, #tpu.memory_space<vmem>>
          %dma_wait3A_340 = tpu.memref_squeeze %dma_wait3A_339 : memref<1x128xi32, #tpu.memory_space<vmem>> -> memref<128xi32, #tpu.memory_space<vmem>>
          %dma_wait3A_341 = arith.constant 0 : i32
          %dma_wait3A_342 = arith.constant 0 : i32
          %dma_wait3A_343 = tpu.memref_slice %arg13[%dma_wait3A_341, %dma_wait3A_342] : memref<10112x32xi32, #tpu.memory_space<vmem_shared>> -> memref<10112x32xi32, #tpu.memory_space<vmem_shared>>
          tpu.wait_indirect_dma semaphore(%arg25 : memref<!tpu.dma_semaphore, #tpu.memory_space<semaphore_mem>>) src(%arg11 : memref<128x32xi32, #tpu.memory_space<vmem>>) dst(%dma_wait3A_343 : memref<10112x32xi32, #tpu.memory_space<vmem_shared>>)
        } else {
        }
        %add3A_326 = arith.constant 6 : i32
        %add3A_327 = arith.addi %add3A_300, %add3A_326 : i32
        %sub3A_328 = arith.constant 1 : i32
        %sub3A_329 = arith.subi %add3A_327, %sub3A_328 : i32
        %dma_start3A_330 = arith.constant 0 : i32
        %dma_start3A_331 = tpu.memref_slice %arg5[%sub3A_329, %dma_start3A_330] : memref<79x128xi32, #tpu.memory_space<vmem>> -> memref<1x128xi32, #tpu.memory_space<vmem>>
        %dma_start3A_332 = tpu.memref_squeeze %dma_start3A_331 : memref<1x128xi32, #tpu.memory_space<vmem>> -> memref<128xi32, #tpu.memory_space<vmem>>
        %dma_start3A_333 = arith.constant 0 : i32
        %dma_start3A_334 = arith.constant 0 : i32
        %dma_start3A_335 = tpu.memref_slice %arg2[%dma_start3A_333, %dma_start3A_334] : memref<10240x32xi32, #tpu.memory_space<hbm>> -> memref<10240x32xi32, #tpu.memory_space<hbm>>
        tpu.enqueue_indirect_dma source(%dma_start3A_335 : memref<10240x32xi32, #tpu.memory_space<hbm>>) target(%arg11 : memref<128x32xi32, #tpu.memory_space<vmem>>) offsets(%dma_start3A_332 : memref<128xi32, #tpu.memory_space<vmem>>) semaphore(%arg19 : memref<!tpu.dma_semaphore, #tpu.memory_space<semaphore_mem>>)
      } else {
      }
      %dma_wait3A_310 = arith.constant 0 : i32
      %dma_wait3A_311 = tpu.memref_slice %arg5[%add3A_300, %dma_wait3A_310] : memref<79x128xi32, #tpu.memory_space<vmem>> -> memref<1x128xi32, #tpu.memory_space<vmem>>
      %dma_wait3A_312 = tpu.memref_squeeze %dma_wait3A_311 : memref<1x128xi32, #tpu.memory_space<vmem>> -> memref<128xi32, #tpu.memory_space<vmem>>
      %dma_wait3A_313 = arith.constant 0 : i32
      %dma_wait3A_314 = arith.constant 0 : i32
      %dma_wait3A_315 = tpu.memref_slice %arg2[%dma_wait3A_313, %dma_wait3A_314] : memref<10240x32xi32, #tpu.memory_space<hbm>> -> memref<10240x32xi32, #tpu.memory_space<hbm>>
      tpu.wait_indirect_dma semaphore(%arg20 : memref<!tpu.dma_semaphore, #tpu.memory_space<semaphore_mem>>) src(%dma_wait3A_315 : memref<10240x32xi32, #tpu.memory_space<hbm>>) dst(%arg12 : memref<128x32xi32, #tpu.memory_space<vmem>>)
      %dma_start3A_316 = arith.constant 0 : i32
      %dma_start3A_317 = tpu.memref_slice %arg6[%add3A_300, %dma_start3A_316] : memref<79x128xi32, #tpu.memory_space<vmem>> -> memref<1x128xi32, #tpu.memory_space<vmem>>
      %dma_start3A_318 = tpu.memref_squeeze %dma_start3A_317 : memref<1x128xi32, #tpu.memory_space<vmem>> -> memref<128xi32, #tpu.memory_space<vmem>>
      %dma_start3A_319 = arith.constant 0 : i32
      %dma_start3A_320 = arith.constant 0 : i32
      %dma_start3A_321 = tpu.memref_slice %arg13[%dma_start3A_319, %dma_start3A_320] : memref<10112x32xi32, #tpu.memory_space<vmem_shared>> -> memref<10112x32xi32, #tpu.memory_space<vmem_shared>>
      tpu.enqueue_indirect_dma source(%arg12 : memref<128x32xi32, #tpu.memory_space<vmem>>) target(%dma_start3A_321 : memref<10112x32xi32, #tpu.memory_space<vmem_shared>>) offsets(%dma_start3A_318 : memref<128xi32, #tpu.memory_space<vmem>>) semaphore(%arg26 : memref<!tpu.dma_semaphore, #tpu.memory_space<semaphore_mem>>) {add = true}
    }
    %scan3A_117 = arith.constant 13 : i32
    %dma_wait3A_118 = arith.constant 72 : i32
    %dma_wait3A_119 = arith.constant 0 : i32
    %dma_wait3A_120 = tpu.memref_slice %arg6[%dma_wait3A_118, %dma_wait3A_119] : memref<79x128xi32, #tpu.memory_space<vmem>> -> memref<1x128xi32, #tpu.memory_space<vmem>>
    %dma_wait3A_121 = tpu.memref_squeeze %dma_wait3A_120 : memref<1x128xi32, #tpu.memory_space<vmem>> -> memref<128xi32, #tpu.memory_space<vmem>>
    %dma_wait3A_122 = arith.constant 0 : i32
    %dma_wait3A_123 = arith.constant 0 : i32
    %dma_wait3A_124 = tpu.memref_slice %arg13[%dma_wait3A_122, %dma_wait3A_123] : memref<10112x32xi32, #tpu.memory_space<vmem_shared>> -> memref<10112x32xi32, #tpu.memory_space<vmem_shared>>
    tpu.wait_indirect_dma semaphore(%arg21 : memref<!tpu.dma_semaphore, #tpu.memory_space<semaphore_mem>>) src(%arg7 : memref<128x32xi32, #tpu.memory_space<vmem>>) dst(%dma_wait3A_124 : memref<10112x32xi32, #tpu.memory_space<vmem_shared>>)
    %dma_wait3A_125 = arith.constant 73 : i32
    %dma_wait3A_126 = arith.constant 0 : i32
    %dma_wait3A_127 = tpu.memref_slice %arg6[%dma_wait3A_125, %dma_wait3A_126] : memref<79x128xi32, #tpu.memory_space<vmem>> -> memref<1x128xi32, #tpu.memory_space<vmem>>
    %dma_wait3A_128 = tpu.memref_squeeze %dma_wait3A_127 : memref<1x128xi32, #tpu.memory_space<vmem>> -> memref<128xi32, #tpu.memory_space<vmem>>
    %dma_wait3A_129 = arith.constant 0 : i32
    %dma_wait3A_130 = arith.constant 0 : i32
    %dma_wait3A_131 = tpu.memref_slice %arg13[%dma_wait3A_129, %dma_wait3A_130] : memref<10112x32xi32, #tpu.memory_space<vmem_shared>> -> memref<10112x32xi32, #tpu.memory_space<vmem_shared>>
    tpu.wait_indirect_dma semaphore(%arg22 : memref<!tpu.dma_semaphore, #tpu.memory_space<semaphore_mem>>) src(%arg8 : memref<128x32xi32, #tpu.memory_space<vmem>>) dst(%dma_wait3A_131 : memref<10112x32xi32, #tpu.memory_space<vmem_shared>>)
    %dma_wait3A_132 = arith.constant 74 : i32
    %dma_wait3A_133 = arith.constant 0 : i32
    %dma_wait3A_134 = tpu.memref_slice %arg6[%dma_wait3A_132, %dma_wait3A_133] : memref<79x128xi32, #tpu.memory_space<vmem>> -> memref<1x128xi32, #tpu.memory_space<vmem>>
    %dma_wait3A_135 = tpu.memref_squeeze %dma_wait3A_134 : memref<1x128xi32, #tpu.memory_space<vmem>> -> memref<128xi32, #tpu.memory_space<vmem>>
    %dma_wait3A_136 = arith.constant 0 : i32
    %dma_wait3A_137 = arith.constant 0 : i32
    %dma_wait3A_138 = tpu.memref_slice %arg13[%dma_wait3A_136, %dma_wait3A_137] : memref<10112x32xi32, #tpu.memory_space<vmem_shared>> -> memref<10112x32xi32, #tpu.memory_space<vmem_shared>>
    tpu.wait_indirect_dma semaphore(%arg23 : memref<!tpu.dma_semaphore, #tpu.memory_space<semaphore_mem>>) src(%arg9 : memref<128x32xi32, #tpu.memory_space<vmem>>) dst(%dma_wait3A_138 : memref<10112x32xi32, #tpu.memory_space<vmem_shared>>)
    %dma_wait3A_139 = arith.constant 75 : i32
    %dma_wait3A_140 = arith.constant 0 : i32
    %dma_wait3A_141 = tpu.memref_slice %arg6[%dma_wait3A_139, %dma_wait3A_140] : memref<79x128xi32, #tpu.memory_space<vmem>> -> memref<1x128xi32, #tpu.memory_space<vmem>>
    %dma_wait3A_142 = tpu.memref_squeeze %dma_wait3A_141 : memref<1x128xi32, #tpu.memory_space<vmem>> -> memref<128xi32, #tpu.memory_space<vmem>>
    %dma_wait3A_143 = arith.constant 0 : i32
    %dma_wait3A_144 = arith.constant 0 : i32
    %dma_wait3A_145 = tpu.memref_slice %arg13[%dma_wait3A_143, %dma_wait3A_144] : memref<10112x32xi32, #tpu.memory_space<vmem_shared>> -> memref<10112x32xi32, #tpu.memory_space<vmem_shared>>
    tpu.wait_indirect_dma semaphore(%arg24 : memref<!tpu.dma_semaphore, #tpu.memory_space<semaphore_mem>>) src(%arg10 : memref<128x32xi32, #tpu.memory_space<vmem>>) dst(%dma_wait3A_145 : memref<10112x32xi32, #tpu.memory_space<vmem_shared>>)
    %dma_wait3A_146 = arith.constant 76 : i32
    %dma_wait3A_147 = arith.constant 0 : i32
    %dma_wait3A_148 = tpu.memref_slice %arg6[%dma_wait3A_146, %dma_wait3A_147] : memref<79x128xi32, #tpu.memory_space<vmem>> -> memref<1x128xi32, #tpu.memory_space<vmem>>
    %dma_wait3A_149 = tpu.memref_squeeze %dma_wait3A_148 : memref<1x128xi32, #tpu.memory_space<vmem>> -> memref<128xi32, #tpu.memory_space<vmem>>
    %dma_wait3A_150 = arith.constant 0 : i32
    %dma_wait3A_151 = arith.constant 0 : i32
    %dma_wait3A_152 = tpu.memref_slice %arg13[%dma_wait3A_150, %dma_wait3A_151] : memref<10112x32xi32, #tpu.memory_space<vmem_shared>> -> memref<10112x32xi32, #tpu.memory_space<vmem_shared>>
    tpu.wait_indirect_dma semaphore(%arg25 : memref<!tpu.dma_semaphore, #tpu.memory_space<semaphore_mem>>) src(%arg11 : memref<128x32xi32, #tpu.memory_space<vmem>>) dst(%dma_wait3A_152 : memref<10112x32xi32, #tpu.memory_space<vmem_shared>>)
    %dma_wait3A_153 = arith.constant 77 : i32
    %dma_wait3A_154 = arith.constant 0 : i32
    %dma_wait3A_155 = tpu.memref_slice %arg6[%dma_wait3A_153, %dma_wait3A_154] : memref<79x128xi32, #tpu.memory_space<vmem>> -> memref<1x128xi32, #tpu.memory_space<vmem>>
    %dma_wait3A_156 = tpu.memref_squeeze %dma_wait3A_155 : memref<1x128xi32, #tpu.memory_space<vmem>> -> memref<128xi32, #tpu.memory_space<vmem>>
    %dma_wait3A_157 = arith.constant 0 : i32
    %dma_wait3A_158 = arith.constant 0 : i32
    %dma_wait3A_159 = tpu.memref_slice %arg13[%dma_wait3A_157, %dma_wait3A_158] : memref<10112x32xi32, #tpu.memory_space<vmem_shared>> -> memref<10112x32xi32, #tpu.memory_space<vmem_shared>>
    tpu.wait_indirect_dma semaphore(%arg26 : memref<!tpu.dma_semaphore, #tpu.memory_space<semaphore_mem>>) src(%arg12 : memref<128x32xi32, #tpu.memory_space<vmem>>) dst(%dma_wait3A_159 : memref<10112x32xi32, #tpu.memory_space<vmem_shared>>)
    %convert_element_type3A_160 = arith.extui %lt3A_1 : i1 to i32
    %cond3A_161 = arith.constant 0 : i32
    %cond3A_162 = arith.cmpi ne, %convert_element_type3A_160, %cond3A_161 : i32
    scf.if %cond3A_162 {
      %run_scoped3A = arith.constant 78 : i32
      "tpu.region"() ({
        %run_scoped3A_169 = tpu.sem_alloc : memref<!tpu.dma_semaphore, #tpu.memory_space<semaphore_mem>>
        %dma_start3A_170 = arith.constant 0 : i32
        %dma_start3A_171 = tpu.memref_slice %arg5[%run_scoped3A, %dma_start3A_170] : memref<79x128xi32, #tpu.memory_space<vmem>> -> memref<1x128xi32, #tpu.memory_space<vmem>>
        %dma_start3A_172 = tpu.memref_squeeze %dma_start3A_171 : memref<1x128xi32, #tpu.memory_space<vmem>> -> memref<128xi32, #tpu.memory_space<vmem>>
        %dma_start3A_173 = arith.constant 0 : i32
        %dma_start3A_174 = arith.constant 0 : i32
        %dma_start3A_175 = tpu.memref_slice %arg2[%dma_start3A_173, %dma_start3A_174] : memref<10240x32xi32, #tpu.memory_space<hbm>> -> memref<10240x32xi32, #tpu.memory_space<hbm>>
        tpu.enqueue_indirect_dma source(%dma_start3A_175 : memref<10240x32xi32, #tpu.memory_space<hbm>>) target(%arg7 : memref<128x32xi32, #tpu.memory_space<vmem>>) offsets(%dma_start3A_172 : memref<128xi32, #tpu.memory_space<vmem>>) semaphore(%run_scoped3A_169 : memref<!tpu.dma_semaphore, #tpu.memory_space<semaphore_mem>>)
        %dma_wait3A_176 = arith.constant 0 : i32
        %dma_wait3A_177 = tpu.memref_slice %arg5[%run_scoped3A, %dma_wait3A_176] : memref<79x128xi32, #tpu.memory_space<vmem>> -> memref<1x128xi32, #tpu.memory_space<vmem>>
        %dma_wait3A_178 = tpu.memref_squeeze %dma_wait3A_177 : memref<1x128xi32, #tpu.memory_space<vmem>> -> memref<128xi32, #tpu.memory_space<vmem>>
        %dma_wait3A_179 = arith.constant 0 : i32
        %dma_wait3A_180 = arith.constant 0 : i32
        %dma_wait3A_181 = tpu.memref_slice %arg2[%dma_wait3A_179, %dma_wait3A_180] : memref<10240x32xi32, #tpu.memory_space<hbm>> -> memref<10240x32xi32, #tpu.memory_space<hbm>>
        tpu.wait_indirect_dma semaphore(%run_scoped3A_169 : memref<!tpu.dma_semaphore, #tpu.memory_space<semaphore_mem>>) src(%dma_wait3A_181 : memref<10240x32xi32, #tpu.memory_space<hbm>>) dst(%arg7 : memref<128x32xi32, #tpu.memory_space<vmem>>)
        tpu.yield
      }) : () -> ()
      %run_scoped3A_168 = arith.constant 78 : i32
      "tpu.region"() ({
        %run_scoped3A_169 = tpu.sem_alloc : memref<!tpu.dma_semaphore, #tpu.memory_space<semaphore_mem>>
        %dma_start3A_170 = arith.constant 0 : i32
        %dma_start3A_171 = tpu.memref_slice %arg6[%run_scoped3A_168, %dma_start3A_170] : memref<79x128xi32, #tpu.memory_space<vmem>> -> memref<1x128xi32, #tpu.memory_space<vmem>>
        %dma_start3A_172 = tpu.memref_squeeze %dma_start3A_171 : memref<1x128xi32, #tpu.memory_space<vmem>> -> memref<128xi32, #tpu.memory_space<vmem>>
        %dma_start3A_173 = arith.constant 0 : i32
        %dma_start3A_174 = arith.constant 0 : i32
        %dma_start3A_175 = tpu.memref_slice %arg13[%dma_start3A_173, %dma_start3A_174] : memref<10112x32xi32, #tpu.memory_space<vmem_shared>> -> memref<10112x32xi32, #tpu.memory_space<vmem_shared>>
        tpu.enqueue_indirect_dma source(%arg7 : memref<128x32xi32, #tpu.memory_space<vmem>>) target(%dma_start3A_175 : memref<10112x32xi32, #tpu.memory_space<vmem_shared>>) offsets(%dma_start3A_172 : memref<128xi32, #tpu.memory_space<vmem>>) semaphore(%run_scoped3A_169 : memref<!tpu.dma_semaphore, #tpu.memory_space<semaphore_mem>>) {add = true}
        %dma_wait3A_176 = arith.constant 0 : i32
        %dma_wait3A_177 = tpu.memref_slice %arg6[%run_scoped3A_168, %dma_wait3A_176] : memref<79x128xi32, #tpu.memory_space<vmem>> -> memref<1x128xi32, #tpu.memory_space<vmem>>
        %dma_wait3A_178 = tpu.memref_squeeze %dma_wait3A_177 : memref<1x128xi32, #tpu.memory_space<vmem>> -> memref<128xi32, #tpu.memory_space<vmem>>
        %dma_wait3A_179 = arith.constant 0 : i32
        %dma_wait3A_180 = arith.constant 0 : i32
        %dma_wait3A_181 = tpu.memref_slice %arg13[%dma_wait3A_179, %dma_wait3A_180] : memref<10112x32xi32, #tpu.memory_space<vmem_shared>> -> memref<10112x32xi32, #tpu.memory_space<vmem_shared>>
        tpu.wait_indirect_dma semaphore(%run_scoped3A_169 : memref<!tpu.dma_semaphore, #tpu.memory_space<semaphore_mem>>) src(%arg7 : memref<128x32xi32, #tpu.memory_space<vmem>>) dst(%dma_wait3A_181 : memref<10112x32xi32, #tpu.memory_space<vmem_shared>>)
        tpu.yield
      }) : () -> ()
    } else {
    }
    %barrier3A_163 = arith.constant 0 : index
    tpu.barrier barrier_id(%barrier3A_163)
    %mul3A_164 = arith.constant 632 : i32
    %mul3A_165 = arith.muli %arg1, %mul3A_164 : i32
    %mul3A_166 = arith.constant 632 : i32
    %mul3A_167 = arith.muli %arg1, %mul3A_166 : i32
    "tpu.region"() ({
      %run_scoped3A = tpu.sem_alloc : memref<!tpu.dma_semaphore, #tpu.memory_space<semaphore_mem>>
      %dma_start3A_168 = arith.constant 0 : i32
      %dma_start3A_169 = tpu.memref_slice %arg4[%arg0, %mul3A_167, %dma_start3A_168] : memref<2x10240x32xi32, #tpu.memory_space<hbm>> -> memref<1x632x32xi32, #tpu.memory_space<hbm>>
      %dma_start3A_170 = tpu.memref_squeeze %dma_start3A_169 : memref<1x632x32xi32, #tpu.memory_space<hbm>> -> memref<632x32xi32, #tpu.memory_space<hbm>>
      %dma_start3A_171 = arith.constant 0 : i32
      %dma_start3A_172 = tpu.memref_slice %arg13[%mul3A_165, %dma_start3A_171] : memref<10112x32xi32, #tpu.memory_space<vmem_shared>> -> memref<632x32xi32, #tpu.memory_space<vmem_shared>>
      tpu.enqueue_dma source(%dma_start3A_172 : memref<632x32xi32, #tpu.memory_space<vmem_shared>>) target(%dma_start3A_170 : memref<632x32xi32, #tpu.memory_space<hbm>>) target_semaphore(%run_scoped3A : memref<!tpu.dma_semaphore, #tpu.memory_space<semaphore_mem>>)
      %dma_wait3A_173 = arith.constant 0 : i32
      %dma_wait3A_174 = tpu.memref_slice %arg4[%arg0, %mul3A_167, %dma_wait3A_173] : memref<2x10240x32xi32, #tpu.memory_space<hbm>> -> memref<1x632x32xi32, #tpu.memory_space<hbm>>
      %dma_wait3A_175 = tpu.memref_squeeze %dma_wait3A_174 : memref<1x632x32xi32, #tpu.memory_space<hbm>> -> memref<632x32xi32, #tpu.memory_space<hbm>>
      %dma_wait3A_176 = arith.constant 0 : i32
      %dma_wait3A_177 = tpu.memref_slice %arg13[%mul3A_165, %dma_wait3A_176] : memref<10112x32xi32, #tpu.memory_space<vmem_shared>> -> memref<632x32xi32, #tpu.memory_space<vmem_shared>>
      tpu.wait_dma2 semaphore(%run_scoped3A : memref<!tpu.dma_semaphore, #tpu.memory_space<semaphore_mem>>) src(%dma_wait3A_177 : memref<632x32xi32, #tpu.memory_space<vmem_shared>>) dst(%dma_wait3A_175 : memref<632x32xi32, #tpu.memory_space<hbm>>)
      tpu.yield
    }) : () -> ()
    return
  }
}

module attributes {stable_mosaic.version = 14 : i64} {
  func.func @body(%arg0: i32, %arg1: memref<2048x128xf32, #tpu.memory_space<vmem>>, %arg2: memref<128x128xf32, #tpu.memory_space<vmem>>, %arg3: memref<1x128xf32, #tpu.memory_space<vmem>>, %arg4: memref<128x128xf32, #tpu.memory_space<vmem>>, %arg5: memref<128x128xf32, #tpu.memory_space<vmem>>, %arg6: memref<1x128xf32, #tpu.memory_space<vmem>>, %arg7: memref<2x2048x64xf32, #tpu.memory_space<vmem>>, %arg8: memref<2048x128xf32, #tpu.memory_space<vmem>>) attributes {dimension_semantics = [#tpu.dimension_semantics<arbitrary>], iteration_bounds = array<i64: 5>, scalar_prefetch = 0 : i64, scratch_operands = 0 : i64, tpu.core_type = #tpu.core_type<tc>, window_params = [{transform_indices = @transform_0, window_bounds = array<i64: 2048, 128>}, {pipeline_mode = #tpu.pipeline_mode<synchronous>, transform_indices = @transform_1, window_bounds = array<i64: 128, 128>}, {pipeline_mode = #tpu.pipeline_mode<synchronous>, transform_indices = @transform_2, window_bounds = array<i64: 1, 128>}, {pipeline_mode = #tpu.pipeline_mode<synchronous>, transform_indices = @transform_3, window_bounds = array<i64: 128, 128>}, {pipeline_mode = #tpu.pipeline_mode<synchronous>, transform_indices = @transform_4, window_bounds = array<i64: 128, 128>}, {pipeline_mode = #tpu.pipeline_mode<synchronous>, transform_indices = @transform_5, window_bounds = array<i64: 1, 128>}, {transform_indices = @transform_6, window_bounds = array<i64: 2, 2048, 64>}, {transform_indices = @transform_7, window_bounds = array<i64: 2048, 128>}]} {
    %get3A = arith.constant 0 : index
    %get3A_0 = arith.constant 0 : index
    %get3A_1 = vector.load %arg1[%get3A, %get3A_0] : memref<2048x128xf32, #tpu.memory_space<vmem>>, vector<2048x128xf32>
    %get3A_2 = arith.constant 0 : index
    %get3A_3 = arith.constant 0 : index
    %get3A_4 = vector.load %arg2[%get3A_2, %get3A_3] : memref<128x128xf32, #tpu.memory_space<vmem>>, vector<128x128xf32>
    %dot_general3A = arith.constant dense<0.000000e+00> : vector<2048x128xf32>
    %dot_general3A_5 = tpu.matmul %get3A_1, %get3A_4, %dot_general3A {dimension_numbers = #tpu.dot_dimension_numbers<[1], [0], [0], [1], [0, 0, 1, 1], [], []>, transpose_lhs_hint = false} : vector<2048x128xf32>, vector<128x128xf32>, vector<2048x128xf32> -> vector<2048x128xf32>
    %get3A_6 = arith.constant 0 : index
    %get3A_7 = arith.constant 0 : index
    %get3A_8 = vector.load %arg3[%get3A_6, %get3A_7] : memref<1x128xf32, #tpu.memory_space<vmem>>, vector<1x128xf32>
    %add3A = vector.broadcast %get3A_8 : vector<1x128xf32> to vector<2048x128xf32>
    %add3A_9 = arith.addf %dot_general3A_5, %add3A : vector<2048x128xf32>
    %get3A_10 = arith.constant 0 : index
    %get3A_11 = arith.constant 0 : index
    %get3A_12 = vector.load %arg4[%get3A_10, %get3A_11] : memref<128x128xf32, #tpu.memory_space<vmem>>, vector<128x128xf32>
    %dot_general3A_13 = arith.constant dense<0.000000e+00> : vector<2048x128xf32>
    %dot_general3A_14 = tpu.matmul %add3A_9, %get3A_12, %dot_general3A_13 {dimension_numbers = #tpu.dot_dimension_numbers<[1], [0], [0], [1], [0, 0, 1, 1], [], []>, transpose_lhs_hint = false} : vector<2048x128xf32>, vector<128x128xf32>, vector<2048x128xf32> -> vector<2048x128xf32>
    %slice3A = vector.extract_strided_slice %dot_general3A_14 {offsets = [0, 0], sizes = [2048, 64], strides = [1, 1]} : vector<2048x128xf32> to vector<2048x64xf32>
    %swap3A = arith.constant 0 : index
    %swap3A_15 = arith.constant 0 : index
    %swap3A_16 = arith.constant 0 : index
    %swap3A_17 = vector.load %arg7[%swap3A, %swap3A_15, %swap3A_16] : memref<2x2048x64xf32, #tpu.memory_space<vmem>>, vector<1x2048x64xf32>
    %swap3A_18 = vector.shape_cast %swap3A_17 : vector<1x2048x64xf32> to vector<2048x64xf32>
    %swap3A_19 = vector.shape_cast %slice3A : vector<2048x64xf32> to vector<1x2048x64xf32>
    tpu.vector_store %arg7[%swap3A, %swap3A_15, %swap3A_16], %swap3A_19 {strides = array<i32>} : memref<2x2048x64xf32, #tpu.memory_space<vmem>>, vector<1x2048x64xf32>,
    %slice3A_20 = vector.extract_strided_slice %dot_general3A_14 {offsets = [0, 64], sizes = [2048, 64], strides = [1, 1]} : vector<2048x128xf32> to vector<2048x64xf32>
    %swap3A_21 = arith.constant 1 : index
    %swap3A_22 = arith.constant 0 : index
    %swap3A_23 = arith.constant 0 : index
    %swap3A_24 = vector.load %arg7[%swap3A_21, %swap3A_22, %swap3A_23] : memref<2x2048x64xf32, #tpu.memory_space<vmem>>, vector<1x2048x64xf32>
    %swap3A_25 = vector.shape_cast %swap3A_24 : vector<1x2048x64xf32> to vector<2048x64xf32>
    %swap3A_26 = vector.shape_cast %slice3A_20 : vector<2048x64xf32> to vector<1x2048x64xf32>
    tpu.vector_store %arg7[%swap3A_21, %swap3A_22, %swap3A_23], %swap3A_26 {strides = array<i32>} : memref<2x2048x64xf32, #tpu.memory_space<vmem>>, vector<1x2048x64xf32>,
    %get3A_27 = arith.constant 0 : index
    %get3A_28 = arith.constant 0 : index
    %get3A_29 = vector.load %arg5[%get3A_27, %get3A_28] : memref<128x128xf32, #tpu.memory_space<vmem>>, vector<128x128xf32>
    %dot_general3A_30 = arith.constant dense<0.000000e+00> : vector<2048x128xf32>
    %dot_general3A_31 = tpu.matmul %add3A_9, %get3A_29, %dot_general3A_30 {dimension_numbers = #tpu.dot_dimension_numbers<[1], [0], [0], [1], [0, 0, 1, 1], [], []>, transpose_lhs_hint = false} : vector<2048x128xf32>, vector<128x128xf32>, vector<2048x128xf32> -> vector<2048x128xf32>
    %get3A_32 = arith.constant 0 : index
    %get3A_33 = arith.constant 0 : index
    %get3A_34 = vector.load %arg6[%get3A_32, %get3A_33] : memref<1x128xf32, #tpu.memory_space<vmem>>, vector<1x128xf32>
    %add3A_35 = vector.broadcast %get3A_34 : vector<1x128xf32> to vector<2048x128xf32>
    %add3A_36 = arith.addf %dot_general3A_31, %add3A_35 : vector<2048x128xf32>
    %swap3A_37 = arith.constant 0 : index
    %swap3A_38 = arith.constant 0 : index
    %swap3A_39 = vector.load %arg8[%swap3A_37, %swap3A_38] : memref<2048x128xf32, #tpu.memory_space<vmem>>, vector<2048x128xf32>
    tpu.vector_store %arg8[%swap3A_37, %swap3A_38], %add3A_36 {strides = array<i32>} : memref<2048x128xf32, #tpu.memory_space<vmem>>, vector<2048x128xf32>,
    return
  }
  func.func @transform_0(%arg0: i32) -> (i32, i32) {
    %c0_i32 = arith.constant 0 : i32
    %c0_i32_0 = arith.constant 0 : i32
    return %arg0, %c0_i32 : i32, i32
  }
  func.func @transform_1(%arg0: i32) -> (i32, i32) {
    %c0_i32 = arith.constant 0 : i32
    %c0_i32_0 = arith.constant 0 : i32
    %c0_i32_1 = arith.constant 0 : i32
    return %c0_i32, %c0_i32_0 : i32, i32
  }
  func.func @transform_2(%arg0: i32) -> (i32, i32) {
    %c0_i32 = arith.constant 0 : i32
    %c0_i32_0 = arith.constant 0 : i32
    %c0_i32_1 = arith.constant 0 : i32
    return %c0_i32, %c0_i32_0 : i32, i32
  }
  func.func @transform_3(%arg0: i32) -> (i32, i32) {
    %c0_i32 = arith.constant 0 : i32
    %c0_i32_0 = arith.constant 0 : i32
    %c0_i32_1 = arith.constant 0 : i32
    return %c0_i32, %c0_i32_0 : i32, i32
  }
  func.func @transform_4(%arg0: i32) -> (i32, i32) {
    %c0_i32 = arith.constant 0 : i32
    %c0_i32_0 = arith.constant 0 : i32
    %c0_i32_1 = arith.constant 0 : i32
    return %c0_i32, %c0_i32_0 : i32, i32
  }
  func.func @transform_5(%arg0: i32) -> (i32, i32) {
    %c0_i32 = arith.constant 0 : i32
    %c0_i32_0 = arith.constant 0 : i32
    %c0_i32_1 = arith.constant 0 : i32
    return %c0_i32, %c0_i32_0 : i32, i32
  }
  func.func @transform_6(%arg0: i32) -> (i32, i32, i32) {
    %c0_i32 = arith.constant 0 : i32
    %c0_i32_0 = arith.constant 0 : i32
    %c0_i32_1 = arith.constant 0 : i32
    return %c0_i32, %arg0, %c0_i32_0 : i32, i32, i32
  }
  func.func @transform_7(%arg0: i32) -> (i32, i32) {
    %c0_i32 = arith.constant 0 : i32
    %c0_i32_0 = arith.constant 0 : i32
    return %arg0, %c0_i32 : i32, i32
  }
}

module attributes {stable_mosaic.version = 14 : i64} {
  func.func @body(%arg0: i32, %arg1: memref<2x2048x64xf32, #tpu.memory_space<vmem>>, %arg2: memref<2048x128xf32, #tpu.memory_space<vmem>>, %arg3: memref<128x128xf32, #tpu.memory_space<vmem>>, %arg4: memref<1x128xf32, #tpu.memory_space<vmem>>, %arg5: memref<2048x128xi8, #tpu.memory_space<vmem>>, %arg6: memref<2048x128xf32, #tpu.memory_space<vmem>>, %arg7: memref<1x1xf32, #tpu.memory_space<vmem>>) attributes {dimension_semantics = [#tpu.dimension_semantics<arbitrary>], iteration_bounds = array<i64: 5>, scalar_prefetch = 0 : i64, scratch_operands = 0 : i64, tpu.core_type = #tpu.core_type<tc>, window_params = [{transform_indices = @transform_0, window_bounds = array<i64: 2, 2048, 64>}, {transform_indices = @transform_1, window_bounds = array<i64: 2048, 128>}, {pipeline_mode = #tpu.pipeline_mode<synchronous>, transform_indices = @transform_2, window_bounds = array<i64: 128, 128>}, {pipeline_mode = #tpu.pipeline_mode<synchronous>, transform_indices = @transform_3, window_bounds = array<i64: 1, 128>}, {transform_indices = @transform_4, window_bounds = array<i64: 2048, 128>}, {transform_indices = @transform_5, window_bounds = array<i64: 2048, 128>}, {pipeline_mode = #tpu.pipeline_mode<synchronous>, transform_indices = @transform_6, window_bounds = array<i64: 1, 1>}]} {
    %get3A = arith.constant 0 : index
    %get3A_0 = arith.constant 0 : index
    %get3A_1 = arith.constant 0 : index
    %get3A_2 = vector.load %arg1[%get3A, %get3A_0, %get3A_1] : memref<2x2048x64xf32, #tpu.memory_space<vmem>>, vector<1x2048x64xf32>
    %get3A_3 = vector.shape_cast %get3A_2 : vector<1x2048x64xf32> to vector<2048x64xf32>
    %get3A_4 = arith.constant 1 : index
    %get3A_5 = arith.constant 0 : index
    %get3A_6 = arith.constant 0 : index
    %get3A_7 = vector.load %arg1[%get3A_4, %get3A_5, %get3A_6] : memref<2x2048x64xf32, #tpu.memory_space<vmem>>, vector<1x2048x64xf32>
    %get3A_8 = vector.shape_cast %get3A_7 : vector<1x2048x64xf32> to vector<2048x64xf32>
    %concatenate3A = tpu.concatenate %get3A_3, %get3A_8 in 1 : vector<2048x64xf32>, vector<2048x64xf32> -> vector<2048x128xf32>
    %get3A_9 = arith.constant 0 : index
    %get3A_10 = arith.constant 0 : index
    %get3A_11 = vector.load %arg2[%get3A_9, %get3A_10] : memref<2048x128xf32, #tpu.memory_space<vmem>>, vector<2048x128xf32>
    %add3A = arith.addf %concatenate3A, %get3A_11 : vector<2048x128xf32>
    %iota3A = tpu.iota {dimensions = array<i32: 0>} : vector<2048x128xi32>
    %mul3A = arith.constant 2048 : i32
    %mul3A_12 = arith.muli %arg0, %mul3A : i32
    %add3A_13 = vector.broadcast %mul3A_12 : i32 to vector<2048x128xi32>
    %add3A_14 = arith.addi %iota3A, %add3A_13 : vector<2048x128xi32>
    %ge3A = arith.constant 1.000000e+00 : f32
    %ge3A_15 = vector.broadcast %ge3A : f32 to vector<2048x128xf32>
    %ge3A_16 = arith.cmpf oge, %add3A, %ge3A_15 : vector<2048x128xf32>
    %lt3A = arith.constant 10000 : i32
    %lt3A_17 = vector.broadcast %lt3A : i32 to vector<2048x128xi32>
    %lt3A_18 = arith.cmpi slt, %add3A_14, %lt3A_17 : vector<2048x128xi32>
    %and3A = arith.andi %ge3A_16, %lt3A_18 : vector<2048x128xi1>
    %jit3A = arith.constant 1.000000e+00 : f32
    %jit3A_19 = arith.constant 0.000000e+00 : f32
    %broadcast_in_dim3A = vector.broadcast %jit3A : f32 to vector<2048x128xf32>
    %broadcast_in_dim3A_20 = vector.broadcast %jit3A_19 : f32 to vector<2048x128xf32>
    %select_n3A = arith.select %and3A, %broadcast_in_dim3A, %broadcast_in_dim3A_20 : vector<2048x128xi1>, vector<2048x128xf32>
    %convert_element_type3A = arith.fptoui %select_n3A : vector<2048x128xf32> to vector<2048x128xi8>
    %swap3A = arith.constant 0 : index
    %swap3A_21 = arith.constant 0 : index
    %swap3A_22 = vector.load %arg5[%swap3A, %swap3A_21] : memref<2048x128xi8, #tpu.memory_space<vmem>>, vector<2048x128xi8>
    tpu.vector_store %arg5[%swap3A, %swap3A_21], %convert_element_type3A {strides = array<i32>} : memref<2048x128xi8, #tpu.memory_space<vmem>>, vector<2048x128xi8>,
    %get3A_23 = arith.constant 0 : index
    %get3A_24 = arith.constant 0 : index
    %get3A_25 = vector.load %arg3[%get3A_23, %get3A_24] : memref<128x128xf32, #tpu.memory_space<vmem>>, vector<128x128xf32>
    %dot_general3A = arith.constant dense<0.000000e+00> : vector<2048x128xf32>
    %dot_general3A_26 = tpu.matmul %select_n3A, %get3A_25, %dot_general3A {dimension_numbers = #tpu.dot_dimension_numbers<[1], [0], [0], [1], [0, 0, 1, 1], [], []>, transpose_lhs_hint = false} : vector<2048x128xf32>, vector<128x128xf32>, vector<2048x128xf32> -> vector<2048x128xf32>
    %get3A_27 = arith.constant 0 : index
    %get3A_28 = arith.constant 0 : index
    %get3A_29 = vector.load %arg4[%get3A_27, %get3A_28] : memref<1x128xf32, #tpu.memory_space<vmem>>, vector<1x128xf32>
    %add3A_30 = vector.broadcast %get3A_29 : vector<1x128xf32> to vector<2048x128xf32>
    %add3A_31 = arith.addf %dot_general3A_26, %add3A_30 : vector<2048x128xf32>
    %swap3A_32 = arith.constant 0 : index
    %swap3A_33 = arith.constant 0 : index
    %swap3A_34 = vector.load %arg6[%swap3A_32, %swap3A_33] : memref<2048x128xf32, #tpu.memory_space<vmem>>, vector<2048x128xf32>
    tpu.vector_store %arg6[%swap3A_32, %swap3A_33], %add3A_31 {strides = array<i32>} : memref<2048x128xf32, #tpu.memory_space<vmem>>, vector<2048x128xf32>,
    %eq3A = arith.constant 0 : i32
    %eq3A_35 = arith.cmpi eq, %arg0, %eq3A : i32
    %convert_element_type3A_36 = arith.extui %eq3A_35 : i1 to i32
    %cond3A = arith.constant 0 : i32
    %cond3A_37 = arith.cmpi ne, %convert_element_type3A_36, %cond3A : i32
    scf.if %cond3A_37 {
      %broadcast_in_dim3A_49 = arith.constant 0.000000e+00 : f32
      %broadcast_in_dim3A_50 = vector.broadcast %broadcast_in_dim3A_49 : f32 to vector<1x1xf32>
      %swap3A_51 = arith.constant 0 : index
      %swap3A_52 = arith.constant 0 : index
      %swap3A_53 = vector.load %arg7[%swap3A_51, %swap3A_52] : memref<1x1xf32, #tpu.memory_space<vmem>>, vector<1x1xf32>
      tpu.vector_store %arg7[%swap3A_51, %swap3A_52], %broadcast_in_dim3A_50 {strides = array<i32>} : memref<1x1xf32, #tpu.memory_space<vmem>>, vector<1x1xf32>,
    } else {
    }
    %get3A_38 = arith.constant 0 : index
    %get3A_39 = arith.constant 0 : index
    %get3A_40 = vector.load %arg7[%get3A_38, %get3A_39] : memref<1x1xf32, #tpu.memory_space<vmem>>, vector<1x1xf32>
    %reduce_sum3A = vector.shape_cast %select_n3A : vector<2048x128xf32> to vector<1x2048x128xf32>
    %reduce_sum3A_41 = arith.constant dense<0.000000e+00> : vector<1xf32>
    %reduce_sum3A_42 = vector.multi_reduction <add>, %reduce_sum3A, %reduce_sum3A_41 [1, 2] : vector<1x2048x128xf32> to vector<1xf32>
    %reduce_sum3A_43 = vector.shape_cast %reduce_sum3A_42 : vector<1xf32> to vector<1x1x1xf32>
    %reduce_sum3A_44 = vector.extract %reduce_sum3A_43[0, 0, 0] : f32 from vector<1x1x1xf32>
    %reshape3A = vector.broadcast %reduce_sum3A_44 : f32 to vector<1x1xf32>
    %add3A_45 = arith.addf %get3A_40, %reshape3A : vector<1x1xf32>
    %swap3A_46 = arith.constant 0 : index
    %swap3A_47 = arith.constant 0 : index
    %swap3A_48 = vector.load %arg7[%swap3A_46, %swap3A_47] : memref<1x1xf32, #tpu.memory_space<vmem>>, vector<1x1xf32>
    tpu.vector_store %arg7[%swap3A_46, %swap3A_47], %add3A_45 {strides = array<i32>} : memref<1x1xf32, #tpu.memory_space<vmem>>, vector<1x1xf32>,
    return
  }
  func.func @transform_0(%arg0: i32) -> (i32, i32, i32) {
    %c0_i32 = arith.constant 0 : i32
    %c0_i32_0 = arith.constant 0 : i32
    %c0_i32_1 = arith.constant 0 : i32
    return %c0_i32, %arg0, %c0_i32_0 : i32, i32, i32
  }
  func.func @transform_1(%arg0: i32) -> (i32, i32) {
    %c0_i32 = arith.constant 0 : i32
    %c0_i32_0 = arith.constant 0 : i32
    return %arg0, %c0_i32 : i32, i32
  }
  func.func @transform_2(%arg0: i32) -> (i32, i32) {
    %c0_i32 = arith.constant 0 : i32
    %c0_i32_0 = arith.constant 0 : i32
    %c0_i32_1 = arith.constant 0 : i32
    return %c0_i32, %c0_i32_0 : i32, i32
  }
  func.func @transform_3(%arg0: i32) -> (i32, i32) {
    %c0_i32 = arith.constant 0 : i32
    %c0_i32_0 = arith.constant 0 : i32
    %c0_i32_1 = arith.constant 0 : i32
    return %c0_i32, %c0_i32_0 : i32, i32
  }
  func.func @transform_4(%arg0: i32) -> (i32, i32) {
    %c0_i32 = arith.constant 0 : i32
    %c0_i32_0 = arith.constant 0 : i32
    return %arg0, %c0_i32 : i32, i32
  }
  func.func @transform_5(%arg0: i32) -> (i32, i32) {
    %c0_i32 = arith.constant 0 : i32
    %c0_i32_0 = arith.constant 0 : i32
    return %arg0, %c0_i32 : i32, i32
  }
  func.func @transform_6(%arg0: i32) -> (i32, i32) {
    %c0_i32 = arith.constant 0 : i32
    %c0_i32_0 = arith.constant 0 : i32
    %c0_i32_1 = arith.constant 0 : i32
    return %c0_i32, %c0_i32_0 : i32, i32
  }
}

module attributes {stable_mosaic.version = 14 : i64} {
  func.func @body(%arg0: i32, %arg1: memref<2x2048x32xi32, #tpu.memory_space<vmem>>, %arg2: memref<2048x128xf32, #tpu.memory_space<vmem>>, %arg3: memref<128x128xf32, #tpu.memory_space<vmem>>, %arg4: memref<128x64xf32, #tpu.memory_space<vmem>>, %arg5: memref<1x64xf32, #tpu.memory_space<vmem>>, %arg6: memref<1x64xf32, #tpu.memory_space<vmem>>, %arg7: memref<1x1xf32, #tpu.memory_space<vmem>>, %arg8: memref<128x64xf32, #tpu.memory_space<vmem>>, %arg9: memref<1x64xf32, #tpu.memory_space<vmem>>, %arg10: memref<64x128xf32, #tpu.memory_space<vmem>>, %arg11: memref<1x128xf32, #tpu.memory_space<vmem>>, %arg12: memref<2048x128xf32, #tpu.memory_space<vmem>>, %arg13: memref<2048x1xf32, #tpu.memory_space<vmem>>, %arg14: memref<1x1xf32, #tpu.memory_space<vmem>>, %arg15: memref<1x128xf32, #tpu.memory_space<vmem>>, %arg16: memref<1x128xf32, #tpu.memory_space<vmem>>) attributes {dimension_semantics = [#tpu.dimension_semantics<arbitrary>], iteration_bounds = array<i64: 5>, scalar_prefetch = 0 : i64, scratch_operands = 0 : i64, tpu.core_type = #tpu.core_type<tc>, window_params = [{transform_indices = @transform_0, window_bounds = array<i64: 2, 2048, 32>}, {transform_indices = @transform_1, window_bounds = array<i64: 2048, 128>}, {pipeline_mode = #tpu.pipeline_mode<synchronous>, transform_indices = @transform_2, window_bounds = array<i64: 128, 128>}, {pipeline_mode = #tpu.pipeline_mode<synchronous>, transform_indices = @transform_3, window_bounds = array<i64: 128, 64>}, {pipeline_mode = #tpu.pipeline_mode<synchronous>, transform_indices = @transform_4, window_bounds = array<i64: 1, 64>}, {pipeline_mode = #tpu.pipeline_mode<synchronous>, transform_indices = @transform_5, window_bounds = array<i64: 1, 64>}, {pipeline_mode = #tpu.pipeline_mode<synchronous>, transform_indices = @transform_6, window_bounds = array<i64: 1, 1>}, {pipeline_mode = #tpu.pipeline_mode<synchronous>, transform_indices = @transform_7, window_bounds = array<i64: 128, 64>}, {pipeline_mode = #tpu.pipeline_mode<synchronous>, transform_indices = @transform_8, window_bounds = array<i64: 1, 64>}, {pipeline_mode = #tpu.pipeline_mode<synchronous>, transform_indices = @transform_9, window_bounds = array<i64: 64, 128>}, {pipeline_mode = #tpu.pipeline_mode<synchronous>, transform_indices = @transform_10, window_bounds = array<i64: 1, 128>}, {transform_indices = @transform_11, window_bounds = array<i64: 2048, 128>}, {transform_indices = @transform_12, window_bounds = array<i64: 2048, 1>}, {pipeline_mode = #tpu.pipeline_mode<synchronous>, transform_indices = @transform_13, window_bounds = array<i64: 1, 1>}, {pipeline_mode = #tpu.pipeline_mode<synchronous>, transform_indices = @transform_14, window_bounds = array<i64: 1, 128>}, {pipeline_mode = #tpu.pipeline_mode<synchronous>, transform_indices = @transform_15, window_bounds = array<i64: 1, 128>}]} {
    %get3A = arith.constant 0 : index
    %get3A_0 = arith.constant 0 : index
    %get3A_1 = arith.constant 0 : index
    %get3A_2 = vector.load %arg1[%get3A, %get3A_0, %get3A_1] : memref<2x2048x32xi32, #tpu.memory_space<vmem>>, vector<1x2048x32xi32>
    %get3A_3 = vector.shape_cast %get3A_2 : vector<1x2048x32xi32> to vector<2048x32xi32>
    %get3A_4 = arith.constant 1 : index
    %get3A_5 = arith.constant 0 : index
    %get3A_6 = arith.constant 0 : index
    %get3A_7 = vector.load %arg1[%get3A_4, %get3A_5, %get3A_6] : memref<2x2048x32xi32, #tpu.memory_space<vmem>>, vector<1x2048x32xi32>
    %get3A_8 = vector.shape_cast %get3A_7 : vector<1x2048x32xi32> to vector<2048x32xi32>
    %shift_right_arithmetic3A = arith.constant 0 : i32
    %shift_right_arithmetic3A_9 = vector.broadcast %shift_right_arithmetic3A : i32 to vector<2048x32xi32>
    %shift_right_arithmetic3A_10 = arith.shrsi %get3A_3, %shift_right_arithmetic3A_9 : vector<2048x32xi32>
    %and3A = arith.constant 255 : i32
    %and3A_11 = vector.broadcast %and3A : i32 to vector<2048x32xi32>
    %and3A_12 = arith.andi %shift_right_arithmetic3A_10, %and3A_11 : vector<2048x32xi32>
    %shift_right_arithmetic3A_13 = arith.constant 0 : i32
    %shift_right_arithmetic3A_14 = vector.broadcast %shift_right_arithmetic3A_13 : i32 to vector<2048x32xi32>
    %shift_right_arithmetic3A_15 = arith.shrsi %get3A_8, %shift_right_arithmetic3A_14 : vector<2048x32xi32>
    %and3A_16 = arith.constant 255 : i32
    %and3A_17 = vector.broadcast %and3A_16 : i32 to vector<2048x32xi32>
    %and3A_18 = arith.andi %shift_right_arithmetic3A_15, %and3A_17 : vector<2048x32xi32>
    %add3A = arith.addi %and3A_12, %and3A_18 : vector<2048x32xi32>
    %convert_element_type3A = arith.sitofp %add3A : vector<2048x32xi32> to vector<2048x32xf32>
    %shift_right_arithmetic3A_19 = arith.constant 8 : i32
    %shift_right_arithmetic3A_20 = vector.broadcast %shift_right_arithmetic3A_19 : i32 to vector<2048x32xi32>
    %shift_right_arithmetic3A_21 = arith.shrsi %get3A_3, %shift_right_arithmetic3A_20 : vector<2048x32xi32>
    %and3A_22 = arith.constant 255 : i32
    %and3A_23 = vector.broadcast %and3A_22 : i32 to vector<2048x32xi32>
    %and3A_24 = arith.andi %shift_right_arithmetic3A_21, %and3A_23 : vector<2048x32xi32>
    %shift_right_arithmetic3A_25 = arith.constant 8 : i32
    %shift_right_arithmetic3A_26 = vector.broadcast %shift_right_arithmetic3A_25 : i32 to vector<2048x32xi32>
    %shift_right_arithmetic3A_27 = arith.shrsi %get3A_8, %shift_right_arithmetic3A_26 : vector<2048x32xi32>
    %and3A_28 = arith.constant 255 : i32
    %and3A_29 = vector.broadcast %and3A_28 : i32 to vector<2048x32xi32>
    %and3A_30 = arith.andi %shift_right_arithmetic3A_27, %and3A_29 : vector<2048x32xi32>
    %add3A_31 = arith.addi %and3A_24, %and3A_30 : vector<2048x32xi32>
    %convert_element_type3A_32 = arith.sitofp %add3A_31 : vector<2048x32xi32> to vector<2048x32xf32>
    %shift_right_arithmetic3A_33 = arith.constant 16 : i32
    %shift_right_arithmetic3A_34 = vector.broadcast %shift_right_arithmetic3A_33 : i32 to vector<2048x32xi32>
    %shift_right_arithmetic3A_35 = arith.shrsi %get3A_3, %shift_right_arithmetic3A_34 : vector<2048x32xi32>
    %and3A_36 = arith.constant 255 : i32
    %and3A_37 = vector.broadcast %and3A_36 : i32 to vector<2048x32xi32>
    %and3A_38 = arith.andi %shift_right_arithmetic3A_35, %and3A_37 : vector<2048x32xi32>
    %shift_right_arithmetic3A_39 = arith.constant 16 : i32
    %shift_right_arithmetic3A_40 = vector.broadcast %shift_right_arithmetic3A_39 : i32 to vector<2048x32xi32>
    %shift_right_arithmetic3A_41 = arith.shrsi %get3A_8, %shift_right_arithmetic3A_40 : vector<2048x32xi32>
    %and3A_42 = arith.constant 255 : i32
    %and3A_43 = vector.broadcast %and3A_42 : i32 to vector<2048x32xi32>
    %and3A_44 = arith.andi %shift_right_arithmetic3A_41, %and3A_43 : vector<2048x32xi32>
    %add3A_45 = arith.addi %and3A_38, %and3A_44 : vector<2048x32xi32>
    %convert_element_type3A_46 = arith.sitofp %add3A_45 : vector<2048x32xi32> to vector<2048x32xf32>
    %shift_right_arithmetic3A_47 = arith.constant 24 : i32
    %shift_right_arithmetic3A_48 = vector.broadcast %shift_right_arithmetic3A_47 : i32 to vector<2048x32xi32>
    %shift_right_arithmetic3A_49 = arith.shrsi %get3A_3, %shift_right_arithmetic3A_48 : vector<2048x32xi32>
    %and3A_50 = arith.constant 255 : i32
    %and3A_51 = vector.broadcast %and3A_50 : i32 to vector<2048x32xi32>
    %and3A_52 = arith.andi %shift_right_arithmetic3A_49, %and3A_51 : vector<2048x32xi32>
    %shift_right_arithmetic3A_53 = arith.constant 24 : i32
    %shift_right_arithmetic3A_54 = vector.broadcast %shift_right_arithmetic3A_53 : i32 to vector<2048x32xi32>
    %shift_right_arithmetic3A_55 = arith.shrsi %get3A_8, %shift_right_arithmetic3A_54 : vector<2048x32xi32>
    %and3A_56 = arith.constant 255 : i32
    %and3A_57 = vector.broadcast %and3A_56 : i32 to vector<2048x32xi32>
    %and3A_58 = arith.andi %shift_right_arithmetic3A_55, %and3A_57 : vector<2048x32xi32>
    %add3A_59 = arith.addi %and3A_52, %and3A_58 : vector<2048x32xi32>
    %convert_element_type3A_60 = arith.sitofp %add3A_59 : vector<2048x32xi32> to vector<2048x32xf32>
    %concatenate3A = tpu.concatenate %convert_element_type3A, %convert_element_type3A_32, %convert_element_type3A_46, %convert_element_type3A_60 in 1 : vector<2048x32xf32>, vector<2048x32xf32>, vector<2048x32xf32>, vector<2048x32xf32> -> vector<2048x128xf32>
    %get3A_61 = arith.constant 0 : index
    %get3A_62 = arith.constant 0 : index
    %get3A_63 = vector.load %arg3[%get3A_61, %get3A_62] : memref<128x128xf32, #tpu.memory_space<vmem>>, vector<128x128xf32>
    %dot_general3A = arith.constant dense<0.000000e+00> : vector<2048x128xf32>
    %dot_general3A_64 = tpu.matmul %concatenate3A, %get3A_63, %dot_general3A {dimension_numbers = #tpu.dot_dimension_numbers<[1], [0], [0], [1], [0, 0, 1, 1], [], []>, transpose_lhs_hint = false} : vector<2048x128xf32>, vector<128x128xf32>, vector<2048x128xf32> -> vector<2048x128xf32>
    %get3A_65 = arith.constant 0 : index
    %get3A_66 = arith.constant 0 : index
    %get3A_67 = vector.load %arg2[%get3A_65, %get3A_66] : memref<2048x128xf32, #tpu.memory_space<vmem>>, vector<2048x128xf32>
    %add3A_68 = arith.addf %dot_general3A_64, %get3A_67 : vector<2048x128xf32>
    %iota3A = tpu.iota {dimensions = array<i32: 0>} : vector<2048x128xi32>
    %mul3A = arith.constant 2048 : i32
    %mul3A_69 = arith.muli %arg0, %mul3A : i32
    %add3A_70 = vector.broadcast %mul3A_69 : i32 to vector<2048x128xi32>
    %add3A_71 = arith.addi %iota3A, %add3A_70 : vector<2048x128xi32>
    %ge3A = arith.constant 1.000000e+00 : f32
    %ge3A_72 = vector.broadcast %ge3A : f32 to vector<2048x128xf32>
    %ge3A_73 = arith.cmpf oge, %add3A_68, %ge3A_72 : vector<2048x128xf32>
    %lt3A = arith.constant 10000 : i32
    %lt3A_74 = vector.broadcast %lt3A : i32 to vector<2048x128xi32>
    %lt3A_75 = arith.cmpi slt, %add3A_71, %lt3A_74 : vector<2048x128xi32>
    %and3A_76 = arith.andi %ge3A_73, %lt3A_75 : vector<2048x128xi1>
    %jit3A = arith.constant 1.000000e+00 : f32
    %jit3A_77 = arith.constant 0.000000e+00 : f32
    %broadcast_in_dim3A = vector.broadcast %jit3A : f32 to vector<2048x128xf32>
    %broadcast_in_dim3A_78 = vector.broadcast %jit3A_77 : f32 to vector<2048x128xf32>
    %select_n3A = arith.select %and3A_76, %broadcast_in_dim3A, %broadcast_in_dim3A_78 : vector<2048x128xi1>, vector<2048x128xf32>
    %swap3A = arith.constant 0 : index
    %swap3A_79 = arith.constant 0 : index
    %swap3A_80 = vector.load %arg12[%swap3A, %swap3A_79] : memref<2048x128xf32, #tpu.memory_space<vmem>>, vector<2048x128xf32>
    tpu.vector_store %arg12[%swap3A, %swap3A_79], %select_n3A {strides = array<i32>} : memref<2048x128xf32, #tpu.memory_space<vmem>>, vector<2048x128xf32>,
    %get3A_81 = arith.constant 0 : index
    %get3A_82 = arith.constant 0 : index
    %get3A_83 = vector.load %arg4[%get3A_81, %get3A_82] : memref<128x64xf32, #tpu.memory_space<vmem>>, vector<128x64xf32>
    %dot_general3A_84 = arith.constant dense<0.000000e+00> : vector<2048x64xf32>
    %dot_general3A_85 = tpu.matmul %select_n3A, %get3A_83, %dot_general3A_84 {dimension_numbers = #tpu.dot_dimension_numbers<[1], [0], [0], [1], [0, 0, 1, 1], [], []>, transpose_lhs_hint = false} : vector<2048x128xf32>, vector<128x64xf32>, vector<2048x64xf32> -> vector<2048x64xf32>
    %get3A_86 = arith.constant 0 : index
    %get3A_87 = arith.constant 0 : index
    %get3A_88 = vector.load %arg5[%get3A_86, %get3A_87] : memref<1x64xf32, #tpu.memory_space<vmem>>, vector<1x64xf32>
    %add3A_89 = vector.broadcast %get3A_88 : vector<1x64xf32> to vector<2048x64xf32>
    %add3A_90 = arith.addf %dot_general3A_85, %add3A_89 : vector<2048x64xf32>
    %max3A = arith.constant 0.000000e+00 : f32
    %max3A_91 = vector.broadcast %max3A : f32 to vector<2048x64xf32>
    %max3A_92 = arith.maximumf %add3A_90, %max3A_91 : vector<2048x64xf32>
    %get3A_93 = arith.constant 0 : index
    %get3A_94 = arith.constant 0 : index
    %get3A_95 = vector.load %arg6[%get3A_93, %get3A_94] : memref<1x64xf32, #tpu.memory_space<vmem>>, vector<1x64xf32>
    %mul3A_96 = vector.broadcast %get3A_95 : vector<1x64xf32> to vector<2048x64xf32>
    %mul3A_97 = arith.mulf %max3A_92, %mul3A_96 : vector<2048x64xf32>
    %reduce_sum3A = arith.constant dense<0.000000e+00> : vector<2048xf32>
    %reduce_sum3A_98 = vector.multi_reduction <add>, %mul3A_97, %reduce_sum3A [1] : vector<2048x64xf32> to vector<2048xf32>
    %broadcast_in_dim3A_99 = vector.shape_cast %reduce_sum3A_98 : vector<2048xf32> to vector<2048x1xf32>
    %get3A_100 = arith.constant 0 : index
    %get3A_101 = arith.constant 0 : index
    %get3A_102 = vector.load %arg7[%get3A_100, %get3A_101] : memref<1x1xf32, #tpu.memory_space<vmem>>, vector<1x1xf32>
    %get3A_103 = vector.extract %get3A_102[0, 0] : f32 from vector<1x1xf32>
    %add3A_104 = vector.broadcast %get3A_103 : f32 to vector<2048x1xf32>
    %add3A_105 = arith.addf %broadcast_in_dim3A_99, %add3A_104 : vector<2048x1xf32>
    %ge3A_106 = arith.constant 0.000000e+00 : f32
    %ge3A_107 = vector.broadcast %ge3A_106 : f32 to vector<2048x1xf32>
    %ge3A_108 = arith.cmpf oge, %add3A_105, %ge3A_107 : vector<2048x1xf32>
    %neg3A = arith.constant 0.000000e+00 : f32
    %neg3A_109 = vector.broadcast %neg3A : f32 to vector<2048x1xf32>
    %neg3A_110 = arith.subf %neg3A_109, %add3A_105 : vector<2048x1xf32>
    %exp3A = math.exp %neg3A_110 : vector<2048x1xf32>
    %add3A_111 = arith.constant 1.000000e+00 : f32
    %add3A_112 = vector.broadcast %add3A_111 : f32 to vector<2048x1xf32>
    %add3A_113 = arith.addf %add3A_112, %exp3A : vector<2048x1xf32>
    %div3A = arith.constant 1.000000e+00 : f32
    %div3A_114 = vector.broadcast %div3A : f32 to vector<2048x1xf32>
    %div3A_115 = arith.divf %div3A_114, %add3A_113 : vector<2048x1xf32>
    %exp3A_116 = math.exp %add3A_105 : vector<2048x1xf32>
    %exp3A_117 = math.exp %add3A_105 : vector<2048x1xf32>
    %add3A_118 = arith.constant 1.000000e+00 : f32
    %add3A_119 = vector.broadcast %add3A_118 : f32 to vector<2048x1xf32>
    %add3A_120 = arith.addf %add3A_119, %exp3A_117 : vector<2048x1xf32>
    %div3A_121 = arith.divf %exp3A_116, %add3A_120 : vector<2048x1xf32>
    %select_n3A_122 = arith.select %ge3A_108, %div3A_115, %div3A_121 : vector<2048x1xi1>, vector<2048x1xf32>
    %swap3A_123 = arith.constant 0 : index
    %swap3A_124 = arith.constant 0 : index
    %swap3A_125 = vector.load %arg13[%swap3A_123, %swap3A_124] : memref<2048x1xf32, #tpu.memory_space<vmem>>, vector<2048x1xf32>
    tpu.vector_store %arg13[%swap3A_123, %swap3A_124], %select_n3A_122 {strides = array<i32>} : memref<2048x1xf32, #tpu.memory_space<vmem>>, vector<2048x1xf32>,
    %eq3A = arith.constant 0 : i32
    %eq3A_126 = arith.cmpi eq, %arg0, %eq3A : i32
    %convert_element_type3A_127 = arith.extui %eq3A_126 : i1 to i32
    %cond3A = arith.constant 0 : i32
    %cond3A_128 = arith.cmpi ne, %convert_element_type3A_127, %cond3A : i32
    scf.if %cond3A_128 {
      %broadcast_in_dim3A_156 = arith.constant 0.000000e+00 : f32
      %broadcast_in_dim3A_157 = vector.broadcast %broadcast_in_dim3A_156 : f32 to vector<1x1xf32>
      %swap3A_158 = arith.constant 0 : index
      %swap3A_159 = arith.constant 0 : index
      %swap3A_160 = vector.load %arg14[%swap3A_158, %swap3A_159] : memref<1x1xf32, #tpu.memory_space<vmem>>, vector<1x1xf32>
      tpu.vector_store %arg14[%swap3A_158, %swap3A_159], %broadcast_in_dim3A_157 {strides = array<i32>} : memref<1x1xf32, #tpu.memory_space<vmem>>, vector<1x1xf32>,
      %broadcast_in_dim3A_161 = arith.constant 0.000000e+00 : f32
      %broadcast_in_dim3A_162 = vector.broadcast %broadcast_in_dim3A_161 : f32 to vector<1x128xf32>
      %swap3A_163 = arith.constant 0 : index
      %swap3A_164 = arith.constant 0 : index
      %swap3A_165 = vector.load %arg15[%swap3A_163, %swap3A_164] : memref<1x128xf32, #tpu.memory_space<vmem>>, vector<1x128xf32>
      tpu.vector_store %arg15[%swap3A_163, %swap3A_164], %broadcast_in_dim3A_162 {strides = array<i32>} : memref<1x128xf32, #tpu.memory_space<vmem>>, vector<1x128xf32>,
    } else {
    }
    %get3A_129 = arith.constant 0 : index
    %get3A_130 = arith.constant 0 : index
    %get3A_131 = vector.load %arg14[%get3A_129, %get3A_130] : memref<1x1xf32, #tpu.memory_space<vmem>>, vector<1x1xf32>
    %reduce_sum3A_132 = vector.shape_cast %select_n3A : vector<2048x128xf32> to vector<1x2048x128xf32>
    %reduce_sum3A_133 = arith.constant dense<0.000000e+00> : vector<1xf32>
    %reduce_sum3A_134 = vector.multi_reduction <add>, %reduce_sum3A_132, %reduce_sum3A_133 [1, 2] : vector<1x2048x128xf32> to vector<1xf32>
    %reduce_sum3A_135 = vector.shape_cast %reduce_sum3A_134 : vector<1xf32> to vector<1x1x1xf32>
    %reduce_sum3A_136 = vector.extract %reduce_sum3A_135[0, 0, 0] : f32 from vector<1x1x1xf32>
    %reshape3A = vector.broadcast %reduce_sum3A_136 : f32 to vector<1x1xf32>
    %add3A_137 = arith.addf %get3A_131, %reshape3A : vector<1x1xf32>
    %swap3A_138 = arith.constant 0 : index
    %swap3A_139 = arith.constant 0 : index
    %swap3A_140 = vector.load %arg14[%swap3A_138, %swap3A_139] : memref<1x1xf32, #tpu.memory_space<vmem>>, vector<1x1xf32>
    tpu.vector_store %arg14[%swap3A_138, %swap3A_139], %add3A_137 {strides = array<i32>} : memref<1x1xf32, #tpu.memory_space<vmem>>, vector<1x1xf32>,
    %get3A_141 = arith.constant 0 : index
    %get3A_142 = arith.constant 0 : index
    %get3A_143 = vector.load %arg15[%get3A_141, %get3A_142] : memref<1x128xf32, #tpu.memory_space<vmem>>, vector<1x128xf32>
    %reduce_sum3A_144 = arith.constant dense<0.000000e+00> : vector<128xf32>
    %reduce_sum3A_145 = vector.multi_reduction <add>, %select_n3A, %reduce_sum3A_144 [0] : vector<2048x128xf32> to vector<128xf32>
    %broadcast_in_dim3A_146 = vector.shape_cast %reduce_sum3A_145 : vector<128xf32> to vector<1x128xf32>
    %add3A_147 = arith.addf %get3A_143, %broadcast_in_dim3A_146 : vector<1x128xf32>
    %swap3A_148 = arith.constant 0 : index
    %swap3A_149 = arith.constant 0 : index
    %swap3A_150 = vector.load %arg15[%swap3A_148, %swap3A_149] : memref<1x128xf32, #tpu.memory_space<vmem>>, vector<1x128xf32>
    tpu.vector_store %arg15[%swap3A_148, %swap3A_149], %add3A_147 {strides = array<i32>} : memref<1x128xf32, #tpu.memory_space<vmem>>, vector<1x128xf32>,
    %eq3A_151 = arith.constant 4 : i32
    %eq3A_152 = arith.cmpi eq, %arg0, %eq3A_151 : i32
    %convert_element_type3A_153 = arith.extui %eq3A_152 : i1 to i32
    %cond3A_154 = arith.constant 0 : i32
    %cond3A_155 = arith.cmpi ne, %convert_element_type3A_153, %cond3A_154 : i32
    scf.if %cond3A_155 {
      %get3A_156 = arith.constant 0 : index
      %get3A_157 = arith.constant 0 : index
      %get3A_158 = vector.load %arg15[%get3A_156, %get3A_157] : memref<1x128xf32, #tpu.memory_space<vmem>>, vector<1x128xf32>
      %div3A_159 = arith.constant 1.000000e+04 : f32
      %div3A_160 = vector.broadcast %div3A_159 : f32 to vector<1x128xf32>
      %div3A_161 = arith.divf %get3A_158, %div3A_160 : vector<1x128xf32>
      %get3A_162 = arith.constant 0 : index
      %get3A_163 = arith.constant 0 : index
      %get3A_164 = vector.load %arg8[%get3A_162, %get3A_163] : memref<128x64xf32, #tpu.memory_space<vmem>>, vector<128x64xf32>
      %dot_general3A_165 = arith.constant dense<0.000000e+00> : vector<1x64xf32>
      %dot_general3A_166 = tpu.matmul %div3A_161, %get3A_164, %dot_general3A_165 {dimension_numbers = #tpu.dot_dimension_numbers<[1], [0], [0], [1], [0, 0, 1, 1], [], []>, transpose_lhs_hint = false} : vector<1x128xf32>, vector<128x64xf32>, vector<1x64xf32> -> vector<1x64xf32>
      %get3A_167 = arith.constant 0 : index
      %get3A_168 = arith.constant 0 : index
      %get3A_169 = vector.load %arg9[%get3A_167, %get3A_168] : memref<1x64xf32, #tpu.memory_space<vmem>>, vector<1x64xf32>
      %add3A_170 = arith.addf %dot_general3A_166, %get3A_169 : vector<1x64xf32>
      %max3A_171 = arith.constant 0.000000e+00 : f32
      %max3A_172 = vector.broadcast %max3A_171 : f32 to vector<1x64xf32>
      %max3A_173 = arith.maximumf %add3A_170, %max3A_172 : vector<1x64xf32>
      %get3A_174 = arith.constant 0 : index
      %get3A_175 = arith.constant 0 : index
      %get3A_176 = vector.load %arg10[%get3A_174, %get3A_175] : memref<64x128xf32, #tpu.memory_space<vmem>>, vector<64x128xf32>
      %dot_general3A_177 = arith.constant dense<0.000000e+00> : vector<1x128xf32>
      %dot_general3A_178 = tpu.matmul %max3A_173, %get3A_176, %dot_general3A_177 {dimension_numbers = #tpu.dot_dimension_numbers<[1], [0], [0], [1], [0, 0, 1, 1], [], []>, transpose_lhs_hint = false} : vector<1x64xf32>, vector<64x128xf32>, vector<1x128xf32> -> vector<1x128xf32>
      %get3A_179 = arith.constant 0 : index
      %get3A_180 = arith.constant 0 : index
      %get3A_181 = vector.load %arg11[%get3A_179, %get3A_180] : memref<1x128xf32, #tpu.memory_space<vmem>>, vector<1x128xf32>
      %add3A_182 = arith.addf %dot_general3A_178, %get3A_181 : vector<1x128xf32>
      %swap3A_183 = arith.constant 0 : index
      %swap3A_184 = arith.constant 0 : index
      %swap3A_185 = vector.load %arg16[%swap3A_183, %swap3A_184] : memref<1x128xf32, #tpu.memory_space<vmem>>, vector<1x128xf32>
      tpu.vector_store %arg16[%swap3A_183, %swap3A_184], %add3A_182 {strides = array<i32>} : memref<1x128xf32, #tpu.memory_space<vmem>>, vector<1x128xf32>,
    } else {
    }
    return
  }
  func.func @transform_0(%arg0: i32) -> (i32, i32, i32) {
    %c0_i32 = arith.constant 0 : i32
    %c0_i32_0 = arith.constant 0 : i32
    %c0_i32_1 = arith.constant 0 : i32
    return %c0_i32, %arg0, %c0_i32_0 : i32, i32, i32
  }
  func.func @transform_1(%arg0: i32) -> (i32, i32) {
    %c0_i32 = arith.constant 0 : i32
    %c0_i32_0 = arith.constant 0 : i32
    return %arg0, %c0_i32 : i32, i32
  }
  func.func @transform_2(%arg0: i32) -> (i32, i32) {
    %c0_i32 = arith.constant 0 : i32
    %c0_i32_0 = arith.constant 0 : i32
    %c0_i32_1 = arith.constant 0 : i32
    return %c0_i32, %c0_i32_0 : i32, i32
  }
  func.func @transform_3(%arg0: i32) -> (i32, i32) {
    %c0_i32 = arith.constant 0 : i32
    %c0_i32_0 = arith.constant 0 : i32
    %c0_i32_1 = arith.constant 0 : i32
    return %c0_i32, %c0_i32_0 : i32, i32
  }
  func.func @transform_4(%arg0: i32) -> (i32, i32) {
    %c0_i32 = arith.constant 0 : i32
    %c0_i32_0 = arith.constant 0 : i32
    %c0_i32_1 = arith.constant 0 : i32
    return %c0_i32, %c0_i32_0 : i32, i32
  }
  func.func @transform_5(%arg0: i32) -> (i32, i32) {
    %c0_i32 = arith.constant 0 : i32
    %c0_i32_0 = arith.constant 0 : i32
    %c0_i32_1 = arith.constant 0 : i32
    return %c0_i32, %c0_i32_0 : i32, i32
  }
  func.func @transform_6(%arg0: i32) -> (i32, i32) {
    %c0_i32 = arith.constant 0 : i32
    %c0_i32_0 = arith.constant 0 : i32
    %c0_i32_1 = arith.constant 0 : i32
    return %c0_i32, %c0_i32_0 : i32, i32
  }
  func.func @transform_7(%arg0: i32) -> (i32, i32) {
    %c0_i32 = arith.constant 0 : i32
    %c0_i32_0 = arith.constant 0 : i32
    %c0_i32_1 = arith.constant 0 : i32
    return %c0_i32, %c0_i32_0 : i32, i32
  }
  func.func @transform_8(%arg0: i32) -> (i32, i32) {
    %c0_i32 = arith.constant 0 : i32
    %c0_i32_0 = arith.constant 0 : i32
    %c0_i32_1 = arith.constant 0 : i32
    return %c0_i32, %c0_i32_0 : i32, i32
  }
  func.func @transform_9(%arg0: i32) -> (i32, i32) {
    %c0_i32 = arith.constant 0 : i32
    %c0_i32_0 = arith.constant 0 : i32
    %c0_i32_1 = arith.constant 0 : i32
    return %c0_i32, %c0_i32_0 : i32, i32
  }
  func.func @transform_10(%arg0: i32) -> (i32, i32) {
    %c0_i32 = arith.constant 0 : i32
    %c0_i32_0 = arith.constant 0 : i32
    %c0_i32_1 = arith.constant 0 : i32
    return %c0_i32, %c0_i32_0 : i32, i32
  }
  func.func @transform_11(%arg0: i32) -> (i32, i32) {
    %c0_i32 = arith.constant 0 : i32
    %c0_i32_0 = arith.constant 0 : i32
    return %arg0, %c0_i32 : i32, i32
  }
  func.func @transform_12(%arg0: i32) -> (i32, i32) {
    %c0_i32 = arith.constant 0 : i32
    %c0_i32_0 = arith.constant 0 : i32
    return %arg0, %c0_i32 : i32, i32
  }
  func.func @transform_13(%arg0: i32) -> (i32, i32) {
    %c0_i32 = arith.constant 0 : i32
    %c0_i32_0 = arith.constant 0 : i32
    %c0_i32_1 = arith.constant 0 : i32
    return %c0_i32, %c0_i32_0 : i32, i32
  }
  func.func @transform_14(%arg0: i32) -> (i32, i32) {
    %c0_i32 = arith.constant 0 : i32
    %c0_i32_0 = arith.constant 0 : i32
    %c0_i32_1 = arith.constant 0 : i32
    return %c0_i32, %c0_i32_0 : i32, i32
  }
  func.func @transform_15(%arg0: i32) -> (i32, i32) {
    %c0_i32 = arith.constant 0 : i32
    %c0_i32_0 = arith.constant 0 : i32
    %c0_i32_1 = arith.constant 0 : i32
    return %c0_i32, %c0_i32_0 : i32, i32
  }
}

</mosaic_0001>

<sc_bundles>
// kernel: kernel.10.cloned.1.call-start
scs
__scs_entry_jumppad:
0x0: {  	(pc) =	sbr.rel $0x88, $3  }
0x1: {  	(tag) =	ssettag $0x0;
	lr =	simm.s32 $0x1  }
0x2: {  	[smem:$0x3F8F] =	sst lr;
	_ =	strace $0xD0000000  }
0x3: {  	_ = 	snop  }
0x4: {  	_ = 	snop  }
0x5: {  	_ = 	snop  }
0x6: {  	_ = 	snop  }
0x7: {  	_ = 	snop  }
__scs_overlays_trampoline_lowered:
0x8: {  	[smem:$0x3F9E] =	sst s0  }
0x9: {  	[smem:$0x3F9F] =	sst s1  }
0xa: {  	[smem:$0x3FA0] =	sst s2  }
0xb: {  	[smem:$0x3FA1] =	sst s3  }
0xc: {  	[smem:$0x3FA2] =	sst s4  }
0xd: {  	[smem:$0x3FA3] =	sst s5  }
0xe: {  	[smem:$0x3FA4] =	sst s6  }
0xf: {  	[smem:$0x3FA5] =	sst s7  }
0x10: {  	[smem:$0x3FA6] =	sst s8  }
0x11: {  	[smem:$0x3FA7] =	sst s9;
	s0 =	simm.s32 @!p0 $0x0  }
0x12: {  	s1 =	sld [smem:$0x3F8D];
	s0 =	simm.s32 @p0 $0x1  }
0x13: {  	[smem:$0x3FA8] =	sst s0;
	s0 =	simm.s32 @!p1 $0x0  }
0x14: {  	s2 =	sld [smem:$0x3F8C];
	s0 =	simm.s32 @p1 $0x1  }
0x15: {  	[smem:$0x3FA9] =	sst s0;
	s0 =	simm.s32 @!p2 $0x0  }
0x16: {  	s3 =	sld [smem:$0x3FDB];
	s0 =	simm.s32 @p2 $0x1  }
0x17: {  	s4 =	simm.s32 $0x1BF5;
	[smem:$0x3FAB] =	sst s0  }
0x18: {  	s0 =	sld [smem:$0x3F8E];
	_ =	swait.ge [sflag:s4], $0x0  }
0x19: {  	s7 =	sld [smem:$0x3F8F]  }
0x1a: {  	s8 =	sadd.s32 $0xFFFFE003, lr  }
0x1b: {  	s9 =	sadd.s32 $0xFFFFFEF7, lr;
	s5 =	simm.s32 $0xFFFFFFFF;
	p2 =	slt.u32 s8, $0xFFFFF086  }
0x1c: {  	p1 =	slt.u32 s9, $0xF7A;
	s5 =	simm.s32 @!p2 $0x0  }
0x1d: {  	s5 =	simm.s32 @p1 $0x1;
	p0 =	seq.s32 s7, s2  }
0x1e: {  	s7 =	smul.u32 @!p0 $0xF7A, s2;
	p2 =	seq.s32 @!p0 s5, $0x0  }
0x1f: {  	s9 =	smul.u32 $0xF7A, s1;
	s8 =	simm.s32 @!p0 $0x1BF5;
	p2 =	por !p2, p0  }
0x20: {  	[sflag:s8] =	ssyncset.s32 @!p0 $0xFFFFF086;
	s6 =	sadd.s32 @!p0 s3, s7;
	s7 =	simm.s32 @!p0 $0x108  }
0x21: {  	s3 =	sadd.s32 s3, s9;
	s6 =	sadd.s32 @!p0 $0x88, s6;
	s7 =	simm.s32 @p2 $0x1082  }
0x22: {  	[simem:s7], [sflag:s8] =	dma.local @!p0 [hbm:s6], $0xF7A  }
0x23: {  	s9 =	sor.u32 $0xD0000000, s2;
	s6 =	simm.s32 $0x108;
	_ =	swait.ge @!p0 [sflag:s8], $0x0  }
0x24: {  	s3 =	sadd.s32 $0x88, s3;
	s6 =	simm.s32 @!p1 $0x1082;
	[sflag:s4] =	ssyncset.s32 $0xFFFFF086  }
0x25: {  	[simem:s6], [sflag:s4] =	dma.local [hbm:s3], $0xF7A  }
0x26: {  	[smem:$0x3F8F] =	sst s1;
	(tag) =	ssettag s2;
	_ =	strace s9  }
0x27: {  	s1 =	sld [smem:$0x3F9F]  }
0x28: {  	s2 =	sld [smem:$0x3FA0]  }
0x29: {  	s4 =	sld [smem:$0x3FA2]  }
0x2a: {  	p0 =	seq.s32 s5, $0x0;
	s5 =	sld [smem:$0x3FA3]  }
0x2b: {  	s6 =	sld [smem:$0x3FA4]  }
0x2c: {  	s7 =	sld [smem:$0x3FA5]  }
0x2d: {  	s3 =	simm.s32 $0x108;
	s8 =	sld [smem:$0x3FA6]  }
0x2e: {  	s3 =	simm.s32 @!p0 $0x1082;
	s9 =	sld [smem:$0x3FA7]  }
0x2f: {  	lr =	sadd.s32 s0, s3;
	s0 =	sld [smem:$0x3F9E]  }
0x30: {  	s3 =	sld [smem:$0x3FA1]  }
0x31: {  	[smem:$0x3FAA] =	sst s10  }
0x32: {  	s10 =	sld [smem:$0x3FA8];
	_ =	sdelay $0x3  }
0x33: {  	p0 =	seq.s32 s10, $0x1;
	s10 =	sld [smem:$0x3FAA];
	_ =	sdelay $0x3  }
0x34: {  	[smem:$0x3FAA] =	sst s10  }
0x35: {  	s10 =	sld [smem:$0x3FA9];
	_ =	sdelay $0x3  }
0x36: {  	p1 =	seq.s32 s10, $0x1;
	s10 =	sld [smem:$0x3FAA];
	_ =	sdelay $0x3  }
0x37: {  	[smem:$0x3FAA] =	sst s10  }
0x38: {  	s10 =	sld [smem:$0x3FAB]  }
0x39: {  	_ = 	snop;
	(pc) =	sbr.ind lr, $3  }
0x3a: {  	_ = 	snop  }
0x3b: {  	_ = 	snop  }
0x3c: {  	p2 =	seq.s32 s10, $0x1;
	s10 =	sld [smem:$0x3FAA]  }
0x3d: {  	_ =	shalt  }
0x3e: {  	_ =	shalt  }
0x3f: {  	_ =	shalt  }
0x40: {  	_ =	shalt  }
0x41: {  	_ =	shalt  }
0x42: {  	_ =	shalt  }
0x43: {  	_ =	shalt  }
0x44: {  	_ =	shalt  }
0x45: {  	_ =	shalt  }
0x46: {  	_ =	shalt  }
0x47: {  	_ =	shalt  }
0x48: {  	_ =	shalt  }
0x49: {  	_ =	shalt  }
0x4a: {  	_ =	shalt  }
0x4b: {  	_ =	shalt  }
0x4c: {  	_ =	shalt  }
0x4d: {  	_ =	shalt  }
0x4e: {  	_ =	shalt  }
0x4f: {  	_ =	shalt  }
0x50: {  	_ =	shalt  }
0x51: {  	_ =	shalt  }
0x52: {  	_ =	shalt  }
0x53: {  	_ =	shalt  }
0x54: {  	_ =	shalt  }
0x55: {  	_ =	shalt  }
0x56: {  	_ =	shalt  }
0x57: {  	_ =	shalt  }
0x58: {  	_ =	shalt  }
0x59: {  	_ =	shalt  }
0x5a: {  	_ =	shalt  }
0x5b: {  	_ =	shalt  }
0x5c: {  	_ =	shalt  }
0x5d: {  	_ =	shalt  }
0x5e: {  	_ =	shalt  }
0x5f: {  	_ =	shalt  }
0x60: {  	_ =	shalt  }
0x61: {  	_ =	shalt  }
0x62: {  	_ =	shalt  }
0x63: {  	_ =	shalt  }
0x64: {  	_ =	shalt  }
0x65: {  	_ =	shalt  }
0x66: {  	_ =	shalt  }
0x67: {  	_ =	shalt  }
0x68: {  	_ =	shalt  }
0x69: {  	_ =	shalt  }
0x6a: {  	_ =	shalt  }
0x6b: {  	_ =	shalt  }
0x6c: {  	_ =	shalt  }
0x6d: {  	_ =	shalt  }
0x6e: {  	_ =	shalt  }
0x6f: {  	_ =	shalt  }
0x70: {  	_ =	shalt  }
0x71: {  	_ =	shalt  }
0x72: {  	_ =	shalt  }
0x73: {  	_ =	shalt  }
0x74: {  	_ =	shalt  }
0x75: {  	_ =	shalt  }
0x76: {  	_ =	shalt  }
0x77: {  	_ =	shalt  }
0x78: {  	_ =	shalt  }
0x79: {  	_ =	shalt  }
0x7a: {  	_ =	shalt  }
0x7b: {  	_ =	shalt  }
0x7c: {  	_ =	shalt  }
0x7d: {  	_ =	shalt  }
0x7e: {  	_ =	shalt  }
0x7f: {  	_ =	shalt  }
0x80: {  	_ =	shalt  }
0x81: {  	_ =	shalt  }
0x82: {  	_ =	shalt  }
0x83: {  	_ =	shalt  }
0x84: {  	_ =	shalt  }
0x85: {  	_ =	shalt  }
0x86: {  	_ =	shalt  }
0x87: {  	_ =	shalt  }
.Lfunc_end0:
.L_simem_size_0:
called_computation.1_lowered:
.L_overlay_start_0:
0x88: {  	s2 =	sld [smem:$0x3FD9]  }
0x89: {  	s3 =	sld [smem:$0x3FFE];
	_ =	sdelay $0x1  }
0x8a: {  	s1 =	srdreg.scid  }
0x8b: {  	s0 =	sand.u32 $0x1, s1  }
0x8c: {  	s14 =	sshll.u32 s0, $0xA;
	s2 =	sadd.s32 s3, s2  }
0x8d: {  	s2 =	sadd.s32 s2, s14  }
0x8e: {  	[smem:$0x3FB6] =	sst s2  }
0x8f: {  	_ = 	snop  }
0x90: {  	s2 =	sld [smem:$0x3FD0];
	_ =	sdelay $0x2  }
0x91: {  	s15 =	simm.s32 $0xA;
	s4 =	simm.s32 $0x10  }
0x92: {  	[smem:s4], [sflag:s15] =	dma.local [hbm:s2], $0x1  }
0x93: {  	_ =	swait.eq [sflag:s15], $0x1  }
0x94: {  	[sflag:s15] =	ssyncset.done $0x0  }
0x95: {  	[sflag:s15] =	ssyncadd.s32 $0xFFFFFFFF  }
0x96: {  	s16 =	sld [smem:$0x12];
	(tm) =	ssettm $0x1  }
0x97: {  	s17 =	sld [smem:$0x3FFB];
	_ =	sdelay $0x3  }
0x98: {  	_ =	strace s17  }
0x99: {  	s3 =	sld [smem:$0x3FFC];
	_ =	sdelay $0x3  }
0x9a: {  	_ =	strace s3  }
0x9b: {  	s3 =	sld [smem:$0x3FFD];
	_ =	sdelay $0x3  }
0x9c: {  	_ =	strace s3  }
0x9d: {  	_ =	strace $0x8FFFFFFF  }
0x9e: {  	s18 =	sld [smem:$0x3FDB];
	_ =	sdelay $0x1  }
0x9f: {  	s19 =	simm.s32 $_scs_section_size  }
0xa0: {  	s5 =	simm.s32 $_size__tile_overlayer_lowered;
	s6 =	simm.s32 $_tile_overlayer_lowered  }
0xa1: {  	s22 =	simm.s32 $0x1BFF;
	s21 =	sshll.u32 s6, $0x1;
	s3 =	sadd.s32 s19, s18  }
0xa2: {  	s7 =	simm.s32 $0x0;
	s20 =	sshll.u32 s5, $0x1;
	s5 =	sadd.s32 s21, s3  }
0xa3: {  	[timem:s7], [sflag:s22] =	dma.local [hbm:s5], s20  }
0xa4: {  	_ =	swait.ge [sflag:s22], s20  }
0xa5: {  	s4 =	ssub.s32 $0x0, s20;
	[sflag:s22] =	ssyncset.done $0x0  }
0xa6: {  	[sflag:s22] =	ssyncadd.s32 s4;
	_ =	sdelay $0x1  }
0xa7: {  	s23 =	simm.s32 $0x1B8B  }
0xa8: {  	_ =	swait.ge [sflag:s23], $0x1  }
0xa9: {  	[sflag:s23] =	ssyncset.done $0x0  }
0xaa: {  	s25 =	simm.s32 $0x1B8E;
	s24 =	sld [smem:$0x3FFE];
	[sflag:s23] =	ssyncadd.s32 $0xFFFFFFFF  }
0xab: {  	s26 =	simm.s32 $execute0_lowered;
	[smem:$0x3FD2] =	sst s25  }
0xac: {  	s5 =	sshll.u32 s26, $0x1;
	_ =	strace $0x80000049;
	[dreg:$0x1] =	wrdreg $0xFFFFFFFF  }
0xad: {  	s28 =	simm.s32 $_size_execute0_lowered;
	s3 =	sadd.s32 s3, s5;
	[dreg:$0x0] =	wrdreg $0x0  }
0xae: {  	s5 =	sshll.u32 s28, $0x1;
	[dreg:$0x2] =	wrdreg s3  }
0xaf: {  	[dreg:$0x3] =	wrdreg s5  }
0xb0: {  	[dreg:$0x4] =	wrdreg $0xC0  }
0xb1: {  	_ =	task [dreg:s7], $0x5FFFF  }
0xb2: {  	[dreg:$0x1] =	wrdreg $0xFFFFFFFF  }
0xb3: {  	[dreg:$0x0] =	wrdreg $0x60  }
0xb4: {  	[dreg:$0x2] =	wrdreg s24  }
0xb5: {  	[dreg:$0x3] =	wrdreg s16  }
0xb6: {  	[dreg:$0x4] =	wrdreg $0xAF000  }
0xb7: {  	[dreg:$0x5] =	wrdreg $0x9  }
0xb8: {  	_ =	task.clear_ibuf [dreg:s7], $0x6FFFF;
	_ =	strace $0x90000049  }
0xb9: {  	s29 =	simm.s32 $0x9;
	_ =	strace $0x8000004B  }
0xba: {  	_ =	swait.ge [sflag:s29], $0x1  }
0xbb: {  	[sflag:s29] =	ssyncadd.s32 $0xFFFFFFFF  }
0xbc: {  	_ =	strace $0x9000004B  }
0xbd: {  	_ =	sfence  }
0xbe: {  	s30 =	sld [smem:$0x0];
	_ =	sdelay $0x2  }
0xbf: {  	s31 =	sshll.u32 s1, $0xD;
	s1 =	sshrl.u32 s1, $0x2  }
0xc0: {  	s3 =	sand.u32 $0x4000, s31;
	s1 =	sadd.s32 s1, s30  }
0xc1: {  	s0 =	sor.u32 s3, s0;
	s1 =	sshll.u32 s1, $0x11  }
0xc2: {  	s0 =	sor.u32 s1, s0  }
0xc3: {  	s0 =	sadd.s32 $0x8F2B, s0  }
0xc4: {  	[sflag:s0] =	ssyncadd.remote.s32 $0x1  }
0xc5: {  	_ =	sfence.sel $0xFFFF  }
0xc6: {  	[dreg:$0x0] =	wrdreg $0xFFFFFFFF;
	(pc) =	sbr.abs _section_cstart, $3  }
0xc7: {  	[dreg:$0x1] =	wrdreg $0xFFFFFFFF  }
0xc8: {  	_ =	task.clear_ibuf [dreg:s7], $0x2FFFF;
	_ =	strace $0x9FFFFFFF  }
0xc9: {  	(tm) =	ssettm $0x7FFFFFFF  }
tec
execute0_lowered:
.L_overlay_start_1:
0x0: {  	(tag) =	ssettag $0x1  }
0x1: {  	s0 =	rddreg [dreg:$0x0]  }
0x2: {  	s1 =	rddreg [dreg:$0x1]  }
0x3: {  	s2 =	rddreg [dreg:$0x2];
	s4 =	simm.s32 $0x0  }
0x4: {  	s3 =	srdreg.scid;
	s10 =	stileid.u32;
	s14 =	simm.s32 $0x2780  }
0x5: {  	s23 =	simm.s32 $0x6F00;
	s29 =	simm.s32 $0x8F00;
	s31 =	simm.s32 $0x9F00  }
0x6: {  	s28 =	simm.s32 $0x3;
	s30 =	simm.s32 $0x4;
	s11 =	simm.s32 $0xD  }
0x7: {  	[smem:$0x7FF] =	sst s4;
	s3 =	sand.u32 $0x1, s3;
	s15 =	sshll.u32 s10, $0x1  }
0x8: {  	s4 =	sadd.s32 $0x16000, s0;
	s0 =	sadd.s32 $0x2600, s0;
	s9 =	smul.u32 $0x13C00, s10  }
0x9: {  	s17 =	smul.u32 $0x4F00, s10;
	p0 =	slt.u32 s10, $0x2;
	p1 =	sgt.u32 s10, $0x1  }
0xa: {  	s5 =	sor.u32 s3, s15;
	s6 =	ssub.s32 $0x2, s3;
	s3 =	smul.u32 $0x50000, s3  }
0xb: {  	s10 =	simm.s32 $0x7;
	_ =	strace $0x8000004A;
	s7 =	smul.u32 $0x2700, s5  }
0xc: {  	s8 =	sshrl.u32 s6, $0x1;
	s5 =	sshll.u32 s5, $0x4;
	s18 =	sshrl.u32 s9, $0x2  }
0xd: {  	s22 =	sadd.s32 s17, s2;
	s9 =	simm.s32 $0xC;
	s6 =	ssub.s32 s6, s8  }
0xe: {  	s3 =	sadd.s32 s17, s3;
	s17 =	simm.s32 $0x4F00;
	s7 =	sshrl.u32 s7, $0x3  }
0xf: {  	s21 =	sshrl.u32 s3, $0x3;
	s24 =	smax.u32 s6, $0x1;
	s3 =	simm.s32 $0x5  }
0x10: {  	s6 =	simm.s32 $0xB;
	s16 =	sadd.s32 s0, s7;
	[dreg:$0xa] =	wrdreg s24  }
0x11: {  	s0 =	sadd.s32 s5, s0;
	[dreg:$0x4] =	wrdreg s16;
	s8 =	sadd.s32 $0x9C40, s16  }
0x12: {  	s24 =	simm.s32 $0x9;
	s19 =	sadd.s32 $0x9C00, s0;
	[dreg:$0x5] =	wrdreg s8  }
0x13: {  	s7 =	simm.s32 $0x6;
	s0 =	sadd.s32 $0x13840, s0;
	[dreg:$0x6] =	wrdreg s19  }
0x14: {  	s16 =	simm.s32 $0x0;
	s8 =	sadd.s32 s18, s2;
	[dreg:$0x7] =	wrdreg s0  }
0x15: {  	s0 =	sadd.s32 s1, s21;
	s18 =	simm.s32 $0xE;
	s19 =	simm.s32 $0x1  }
0x16: {  	s21 =	simm.s32 $0x5F00;
	s20 =	sadd.s32 $0x4000, s8;
	[dreg:$0x9] =	wrdreg s0  }
0x17: {  	s1 =	simm.s32 $0xA;
	s25 =	sadd.s32 $0x1000, s8;
	[dreg:$0x8] =	wrdreg s20  }
0x18: {  	s26 =	sadd.s32 $0x2000, s8;
	s15 =	sadd.s32 $0x3000, s8;
	[dreg:$0xb] =	wrdreg s25  }
0x19: {  	s0 =	simm.s32 $0x2;
	[dreg:$0xc] =	wrdreg s26;
	s20 =	simm.s32 $0x80  }
0x1a: {  	v0 =	vimm.s32 $0x0;
	s25 =	sshrl.u32 s22, $0x3;
	s26 =	simm.s32 $0x7F00;
	s22 =	simm.s32 $0x8  }
.LBB2_1:
0x1b: {  	s5 =	simm.s32 $0x0;
	s12 =	rddreg [dreg:$0x4]  }
0x1c: {  	[tilespmem:s5], [sflag:$0x1] =	stream.linear.gather [hbm4b:s12+s5], $0x2700, $0x38;
	[tilespmem:$0xFE00] =	vst v63  }
0x1d: {  	s13 =	rddreg [dreg:$0x5]  }
0x1e: {  	[tilespmem:s14], [sflag:$0x1] =	stream.linear.gather [hbm4b:s13+s5], $0x2700, $0x38;
	[tilespmem:$0xFE00] =	vst v63  }
0x1f: {  	s12 =	simm.s32 @p0 $0x2700;
	s5 =	simm.s32 @p0 $0x0;
	s13 =	rddreg [dreg:$0x6]  }
0x20: {  	[tilespmem:s12], [sflag:$0x1] =	stream.linear.gather @p0 [hbm4b:s13+s5], $0x80, $0x38;
	[tilespmem:$0xFE00] =	vst v63  }
0x21: {  	s12 =	simm.s32 @p0 $0x4E80;
	s13 =	rddreg [dreg:$0x7]  }
0x22: {  	[tilespmem:s12], [sflag:$0x1] =	stream.linear.gather @p0 [hbm4b:s13+s5], $0x80, $0x38;
	[tilespmem:$0xFE00] =	vst v63  }
0x23: {  	s5 =	simm.s32 $0x80;
	s12 =	simm.s32 $0x0  }
.LBB2_2:
0x24: {  	p2 =	seq.s32 s5, $0x3F80;
	[tilespmem:s12+$0x4F00] =	vst v0;
	s13 =	smov.u32 s5;
	s5 =	sadd.s32 $0x80, s5  }
.Ltmp0:
0x25: {  	[tilespmem:s12+$0x4F10] =	vst v0;
	(pc) =	sbr.rel @!p2 .LBB2_2-.Ltmp0, $2  }
0x26: {  	_ =	sdelay $0x2  }
0x27: {  	s12 =	sshra.s32 s13, $0x2  }
0x28: {  	[tilespmem:s12+$0x4F00] =	vst v0  }
0x29: {  	[tilespmem:s12+$0x4F10] =	vst v0  }
0x2a: {  	[spmem:s8] =	stream.linear.scatter [tilespmem:s17], [sflag:$0xE], $0x1000, $0x38;
	[tilespmem:$0xFE00] =	vst v63  }
0x2b: {  	_ =	swait.ge [sflag:s18], $0x1000  }
0x2c: {  	[sflag:s18] =	ssyncset.done $0x0  }
0x2d: {  	s5 =	rddreg [dreg:$0xb];
	[sflag:s18] =	ssyncadd.s32 $0xFFFFF000  }
0x2e: {  	[spmem:s5] =	stream.linear.scatter [tilespmem:s17], [sflag:$0xE], $0x1000, $0x38;
	[tilespmem:$0xFE00] =	vst v63  }
0x2f: {  	_ =	swait.ge [sflag:s18], $0x1000  }
0x30: {  	[sflag:s18] =	ssyncset.done $0x0  }
0x31: {  	s13 =	rddreg [dreg:$0xc];
	[sflag:s18] =	ssyncadd.s32 $0xFFFFF000  }
0x32: {  	[spmem:s13] =	stream.linear.scatter [tilespmem:s17], [sflag:$0xE], $0x1000, $0x38;
	[tilespmem:$0xFE00] =	vst v63  }
0x33: {  	_ =	swait.ge [sflag:s18], $0x1000  }
0x34: {  	[sflag:s18] =	ssyncset.done $0x0  }
0x35: {  	[sflag:s18] =	ssyncadd.s32 $0xFFFFF000  }
0x36: {  	[spmem:s15] =	stream.linear.scatter [tilespmem:s17], [sflag:$0xE], $0x1000, $0x38;
	[tilespmem:$0xFE00] =	vst v63  }
0x37: {  	_ =	swait.ge [sflag:s18], $0x1000  }
0x38: {  	[sflag:s18] =	ssyncset.done $0x0  }
0x39: {  	s12 =	rddreg [dreg:$0x8];
	[sflag:s18] =	ssyncadd.s32 $0xFFFFF000  }
0x3a: {  	[spmem:s12] =	stream.linear.scatter [tilespmem:s17], [sflag:$0xE], $0xF00, $0x38;
	[tilespmem:$0xFE00] =	vst v63  }
0x3b: {  	_ =	swait.ge [sflag:s18], $0xF00  }
0x3c: {  	[sflag:s18] =	ssyncset.done $0x0  }
0x3d: {  	[sflag:s18] =	ssyncadd.s32 $0xFFFFF100  }
0x3e: {  	_ =	swait.ge [sflag:s19], $0x2700  }
0x3f: {  	[sflag:s19] =	ssyncset.done $0x0  }
0x40: {  	[sflag:s19] =	ssyncadd.s32 $0xFFFFD900  }
0x41: {  	_ =	swait.ge [sflag:s19], $0x2700  }
0x42: {  	[sflag:s19] =	ssyncset.done $0x0  }
0x43: {  	s5 =	simm.s32 @p0 $0x1;
	[sflag:s19] =	ssyncadd.s32 $0xFFFFD900  }
0x44: {  	_ =	swait.ge @p0 [sflag:s5], $0x80  }
0x45: {  	[sflag:s5] =	ssyncset.done @p0 $0x0  }
0x46: {  	[sflag:s5] =	ssyncadd.s32 @p0 $0xFFFFFF80  }
0x47: {  	_ =	swait.ge @p0 [sflag:s5], $0x80  }
0x48: {  	[sflag:s5] =	ssyncset.done @p0 $0x0  }
0x49: {  	[sflag:s5] =	ssyncadd.s32 @p0 $0xFFFFFF80  }
0x4a: {  	s13 =	simm.s32 $0x0;
	[bflag:$0x0] =	sbarrier.arrive $0xFFFF  }
0x4b: {  	[tilespmem:s17], [sflag:$0x2] =	stream.indirect.gather [hbm4b:s4+s20], $0x20, s13, s20, $0xb8;
	[tilespmem:$0xFE00] =	vst v63  }
0x4c: {  	_ = 	snop  }
0x4d: {  	[tilespmem:s21], [sflag:$0x3] =	stream.indirect.gather [hbm4b:s4+s20], $0x20, s20, s20, $0xb8;
	[tilespmem:$0xFE00] =	vst v63  }
0x4e: {  	s12 =	simm.s32 $0x100  }
0x4f: {  	[tilespmem:s23], [sflag:$0x4] =	stream.indirect.gather [hbm4b:s4+s20], $0x20, s12, s20, $0xb8;
	[tilespmem:$0xFE00] =	vst v63  }
0x50: {  	s13 =	simm.s32 $0x180  }
0x51: {  	[tilespmem:s26], [sflag:$0x5] =	stream.indirect.gather [hbm4b:s4+s20], $0x20, s13, s20, $0xb8;
	[tilespmem:$0xFE00] =	vst v63  }
0x52: {  	s12 =	simm.s32 $0x200  }
0x53: {  	[tilespmem:s29], [sflag:$0x6] =	stream.indirect.gather [hbm4b:s4+s20], $0x20, s12, s20, $0xb8;
	[tilespmem:$0xFE00] =	vst v63  }
0x54: {  	s13 =	simm.s32 $0x280  }
0x55: {  	[tilespmem:s31], [sflag:$0x7] =	stream.indirect.gather [hbm4b:s4+s20], $0x20, s13, s20, $0xb8;
	[tilespmem:$0xFE00] =	vst v63  }
0x56: {  	_ =	swait.ge [sflag:s0], $0x1000  }
0x57: {  	[sflag:s0] =	ssyncset.done $0x0  }
0x58: {  	[sflag:s0] =	ssyncadd.s32 $0xFFFFF000  }
0x59: {  	[spmem:s2] =	stream.indirect.scatter.add.s32 [tilespmem:s17], [sflag:$0x8], $0x20, s14, s20, $0xb8;
	[tilespmem:$0xFE00] =	vst v63  }
0x5a: {  	_ =	swait.ge [sflag:s22], $0x1000  }
0x5b: {  	[sflag:s22] =	ssyncset.done $0x0  }
0x5c: {  	s12 =	simm.s32 $0x300;
	[sflag:s22] =	ssyncadd.s32 $0xFFFFF000  }
0x5d: {  	[tilespmem:s17], [sflag:$0x2] =	stream.indirect.gather [hbm4b:s4+s20], $0x20, s12, s20, $0xb8;
	[tilespmem:$0xFE00] =	vst v63  }
0x5e: {  	_ =	swait.ge [sflag:s28], $0x1000  }
0x5f: {  	[sflag:s28] =	ssyncset.done $0x0  }
0x60: {  	s13 =	simm.s32 $0x2800;
	[sflag:s28] =	ssyncadd.s32 $0xFFFFF000  }
0x61: {  	[spmem:s2] =	stream.indirect.scatter.add.s32 [tilespmem:s21], [sflag:$0x9], $0x20, s13, s20, $0xb8;
	[tilespmem:$0xFE00] =	vst v63  }
0x62: {  	_ =	swait.ge [sflag:s24], $0x1000  }
0x63: {  	[sflag:s24] =	ssyncset.done $0x0  }
0x64: {  	s14 =	simm.s32 $0x380;
	[sflag:s24] =	ssyncadd.s32 $0xFFFFF000  }
0x65: {  	[tilespmem:s21], [sflag:$0x3] =	stream.indirect.gather [hbm4b:s4+s20], $0x20, s14, s20, $0xb8;
	[tilespmem:$0xFE00] =	vst v63  }
0x66: {  	_ =	swait.ge [sflag:s30], $0x1000  }
0x67: {  	[sflag:s30] =	ssyncset.done $0x0  }
0x68: {  	s12 =	simm.s32 $0x2880;
	[sflag:s30] =	ssyncadd.s32 $0xFFFFF000  }
0x69: {  	[spmem:s2] =	stream.indirect.scatter.add.s32 [tilespmem:s23], [sflag:$0xA], $0x20, s12, s20, $0xb8;
	[tilespmem:$0xFE00] =	vst v63  }
0x6a: {  	_ =	swait.ge [sflag:s1], $0x1000  }
0x6b: {  	[sflag:s1] =	ssyncset.done $0x0  }
0x6c: {  	s13 =	simm.s32 $0x400;
	[sflag:s1] =	ssyncadd.s32 $0xFFFFF000  }
0x6d: {  	[tilespmem:s23], [sflag:$0x4] =	stream.indirect.gather [hbm4b:s4+s20], $0x20, s13, s20, $0xb8;
	[tilespmem:$0xFE00] =	vst v63  }
0x6e: {  	_ =	swait.ge [sflag:s3], $0x1000  }
0x6f: {  	[sflag:s3] =	ssyncset.done $0x0  }
0x70: {  	s14 =	simm.s32 $0x2900;
	[sflag:s3] =	ssyncadd.s32 $0xFFFFF000  }
0x71: {  	[spmem:s2] =	stream.indirect.scatter.add.s32 [tilespmem:s26], [sflag:$0xB], $0x20, s14, s20, $0xb8;
	[tilespmem:$0xFE00] =	vst v63  }
0x72: {  	_ =	swait.ge [sflag:s6], $0x1000  }
0x73: {  	[sflag:s6] =	ssyncset.done $0x0  }
0x74: {  	s12 =	simm.s32 $0x480;
	[sflag:s6] =	ssyncadd.s32 $0xFFFFF000  }
0x75: {  	[tilespmem:s26], [sflag:$0x5] =	stream.indirect.gather [hbm4b:s4+s20], $0x20, s12, s20, $0xb8;
	[tilespmem:$0xFE00] =	vst v63  }
0x76: {  	_ =	swait.ge [sflag:s7], $0x1000  }
0x77: {  	[sflag:s7] =	ssyncset.done $0x0  }
0x78: {  	s13 =	simm.s32 $0x2980;
	[sflag:s7] =	ssyncadd.s32 $0xFFFFF000  }
0x79: {  	[spmem:s2] =	stream.indirect.scatter.add.s32 [tilespmem:s29], [sflag:$0xC], $0x20, s13, s20, $0xb8;
	[tilespmem:$0xFE00] =	vst v63  }
0x7a: {  	_ =	swait.ge [sflag:s9], $0x1000  }
0x7b: {  	[sflag:s9] =	ssyncset.done $0x0  }
0x7c: {  	s14 =	simm.s32 $0x500;
	[sflag:s9] =	ssyncadd.s32 $0xFFFFF000  }
0x7d: {  	[tilespmem:s29], [sflag:$0x6] =	stream.indirect.gather [hbm4b:s4+s20], $0x20, s14, s20, $0xb8;
	[tilespmem:$0xFE00] =	vst v63  }
0x7e: {  	_ =	swait.ge [sflag:s10], $0x1000  }
0x7f: {  	[sflag:s10] =	ssyncset.done $0x0  }
0x80: {  	s12 =	simm.s32 $0x2A00;
	[sflag:s10] =	ssyncadd.s32 $0xFFFFF000  }
0x81: {  	[spmem:s2] =	stream.indirect.scatter.add.s32 [tilespmem:s31], [sflag:$0xD], $0x20, s12, s20, $0xb8;
	[tilespmem:$0xFE00] =	vst v63  }
0x82: {  	_ =	swait.ge [sflag:s11], $0x1000  }
0x83: {  	[sflag:s11] =	ssyncset.done $0x0  }
0x84: {  	s13 =	simm.s32 $0x580;
	[sflag:s11] =	ssyncadd.s32 $0xFFFFF000  }
0x85: {  	[tilespmem:s31], [sflag:$0x7] =	stream.indirect.gather [hbm4b:s4+s20], $0x20, s13, s20, $0xb8;
	[tilespmem:$0xFE00] =	vst v63  }
0x86: {  	_ =	swait.ge [sflag:s0], $0x1000  }
0x87: {  	[sflag:s0] =	ssyncset.done $0x0  }
0x88: {  	s14 =	simm.s32 $0x2A80;
	[sflag:s0] =	ssyncadd.s32 $0xFFFFF000  }
0x89: {  	[spmem:s2] =	stream.indirect.scatter.add.s32 [tilespmem:s17], [sflag:$0x8], $0x20, s14, s20, $0xb8;
	[tilespmem:$0xFE00] =	vst v63  }
0x8a: {  	_ =	swait.ge [sflag:s22], $0x1000  }
0x8b: {  	[sflag:s22] =	ssyncset.done $0x0  }
0x8c: {  	s12 =	simm.s32 $0x600;
	[sflag:s22] =	ssyncadd.s32 $0xFFFFF000  }
0x8d: {  	[tilespmem:s17], [sflag:$0x2] =	stream.indirect.gather [hbm4b:s4+s20], $0x20, s12, s20, $0xb8;
	[tilespmem:$0xFE00] =	vst v63  }
0x8e: {  	_ =	swait.ge [sflag:s28], $0x1000  }
0x8f: {  	[sflag:s28] =	ssyncset.done $0x0  }
0x90: {  	s13 =	simm.s32 $0x2B00;
	[sflag:s28] =	ssyncadd.s32 $0xFFFFF000  }
0x91: {  	[spmem:s2] =	stream.indirect.scatter.add.s32 [tilespmem:s21], [sflag:$0x9], $0x20, s13, s20, $0xb8;
	[tilespmem:$0xFE00] =	vst v63  }
0x92: {  	_ =	swait.ge [sflag:s24], $0x1000  }
0x93: {  	[sflag:s24] =	ssyncset.done $0x0  }
0x94: {  	s14 =	simm.s32 $0x680;
	[sflag:s24] =	ssyncadd.s32 $0xFFFFF000  }
0x95: {  	[tilespmem:s21], [sflag:$0x3] =	stream.indirect.gather [hbm4b:s4+s20], $0x20, s14, s20, $0xb8;
	[tilespmem:$0xFE00] =	vst v63  }
0x96: {  	_ =	swait.ge [sflag:s30], $0x1000  }
0x97: {  	[sflag:s30] =	ssyncset.done $0x0  }
0x98: {  	s12 =	simm.s32 $0x2B80;
	[sflag:s30] =	ssyncadd.s32 $0xFFFFF000  }
0x99: {  	[spmem:s2] =	stream.indirect.scatter.add.s32 [tilespmem:s23], [sflag:$0xA], $0x20, s12, s20, $0xb8;
	[tilespmem:$0xFE00] =	vst v63  }
0x9a: {  	_ =	swait.ge [sflag:s1], $0x1000  }
0x9b: {  	[sflag:s1] =	ssyncset.done $0x0  }
0x9c: {  	s13 =	simm.s32 $0x700;
	[sflag:s1] =	ssyncadd.s32 $0xFFFFF000  }
0x9d: {  	[tilespmem:s23], [sflag:$0x4] =	stream.indirect.gather [hbm4b:s4+s20], $0x20, s13, s20, $0xb8;
	[tilespmem:$0xFE00] =	vst v63  }
0x9e: {  	_ =	swait.ge [sflag:s3], $0x1000  }
0x9f: {  	[sflag:s3] =	ssyncset.done $0x0  }
0xa0: {  	s14 =	simm.s32 $0x2C00;
	[sflag:s3] =	ssyncadd.s32 $0xFFFFF000  }
0xa1: {  	[spmem:s2] =	stream.indirect.scatter.add.s32 [tilespmem:s26], [sflag:$0xB], $0x20, s14, s20, $0xb8;
	[tilespmem:$0xFE00] =	vst v63  }
0xa2: {  	_ =	swait.ge [sflag:s6], $0x1000  }
0xa3: {  	[sflag:s6] =	ssyncset.done $0x0  }
0xa4: {  	s12 =	simm.s32 $0x780;
	[sflag:s6] =	ssyncadd.s32 $0xFFFFF000  }
0xa5: {  	[tilespmem:s26], [sflag:$0x5] =	stream.indirect.gather [hbm4b:s4+s20], $0x20, s12, s20, $0xb8;
	[tilespmem:$0xFE00] =	vst v63  }
0xa6: {  	_ =	swait.ge [sflag:s7], $0x1000  }
0xa7: {  	[sflag:s7] =	ssyncset.done $0x0  }
0xa8: {  	s13 =	simm.s32 $0x2C80;
	[sflag:s7] =	ssyncadd.s32 $0xFFFFF000  }
0xa9: {  	[spmem:s2] =	stream.indirect.scatter.add.s32 [tilespmem:s29], [sflag:$0xC], $0x20, s13, s20, $0xb8;
	[tilespmem:$0xFE00] =	vst v63  }
0xaa: {  	_ =	swait.ge [sflag:s9], $0x1000  }
0xab: {  	[sflag:s9] =	ssyncset.done $0x0  }
0xac: {  	s14 =	simm.s32 $0x800;
	[sflag:s9] =	ssyncadd.s32 $0xFFFFF000  }
0xad: {  	[tilespmem:s29], [sflag:$0x6] =	stream.indirect.gather [hbm4b:s4+s20], $0x20, s14, s20, $0xb8;
	[tilespmem:$0xFE00] =	vst v63  }
0xae: {  	_ =	swait.ge [sflag:s10], $0x1000  }
0xaf: {  	[sflag:s10] =	ssyncset.done $0x0  }
0xb0: {  	s5 =	simm.s32 $0xC00;
	s12 =	simm.s32 $0x2D00;
	[sflag:s10] =	ssyncadd.s32 $0xFFFFF000  }
.LBB2_4:
0xb1: {  	[spmem:s2] =	stream.indirect.scatter.add.s32 [tilespmem:s31], [sflag:$0xD], $0x20, s12, s20, $0xb8;
	[tilespmem:$0xFE00] =	vst v63  }
0xb2: {  	s12 =	smov.u32 s5;
	s5 =	sadd.s32 $0xC00, s5;
	_ =	swait.ge [sflag:s11], $0x1000  }
0xb3: {  	s12 =	sshra.s32 s12, $0x2;
	p2 =	sne.s32 s5, $0x8400;
	[sflag:s11] =	ssyncset.done $0x0  }
0xb4: {  	s13 =	sadd.s32 $0x580, s12;
	[sflag:s11] =	ssyncadd.s32 $0xFFFFF000  }
0xb5: {  	[tilespmem:s31], [sflag:$0x7] =	stream.indirect.gather [hbm4b:s4+s20], $0x20, s13, s20, $0xb8;
	[tilespmem:$0xFE00] =	vst v63  }
0xb6: {  	_ =	swait.ge [sflag:s0], $0x1000  }
0xb7: {  	[sflag:s0] =	ssyncset.done $0x0  }
0xb8: {  	s13 =	sadd.s32 $0x2A80, s12;
	[sflag:s0] =	ssyncadd.s32 $0xFFFFF000  }
0xb9: {  	[spmem:s2] =	stream.indirect.scatter.add.s32 [tilespmem:s17], [sflag:$0x8], $0x20, s13, s20, $0xb8;
	[tilespmem:$0xFE00] =	vst v63  }
0xba: {  	_ =	swait.ge [sflag:s22], $0x1000  }
0xbb: {  	[sflag:s22] =	ssyncset.done $0x0  }
0xbc: {  	s13 =	sadd.s32 $0x600, s12;
	[sflag:s22] =	ssyncadd.s32 $0xFFFFF000  }
0xbd: {  	[tilespmem:s17], [sflag:$0x2] =	stream.indirect.gather [hbm4b:s4+s20], $0x20, s13, s20, $0xb8;
	[tilespmem:$0xFE00] =	vst v63  }
0xbe: {  	_ =	swait.ge [sflag:s28], $0x1000  }
0xbf: {  	[sflag:s28] =	ssyncset.done $0x0  }
0xc0: {  	s13 =	sadd.s32 $0x2B00, s12;
	[sflag:s28] =	ssyncadd.s32 $0xFFFFF000  }
0xc1: {  	[spmem:s2] =	stream.indirect.scatter.add.s32 [tilespmem:s21], [sflag:$0x9], $0x20, s13, s20, $0xb8;
	[tilespmem:$0xFE00] =	vst v63  }
0xc2: {  	_ =	swait.ge [sflag:s24], $0x1000  }
0xc3: {  	[sflag:s24] =	ssyncset.done $0x0  }
0xc4: {  	s13 =	sadd.s32 $0x680, s12;
	[sflag:s24] =	ssyncadd.s32 $0xFFFFF000  }
0xc5: {  	[tilespmem:s21], [sflag:$0x3] =	stream.indirect.gather [hbm4b:s4+s20], $0x20, s13, s20, $0xb8;
	[tilespmem:$0xFE00] =	vst v63  }
0xc6: {  	_ =	swait.ge [sflag:s30], $0x1000  }
0xc7: {  	[sflag:s30] =	ssyncset.done $0x0  }
0xc8: {  	s13 =	sadd.s32 $0x2B80, s12;
	[sflag:s30] =	ssyncadd.s32 $0xFFFFF000  }
0xc9: {  	[spmem:s2] =	stream.indirect.scatter.add.s32 [tilespmem:s23], [sflag:$0xA], $0x20, s13, s20, $0xb8;
	[tilespmem:$0xFE00] =	vst v63  }
0xca: {  	_ =	swait.ge [sflag:s1], $0x1000  }
0xcb: {  	[sflag:s1] =	ssyncset.done $0x0  }
0xcc: {  	s13 =	sadd.s32 $0x700, s12;
	[sflag:s1] =	ssyncadd.s32 $0xFFFFF000  }
0xcd: {  	[tilespmem:s23], [sflag:$0x4] =	stream.indirect.gather [hbm4b:s4+s20], $0x20, s13, s20, $0xb8;
	[tilespmem:$0xFE00] =	vst v63  }
0xce: {  	_ =	swait.ge [sflag:s3], $0x1000  }
0xcf: {  	[sflag:s3] =	ssyncset.done $0x0  }
0xd0: {  	s13 =	sadd.s32 $0x2C00, s12;
	[sflag:s3] =	ssyncadd.s32 $0xFFFFF000  }
0xd1: {  	[spmem:s2] =	stream.indirect.scatter.add.s32 [tilespmem:s26], [sflag:$0xB], $0x20, s13, s20, $0xb8;
	[tilespmem:$0xFE00] =	vst v63  }
0xd2: {  	_ =	swait.ge [sflag:s6], $0x1000  }
0xd3: {  	[sflag:s6] =	ssyncset.done $0x0  }
0xd4: {  	s13 =	sadd.s32 $0x780, s12;
	[sflag:s6] =	ssyncadd.s32 $0xFFFFF000  }
0xd5: {  	[tilespmem:s26], [sflag:$0x5] =	stream.indirect.gather [hbm4b:s4+s20], $0x20, s13, s20, $0xb8;
	[tilespmem:$0xFE00] =	vst v63  }
0xd6: {  	_ =	swait.ge [sflag:s7], $0x1000  }
0xd7: {  	[sflag:s7] =	ssyncset.done $0x0  }
0xd8: {  	s13 =	sadd.s32 $0x2C80, s12;
	[sflag:s7] =	ssyncadd.s32 $0xFFFFF000  }
0xd9: {  	[spmem:s2] =	stream.indirect.scatter.add.s32 [tilespmem:s29], [sflag:$0xC], $0x20, s13, s20, $0xb8;
	[tilespmem:$0xFE00] =	vst v63  }
0xda: {  	_ =	swait.ge [sflag:s9], $0x1000  }
0xdb: {  	[sflag:s9] =	ssyncset.done $0x0  }
.Ltmp1:
0xdc: {  	s13 =	sadd.s32 $0x800, s12;
	[sflag:s9] =	ssyncadd.s32 $0xFFFFF000;
	(pc) =	sbr.rel @p2 .LBB2_4-.Ltmp1, $4  }
0xdd: {  	[tilespmem:s29], [sflag:$0x6] =	stream.indirect.gather [hbm4b:s4+s20], $0x20, s13, s20, $0xb8;
	[tilespmem:$0xFE00] =	vst v63  }
0xde: {  	_ =	swait.ge [sflag:s10], $0x1000  }
0xdf: {  	[sflag:s10] =	ssyncset.done $0x0  }
0xe0: {  	s12 =	sadd.s32 $0x2D00, s12;
	[sflag:s10] =	ssyncadd.s32 $0xFFFFF000  }
0xe1: {  	[spmem:s2] =	stream.indirect.scatter.add.s32 [tilespmem:s31], [sflag:$0xD], $0x20, s12, s20, $0xb8;
	[tilespmem:$0xFE00] =	vst v63  }
0xe2: {  	_ =	swait.ge [sflag:s11], $0x1000  }
0xe3: {  	[sflag:s11] =	ssyncset.done $0x0  }
0xe4: {  	s13 =	simm.s32 $0x2680;
	[sflag:s11] =	ssyncadd.s32 $0xFFFFF000  }
0xe5: {  	[tilespmem:s31], [sflag:$0x7] =	stream.indirect.gather [hbm4b:s4+s20], $0x20, s13, s20, $0xb8;
	[tilespmem:$0xFE00] =	vst v63  }
0xe6: {  	_ =	swait.ge [sflag:s0], $0x1000  }
0xe7: {  	s5 =	sshra.s32 s5, $0x2;
	[sflag:s0] =	ssyncset.done $0x0  }
0xe8: {  	s14 =	sadd.s32 $0x2A80, s5;
	[sflag:s0] =	ssyncadd.s32 $0xFFFFF000  }
0xe9: {  	[spmem:s2] =	stream.indirect.scatter.add.s32 [tilespmem:s17], [sflag:$0x8], $0x20, s14, s20, $0xb8;
	[tilespmem:$0xFE00] =	vst v63  }
0xea: {  	_ =	swait.ge [sflag:s28], $0x1000  }
0xeb: {  	[sflag:s28] =	ssyncset.done $0x0  }
0xec: {  	s13 =	sadd.s32 $0x2B00, s5;
	[sflag:s28] =	ssyncadd.s32 $0xFFFFF000  }
0xed: {  	[spmem:s2] =	stream.indirect.scatter.add.s32 [tilespmem:s21], [sflag:$0x9], $0x20, s13, s20, $0xb8;
	[tilespmem:$0xFE00] =	vst v63  }
0xee: {  	_ =	swait.ge [sflag:s30], $0x1000  }
0xef: {  	[sflag:s30] =	ssyncset.done $0x0  }
0xf0: {  	s14 =	sadd.s32 $0x2B80, s5;
	[sflag:s30] =	ssyncadd.s32 $0xFFFFF000  }
0xf1: {  	[spmem:s2] =	stream.indirect.scatter.add.s32 [tilespmem:s23], [sflag:$0xA], $0x20, s14, s20, $0xb8;
	[tilespmem:$0xFE00] =	vst v63  }
0xf2: {  	_ =	swait.ge [sflag:s3], $0x1000  }
0xf3: {  	[sflag:s3] =	ssyncset.done $0x0  }
0xf4: {  	s13 =	sadd.s32 $0x2C00, s5;
	[sflag:s3] =	ssyncadd.s32 $0xFFFFF000  }
0xf5: {  	[spmem:s2] =	stream.indirect.scatter.add.s32 [tilespmem:s26], [sflag:$0xB], $0x20, s13, s20, $0xb8;
	[tilespmem:$0xFE00] =	vst v63  }
0xf6: {  	_ =	swait.ge [sflag:s7], $0x1000  }
0xf7: {  	[sflag:s7] =	ssyncset.done $0x0  }
0xf8: {  	s5 =	sadd.s32 $0x2C80, s5;
	[sflag:s7] =	ssyncadd.s32 $0xFFFFF000  }
0xf9: {  	[spmem:s2] =	stream.indirect.scatter.add.s32 [tilespmem:s29], [sflag:$0xC], $0x20, s5, s20, $0xb8;
	[tilespmem:$0xFE00] =	vst v63  }
0xfa: {  	_ =	swait.ge [sflag:s10], $0x1000  }
0xfb: {  	[sflag:s10] =	ssyncset.done $0x0  }
0xfc: {  	s14 =	simm.s32 $0x4E00;
	[sflag:s10] =	ssyncadd.s32 $0xFFFFF000  }
0xfd: {  	[spmem:s2] =	stream.indirect.scatter.add.s32 [tilespmem:s31], [sflag:$0xD], $0x20, s14, s20, $0xb8;
	[tilespmem:$0xFE00] =	vst v63  }
0xfe: {  	_ =	swait.ge [sflag:s22], $0x1000  }
0xff: {  	[sflag:s22] =	ssyncset.done $0x0  }
0x100: {  	[sflag:s22] =	ssyncadd.s32 $0xFFFFF000  }
0x101: {  	_ =	swait.ge [sflag:s24], $0x1000  }
0x102: {  	[sflag:s24] =	ssyncset.done $0x0  }
0x103: {  	[sflag:s24] =	ssyncadd.s32 $0xFFFFF000  }
0x104: {  	_ =	swait.ge [sflag:s1], $0x1000  }
0x105: {  	[sflag:s1] =	ssyncset.done $0x0  }
0x106: {  	[sflag:s1] =	ssyncadd.s32 $0xFFFFF000  }
0x107: {  	_ =	swait.ge [sflag:s6], $0x1000  }
0x108: {  	[sflag:s6] =	ssyncset.done $0x0  }
0x109: {  	[sflag:s6] =	ssyncadd.s32 $0xFFFFF000  }
0x10a: {  	_ =	swait.ge [sflag:s9], $0x1000  }
0x10b: {  	[sflag:s9] =	ssyncset.done $0x0  }
0x10c: {  	[sflag:s9] =	ssyncadd.s32 $0xFFFFF000  }
0x10d: {  	_ =	swait.ge [sflag:s11], $0x1000  }
0x10e: {  	s12 =	simm.s32 @!p1 $0x2700;
	[sflag:s11] =	ssyncset.done $0x0  }
0x10f: {  	s13 =	simm.s32 @!p1 $0x4F00;
	s5 =	simm.s32 @!p1 $0x80;
	[sflag:s11] =	ssyncadd.s32 $0xFFFFF000  }
0x110: {  	[tilespmem:s13], [sflag:$0xE] =	stream.indirect.gather @!p1 [hbm4b:s4+s5], $0x20, s12, s5, $0xb8;
	[tilespmem:$0xFE00] =	vst v63  }
0x111: {  	s12 =	simm.s32 @!p1 $0xE  }
0x112: {  	_ =	swait.ge @!p1 [sflag:s12], $0x1000  }
0x113: {  	[sflag:s12] =	ssyncset.done @!p1 $0x0  }
0x114: {  	s14 =	simm.s32 @!p1 $0x4E80;
	[sflag:s12] =	ssyncadd.s32 @!p1 $0xFFFFF000  }
0x115: {  	[spmem:s2] =	stream.indirect.scatter.add.s32 @!p1 [tilespmem:s13], [sflag:$0xE], $0x20, s14, s5, $0xb8;
	[tilespmem:$0xFE00] =	vst v63  }
0x116: {  	_ =	swait.ge @!p1 [sflag:s12], $0x1000  }
0x117: {  	[sflag:s12] =	ssyncset.done @!p1 $0x0  }
0x118: {  	[sflag:s12] =	ssyncadd.s32 @!p1 $0xFFFFF000;
	s12 =	stileid.u32  }
0x119: {  	s5 =	sshll.u32 s12, $0x6;
	[bflag:$0x0] =	sbarrier.arrive $0xFFFF  }
0x11a: {  	s5 =	sor.u32 $0x1C0E, s5;
	s13 =	rddreg [dreg:$0x9]  }
0x11b: {  	[hbm:s13], [sflag:s5] =	dma.local [spmem:s25], $0x9E0  }
0x11c: {  	_ =	swait.ge [sflag:s18], $0x9E0  }
0x11d: {  	s16 =	sadd.s32 $0x1, s16;
	s14 =	rddreg [dreg:$0xa]  }
0x11e: {  	p2 =	sne.s32 s16, s14  }
.Ltmp2:
0x11f: {  	_ = 	snop;
	(pc) =	sbr.rel @p2 .LBB2_1-.Ltmp2, $3  }
0x120: {  	_ =	sdelay $0x1  }
0x121: {  	[sflag:s18] =	ssyncset.done $0x0  }
0x122: {  	[sflag:s18] =	ssyncadd.s32 $0xFFFFF620;
	s14 =	simm.s32 $0x2780  }
0x123: {  	_ =	sfence.sel $0x180000  }
0x124: {  	[bflag:$0x0] =	sbarrier.arrive $0xFFFF  }
0x125: {  	_ =	strace $0x9000004A  }
0x126: {  	s0 =	stileid.u32;
	[bflag:$0x2] =	sbarrier.arrive $0xFFFF  }
0x127: {  	p0 =	sne.s32 s0, $0x0;
	s0 =	rddreg [dreg:$0x3]  }
0x128: {  	s0 =	sadd.s32 @!p0 $0x100000, s0  }
0x129: {  	[sflag:s0] =	ssyncadd.tile.s32 @!p0 $0x1;
	_ =	shalt  }
.Lfunc_end2:
_tile_overlayer_lowered:
.L_overlay_start_2:
0x12a: {  	(tag) =	ssettag $0x2  }
0x12b: {  	s0 =	rddreg [dreg:$0x0];
	s2 =	stileid.u32  }
0x12c: {  	s1 =	rddreg [dreg:$0x1];
	p0 =	sne.s32 s2, $0x0  }
0x12d: {  	s3 =	rddreg [dreg:$0x2];
	[bflag:$0x3] =	sbarrier.arrive $0xFFFF;
	s2 =	simm.s32 @!p0 $0x1C0E  }
0x12e: {  	[timem:s3], [sflag:s2] =	dma.local @!p0 [hbm:s0], s1  }
0x12f: {  	s0 =	simm.s32 @!p0 $0xE  }
0x130: {  	_ =	swait.ge @!p0 [sflag:s0], s1  }
0x131: {  	s1 =	ssub.s32 @!p0 $0x0, s1;
	[sflag:s0] =	ssyncset.done @!p0 $0x0  }
0x132: {  	[sflag:s0] =	ssyncadd.s32 @!p0 s1  }
0x133: {  	[bflag:$0x3] =	sbarrier.arrive $0xFFFF  }
0x134: {  	_ =	shalt  }

// kernel: kernel.7.cloned.1.call-start
scs
__scs_entry_jumppad:
0x0: {  	(pc) =	sbr.rel $0x88, $3  }
0x1: {  	(tag) =	ssettag $0x0;
	lr =	simm.s32 $0x1  }
0x2: {  	[smem:$0x3F8F] =	sst lr;
	_ =	strace $0xD0000000  }
0x3: {  	_ = 	snop  }
0x4: {  	_ = 	snop  }
0x5: {  	_ = 	snop  }
0x6: {  	_ = 	snop  }
0x7: {  	_ = 	snop  }
__scs_overlays_trampoline_lowered:
0x8: {  	[smem:$0x3F9E] =	sst s0  }
0x9: {  	[smem:$0x3F9F] =	sst s1  }
0xa: {  	[smem:$0x3FA0] =	sst s2  }
0xb: {  	[smem:$0x3FA1] =	sst s3  }
0xc: {  	[smem:$0x3FA2] =	sst s4  }
0xd: {  	[smem:$0x3FA3] =	sst s5  }
0xe: {  	[smem:$0x3FA4] =	sst s6  }
0xf: {  	[smem:$0x3FA5] =	sst s7  }
0x10: {  	[smem:$0x3FA6] =	sst s8  }
0x11: {  	[smem:$0x3FA7] =	sst s9;
	s0 =	simm.s32 @!p0 $0x0  }
0x12: {  	s1 =	sld [smem:$0x3F8D];
	s0 =	simm.s32 @p0 $0x1  }
0x13: {  	[smem:$0x3FA8] =	sst s0;
	s0 =	simm.s32 @!p1 $0x0  }
0x14: {  	s2 =	sld [smem:$0x3F8C];
	s0 =	simm.s32 @p1 $0x1  }
0x15: {  	[smem:$0x3FA9] =	sst s0;
	s0 =	simm.s32 @!p2 $0x0  }
0x16: {  	s3 =	sld [smem:$0x3FDB];
	s0 =	simm.s32 @p2 $0x1  }
0x17: {  	s4 =	simm.s32 $0x1BF5;
	[smem:$0x3FAB] =	sst s0  }
0x18: {  	s0 =	sld [smem:$0x3F8E];
	_ =	swait.ge [sflag:s4], $0x0  }
0x19: {  	s7 =	sld [smem:$0x3F8F]  }
0x1a: {  	s8 =	sadd.s32 $0xFFFFE003, lr  }
0x1b: {  	s9 =	sadd.s32 $0xFFFFFEF7, lr;
	s5 =	simm.s32 $0xFFFFFFFF;
	p2 =	slt.u32 s8, $0xFFFFF086  }
0x1c: {  	p1 =	slt.u32 s9, $0xF7A;
	s5 =	simm.s32 @!p2 $0x0  }
0x1d: {  	s5 =	simm.s32 @p1 $0x1;
	p0 =	seq.s32 s7, s2  }
0x1e: {  	s7 =	smul.u32 @!p0 $0xF7A, s2;
	p2 =	seq.s32 @!p0 s5, $0x0  }
0x1f: {  	s9 =	smul.u32 $0xF7A, s1;
	s8 =	simm.s32 @!p0 $0x1BF5;
	p2 =	por !p2, p0  }
0x20: {  	[sflag:s8] =	ssyncset.s32 @!p0 $0xFFFFF086;
	s6 =	sadd.s32 @!p0 s3, s7;
	s7 =	simm.s32 @!p0 $0x108  }
0x21: {  	s3 =	sadd.s32 s3, s9;
	s6 =	sadd.s32 @!p0 $0x88, s6;
	s7 =	simm.s32 @p2 $0x1082  }
0x22: {  	[simem:s7], [sflag:s8] =	dma.local @!p0 [hbm:s6], $0xF7A  }
0x23: {  	s9 =	sor.u32 $0xD0000000, s2;
	s6 =	simm.s32 $0x108;
	_ =	swait.ge @!p0 [sflag:s8], $0x0  }
0x24: {  	s3 =	sadd.s32 $0x88, s3;
	s6 =	simm.s32 @!p1 $0x1082;
	[sflag:s4] =	ssyncset.s32 $0xFFFFF086  }
0x25: {  	[simem:s6], [sflag:s4] =	dma.local [hbm:s3], $0xF7A  }
0x26: {  	[smem:$0x3F8F] =	sst s1;
	(tag) =	ssettag s2;
	_ =	strace s9  }
0x27: {  	s1 =	sld [smem:$0x3F9F]  }
0x28: {  	s2 =	sld [smem:$0x3FA0]  }
0x29: {  	s4 =	sld [smem:$0x3FA2]  }
0x2a: {  	p0 =	seq.s32 s5, $0x0;
	s5 =	sld [smem:$0x3FA3]  }
0x2b: {  	s6 =	sld [smem:$0x3FA4]  }
0x2c: {  	s7 =	sld [smem:$0x3FA5]  }
0x2d: {  	s3 =	simm.s32 $0x108;
	s8 =	sld [smem:$0x3FA6]  }
0x2e: {  	s3 =	simm.s32 @!p0 $0x1082;
	s9 =	sld [smem:$0x3FA7]  }
0x2f: {  	lr =	sadd.s32 s0, s3;
	s0 =	sld [smem:$0x3F9E]  }
0x30: {  	s3 =	sld [smem:$0x3FA1]  }
0x31: {  	[smem:$0x3FAA] =	sst s10  }
0x32: {  	s10 =	sld [smem:$0x3FA8];
	_ =	sdelay $0x3  }
0x33: {  	p0 =	seq.s32 s10, $0x1;
	s10 =	sld [smem:$0x3FAA];
	_ =	sdelay $0x3  }
0x34: {  	[smem:$0x3FAA] =	sst s10  }
0x35: {  	s10 =	sld [smem:$0x3FA9];
	_ =	sdelay $0x3  }
0x36: {  	p1 =	seq.s32 s10, $0x1;
	s10 =	sld [smem:$0x3FAA];
	_ =	sdelay $0x3  }
0x37: {  	[smem:$0x3FAA] =	sst s10  }
0x38: {  	s10 =	sld [smem:$0x3FAB]  }
0x39: {  	_ = 	snop;
	(pc) =	sbr.ind lr, $3  }
0x3a: {  	_ = 	snop  }
0x3b: {  	_ = 	snop  }
0x3c: {  	p2 =	seq.s32 s10, $0x1;
	s10 =	sld [smem:$0x3FAA]  }
0x3d: {  	_ =	shalt  }
0x3e: {  	_ =	shalt  }
0x3f: {  	_ =	shalt  }
0x40: {  	_ =	shalt  }
0x41: {  	_ =	shalt  }
0x42: {  	_ =	shalt  }
0x43: {  	_ =	shalt  }
0x44: {  	_ =	shalt  }
0x45: {  	_ =	shalt  }
0x46: {  	_ =	shalt  }
0x47: {  	_ =	shalt  }
0x48: {  	_ =	shalt  }
0x49: {  	_ =	shalt  }
0x4a: {  	_ =	shalt  }
0x4b: {  	_ =	shalt  }
0x4c: {  	_ =	shalt  }
0x4d: {  	_ =	shalt  }
0x4e: {  	_ =	shalt  }
0x4f: {  	_ =	shalt  }
0x50: {  	_ =	shalt  }
0x51: {  	_ =	shalt  }
0x52: {  	_ =	shalt  }
0x53: {  	_ =	shalt  }
0x54: {  	_ =	shalt  }
0x55: {  	_ =	shalt  }
0x56: {  	_ =	shalt  }
0x57: {  	_ =	shalt  }
0x58: {  	_ =	shalt  }
0x59: {  	_ =	shalt  }
0x5a: {  	_ =	shalt  }
0x5b: {  	_ =	shalt  }
0x5c: {  	_ =	shalt  }
0x5d: {  	_ =	shalt  }
0x5e: {  	_ =	shalt  }
0x5f: {  	_ =	shalt  }
0x60: {  	_ =	shalt  }
0x61: {  	_ =	shalt  }
0x62: {  	_ =	shalt  }
0x63: {  	_ =	shalt  }
0x64: {  	_ =	shalt  }
0x65: {  	_ =	shalt  }
0x66: {  	_ =	shalt  }
0x67: {  	_ =	shalt  }
0x68: {  	_ =	shalt  }
0x69: {  	_ =	shalt  }
0x6a: {  	_ =	shalt  }
0x6b: {  	_ =	shalt  }
0x6c: {  	_ =	shalt  }
0x6d: {  	_ =	shalt  }
0x6e: {  	_ =	shalt  }
0x6f: {  	_ =	shalt  }
0x70: {  	_ =	shalt  }
0x71: {  	_ =	shalt  }
0x72: {  	_ =	shalt  }
0x73: {  	_ =	shalt  }
0x74: {  	_ =	shalt  }
0x75: {  	_ =	shalt  }
0x76: {  	_ =	shalt  }
0x77: {  	_ =	shalt  }
0x78: {  	_ =	shalt  }
0x79: {  	_ =	shalt  }
0x7a: {  	_ =	shalt  }
0x7b: {  	_ =	shalt  }
0x7c: {  	_ =	shalt  }
0x7d: {  	_ =	shalt  }
0x7e: {  	_ =	shalt  }
0x7f: {  	_ =	shalt  }
0x80: {  	_ =	shalt  }
0x81: {  	_ =	shalt  }
0x82: {  	_ =	shalt  }
0x83: {  	_ =	shalt  }
0x84: {  	_ =	shalt  }
0x85: {  	_ =	shalt  }
0x86: {  	_ =	shalt  }
0x87: {  	_ =	shalt  }
.Lfunc_end0:
.L_simem_size_0:
called_computation_lowered:
.L_overlay_start_0:
0x88: {  	s2 =	sld [smem:$0x3FD9]  }
0x89: {  	s3 =	sld [smem:$0x3FFE];
	_ =	sdelay $0x1  }
0x8a: {  	s1 =	srdreg.scid  }
0x8b: {  	s0 =	sand.u32 $0x1, s1  }
0x8c: {  	s16 =	sshll.u32 s0, $0xA;
	s2 =	sadd.s32 s3, s2  }
0x8d: {  	s2 =	sadd.s32 s2, s16  }
0x8e: {  	[smem:$0x3FB6] =	sst s2  }
0x8f: {  	_ = 	snop  }
0x90: {  	(tm) =	ssettm $0x1  }
0x91: {  	s17 =	sld [smem:$0x3FFB];
	_ =	sdelay $0x3  }
0x92: {  	_ =	strace s17  }
0x93: {  	s2 =	sld [smem:$0x3FFC];
	_ =	sdelay $0x3  }
0x94: {  	_ =	strace s2  }
0x95: {  	s2 =	sld [smem:$0x3FFD];
	_ =	sdelay $0x3  }
0x96: {  	_ =	strace s2  }
0x97: {  	_ =	strace $0x8FFFFFFF  }
0x98: {  	s18 =	sld [smem:$0x3FDB];
	_ =	sdelay $0x1  }
0x99: {  	s19 =	simm.s32 $_scs_section_size  }
0x9a: {  	s4 =	simm.s32 $_size__tile_overlayer_lowered;
	s5 =	simm.s32 $_tile_overlayer_lowered  }
0x9b: {  	s22 =	simm.s32 $0x1BFF;
	s21 =	sshll.u32 s5, $0x1;
	s2 =	sadd.s32 s19, s18  }
0x9c: {  	s6 =	simm.s32 $0x0;
	s20 =	sshll.u32 s4, $0x1;
	s4 =	sadd.s32 s21, s2  }
0x9d: {  	[timem:s6], [sflag:s22] =	dma.local [hbm:s4], s20  }
0x9e: {  	_ =	swait.ge [sflag:s22], s20  }
0x9f: {  	s3 =	ssub.s32 $0x0, s20;
	[sflag:s22] =	ssyncset.done $0x0  }
0xa0: {  	[sflag:s22] =	ssyncadd.s32 s3;
	_ =	sdelay $0x1  }
0xa1: {  	s23 =	simm.s32 $0x1B8B  }
0xa2: {  	_ =	swait.ge [sflag:s23], $0x1  }
0xa3: {  	[sflag:s23] =	ssyncset.done $0x0  }
0xa4: {  	s25 =	simm.s32 $0x1B8E;
	s24 =	sld [smem:$0x3FFE];
	[sflag:s23] =	ssyncadd.s32 $0xFFFFFFFF  }
0xa5: {  	s26 =	simm.s32 $execute0_lowered;
	[smem:$0x3FD2] =	sst s25  }
0xa6: {  	s4 =	sshll.u32 s26, $0x1;
	_ =	strace $0x80000046;
	[dreg:$0x1] =	wrdreg $0xFFFFFFFF  }
0xa7: {  	s28 =	simm.s32 $_size_execute0_lowered;
	s2 =	sadd.s32 s2, s4;
	[dreg:$0x0] =	wrdreg $0x0  }
0xa8: {  	s4 =	sshll.u32 s28, $0x1;
	[dreg:$0x2] =	wrdreg s2  }
0xa9: {  	[dreg:$0x3] =	wrdreg s4  }
0xaa: {  	[dreg:$0x4] =	wrdreg $0xC0  }
0xab: {  	_ =	task [dreg:s6], $0x5FFFF  }
0xac: {  	[dreg:$0x1] =	wrdreg $0xFFFFFFFF  }
0xad: {  	[dreg:$0x0] =	wrdreg $0x60  }
0xae: {  	[dreg:$0x2] =	wrdreg s24  }
0xaf: {  	[dreg:$0x3] =	wrdreg $0x11D000  }
0xb0: {  	[dreg:$0x4] =	wrdreg $0x9  }
0xb1: {  	_ =	task.clear_ibuf [dreg:s6], $0x5FFFF;
	_ =	strace $0x90000046  }
0xb2: {  	s29 =	simm.s32 $0x9;
	_ =	strace $0x80000048  }
0xb3: {  	_ =	swait.ge [sflag:s29], $0x1  }
0xb4: {  	[sflag:s29] =	ssyncadd.s32 $0xFFFFFFFF  }
0xb5: {  	_ =	strace $0x90000048  }
0xb6: {  	_ =	sfence  }
0xb7: {  	s30 =	sld [smem:$0x0];
	_ =	sdelay $0x2  }
0xb8: {  	s31 =	sshll.u32 s1, $0xD;
	s1 =	sshrl.u32 s1, $0x2  }
0xb9: {  	s3 =	sand.u32 $0x4000, s31;
	s1 =	sadd.s32 s1, s30  }
0xba: {  	s0 =	sor.u32 s3, s0;
	s1 =	sshll.u32 s1, $0x11  }
0xbb: {  	s0 =	sor.u32 s1, s0  }
0xbc: {  	s0 =	sadd.s32 $0x8F2B, s0  }
0xbd: {  	[sflag:s0] =	ssyncadd.remote.s32 $0x1  }
0xbe: {  	_ =	sfence.sel $0xFFFF  }
0xbf: {  	[dreg:$0x0] =	wrdreg $0xFFFFFFFF;
	(pc) =	sbr.abs _section_cstart, $3  }
0xc0: {  	[dreg:$0x1] =	wrdreg $0xFFFFFFFF  }
0xc1: {  	_ =	task.clear_ibuf [dreg:s6], $0x2FFFF;
	_ =	strace $0x9FFFFFFF  }
0xc2: {  	(tm) =	ssettm $0x7FFFFFFF  }
0xc3: {  	_ =	shalt  }
tec
execute0_lowered:
.L_overlay_start_1:
0x0: {  	(tag) =	ssettag $0x1  }
0x1: {  	s0 =	rddreg [dreg:$0x0]  }
0x2: {  	s1 =	rddreg [dreg:$0x1]  }
0x3: {  	s2 =	srdreg.scid;
	s4 =	simm.s32 $0x0;
	s22 =	stileid.u32  }
0x4: {  	s28 =	simm.s32 $0x2;
	s29 =	simm.s32 $0x6;
	s31 =	simm.s32 $0x3  }
0x5: {  	s30 =	simm.s32 $0x4;
	s2 =	sand.u32 $0x1, s2;
	s5 =	smul.u32 $0x9E00, s22  }
0x6: {  	[smem:$0x7FF] =	sst s4;
	s7 =	sadd.s32 $0x2600, s0;
	s17 =	smul.u32 $0x4E00, s22  }
0x7: {  	s8 =	smul.u32 $0x27800, s22;
	s9 =	sshll.u32 s22, $0x4;
	p0 =	slt.u32 s22, $0x4  }
0x8: {  	p1 =	sgt.u32 s22, $0x3;
	s22 =	simm.s32 $0x7;
	s3 =	smul.u32 $0xA0000, s2  }
0x9: {  	_ =	strace $0x80000047;
	s2 =	ssub.s32 $0x2, s2;
	s20 =	sadd.s32 s9, s7  }
0xa: {  	s18 =	sshrl.u32 s2, $0x1;
	s19 =	sshrl.u32 s17, $0x3;
	s21 =	sshrl.u32 s8, $0x2  }
0xb: {  	s24 =	sadd.s32 $0x9C00, s20;
	s26 =	sadd.s32 s5, s1;
	s17 =	simm.s32 $0x9D00  }
0xc: {  	s16 =	sshrl.u32 s3, $0x3;
	s3 =	sadd.s32 s5, s3;
	s2 =	ssub.s32 s2, s18  }
0xd: {  	s4 =	sadd.s32 s7, s19;
	[dreg:$0x4] =	wrdreg s24;
	s7 =	sadd.s32 s21, s1  }
0xe: {  	s18 =	simm.s32 $0xA;
	s19 =	simm.s32 $0x1;
	s21 =	simm.s32 $0xBD00  }
0xf: {  	s24 =	simm.s32 $0x8;
	s6 =	sadd.s32 s16, s0;
	s3 =	sshrl.u32 s3, $0x3  }
0x10: {  	s23 =	sadd.s32 $0x9C40, s4;
	s25 =	sadd.s32 $0x8000, s7;
	s12 =	smax.u32 s2, $0x1  }
0x11: {  	s13 =	sadd.s32 $0x2000, s7;
	s14 =	sadd.s32 $0x4000, s7;
	s15 =	sadd.s32 $0x6000, s7  }
0x12: {  	s16 =	simm.s32 $0x4E80;
	s2 =	simm.s32 $0x9;
	[dreg:$0x3] =	wrdreg s23  }
0x13: {  	s0 =	sadd.s32 s3, s0;
	s3 =	sadd.s32 $0x13840, s20;
	[dreg:$0x6] =	wrdreg s25  }
0x14: {  	s10 =	sadd.s32 $0x16000, s6;
	s20 =	simm.s32 $0x80;
	s23 =	simm.s32 $0xDD00  }
0x15: {  	s25 =	sshrl.u32 s26, $0x3;
	s26 =	simm.s32 $0xFD00;
	[dreg:$0x5] =	wrdreg s3  }
0x16: {  	v0 =	vimm.f32 $0.0e+00;
	s11 =	sadd.s32 $0x3E000, s0;
	s0 =	simm.s32 $0x5;
	s3 =	simm.s32 $0x0  }
.LBB2_1:
0x17: {  	s5 =	simm.s32 $0x0  }
0x18: {  	[tilespmem:s5], [sflag:$0x1] =	stream.linear.gather [hbm4b:s4+s5], $0x4E00, $0x38;
	[tilespmem:$0x1BB00] =	vst v63  }
0x19: {  	s6 =	rddreg [dreg:$0x3]  }
0x1a: {  	[tilespmem:s16], [sflag:$0x1] =	stream.linear.gather [hbm4b:s6+s5], $0x4E00, $0x38;
	[tilespmem:$0x1BB00] =	vst v63  }
0x1b: {  	s8 =	rddreg [dreg:$0x4];
	s5 =	simm.s32 @p0 $0x0;
	s6 =	simm.s32 @p0 $0x4E00  }
0x1c: {  	[tilespmem:s6], [sflag:$0x1] =	stream.linear.gather @p0 [hbm4b:s8+s5], $0x80, $0x38;
	[tilespmem:$0x1BB00] =	vst v63  }
0x1d: {  	s6 =	simm.s32 @p0 $0x9C80;
	s8 =	rddreg [dreg:$0x5]  }
0x1e: {  	[tilespmem:s6], [sflag:$0x1] =	stream.linear.gather @p0 [hbm4b:s8+s5], $0x80, $0x38;
	[tilespmem:$0x1BB00] =	vst v63  }
0x1f: {  	s6 =	simm.s32 $0x100;
	s5 =	simm.s32 $0x0  }
.LBB2_2:
0x20: {  	p2 =	seq.s32 s6, $0x7F00;
	[tilespmem:s5+$0x9D30] =	vst v0;
	s8 =	smov.u32 s6;
	s6 =	sadd.s32 $0x100, s6  }
.Ltmp0:
0x21: {  	[tilespmem:s5+$0x9D20] =	vst v0;
	(pc) =	sbr.rel @!p2 .LBB2_2-.Ltmp0, $3  }
0x22: {  	[tilespmem:s5+$0x9D00] =	vst v0  }
0x23: {  	[tilespmem:s5+$0x9D10] =	vst v0;
	_ =	sdelay $0x1  }
0x24: {  	s5 =	sshra.s32 s8, $0x2  }
0x25: {  	[tilespmem:s5+$0x9D30] =	vst v0  }
0x26: {  	[tilespmem:s5+$0x9D20] =	vst v0  }
0x27: {  	[tilespmem:s5+$0x9D00] =	vst v0  }
0x28: {  	[tilespmem:s5+$0x9D10] =	vst v0  }
0x29: {  	[spmem:s7] =	stream.linear.scatter [tilespmem:s17], [sflag:$0xA], $0x2000, $0x38;
	[tilespmem:$0x1BB00] =	vst v63  }
0x2a: {  	_ =	swait.ge [sflag:s18], $0x2000  }
0x2b: {  	[sflag:s18] =	ssyncset.done $0x0  }
0x2c: {  	[sflag:s18] =	ssyncadd.s32 $0xFFFFE000  }
0x2d: {  	[spmem:s13] =	stream.linear.scatter [tilespmem:s17], [sflag:$0xA], $0x2000, $0x38;
	[tilespmem:$0x1BB00] =	vst v63  }
0x2e: {  	_ =	swait.ge [sflag:s18], $0x2000  }
0x2f: {  	[sflag:s18] =	ssyncset.done $0x0  }
0x30: {  	[sflag:s18] =	ssyncadd.s32 $0xFFFFE000  }
0x31: {  	[spmem:s14] =	stream.linear.scatter [tilespmem:s17], [sflag:$0xA], $0x2000, $0x38;
	[tilespmem:$0x1BB00] =	vst v63  }
0x32: {  	_ =	swait.ge [sflag:s18], $0x2000  }
0x33: {  	[sflag:s18] =	ssyncset.done $0x0  }
0x34: {  	[sflag:s18] =	ssyncadd.s32 $0xFFFFE000  }
0x35: {  	[spmem:s15] =	stream.linear.scatter [tilespmem:s17], [sflag:$0xA], $0x2000, $0x38;
	[tilespmem:$0x1BB00] =	vst v63  }
0x36: {  	_ =	swait.ge [sflag:s18], $0x2000  }
0x37: {  	[sflag:s18] =	ssyncset.done $0x0  }
0x38: {  	s8 =	rddreg [dreg:$0x6];
	[sflag:s18] =	ssyncadd.s32 $0xFFFFE000  }
0x39: {  	[spmem:s8] =	stream.linear.scatter [tilespmem:s17], [sflag:$0xA], $0x1E00, $0x38;
	[tilespmem:$0x1BB00] =	vst v63  }
0x3a: {  	_ =	swait.ge [sflag:s18], $0x1E00  }
0x3b: {  	[sflag:s18] =	ssyncset.done $0x0  }
0x3c: {  	[sflag:s18] =	ssyncadd.s32 $0xFFFFE200  }
0x3d: {  	_ =	swait.ge [sflag:s19], $0x4E00  }
0x3e: {  	[sflag:s19] =	ssyncset.done $0x0  }
0x3f: {  	[sflag:s19] =	ssyncadd.s32 $0xFFFFB200  }
0x40: {  	_ =	swait.ge [sflag:s19], $0x4E00  }
0x41: {  	[sflag:s19] =	ssyncset.done $0x0  }
0x42: {  	s5 =	simm.s32 @p0 $0x1;
	[sflag:s19] =	ssyncadd.s32 $0xFFFFB200  }
0x43: {  	_ =	swait.ge @p0 [sflag:s5], $0x80  }
0x44: {  	[sflag:s5] =	ssyncset.done @p0 $0x0  }
0x45: {  	[sflag:s5] =	ssyncadd.s32 @p0 $0xFFFFFF80  }
0x46: {  	_ =	swait.ge @p0 [sflag:s5], $0x80  }
0x47: {  	[sflag:s5] =	ssyncset.done @p0 $0x0  }
0x48: {  	[sflag:s5] =	ssyncadd.s32 @p0 $0xFFFFFF80  }
0x49: {  	s9 =	simm.s32 $0x0;
	[bflag:$0x0] =	sbarrier.arrive $0xFFFF  }
0x4a: {  	[tilespmem:s17], [sflag:$0x2] =	stream.indirect.gather [hbm4b:s10+s20], $0x40, s9, s20, $0xb8;
	[tilespmem:$0x1BB00] =	vst v63  }
0x4b: {  	_ = 	snop  }
0x4c: {  	[tilespmem:s21], [sflag:$0x3] =	stream.indirect.gather [hbm4b:s10+s20], $0x40, s20, s20, $0xb8;
	[tilespmem:$0x1BB00] =	vst v63  }
0x4d: {  	s6 =	simm.s32 $0x100  }
0x4e: {  	[tilespmem:s23], [sflag:$0x4] =	stream.indirect.gather [hbm4b:s10+s20], $0x40, s6, s20, $0xb8;
	[tilespmem:$0x1BB00] =	vst v63  }
0x4f: {  	s8 =	simm.s32 $0x180  }
0x50: {  	[tilespmem:s26], [sflag:$0x5] =	stream.indirect.gather [hbm4b:s10+s20], $0x40, s8, s20, $0xb8;
	[tilespmem:$0x1BB00] =	vst v63  }
0x51: {  	_ =	swait.ge [sflag:s28], $0x2000  }
0x52: {  	[sflag:s28] =	ssyncset.done $0x0  }
0x53: {  	[sflag:s28] =	ssyncadd.s32 $0xFFFFE000  }
0x54: {  	[spmem:s1] =	stream.indirect.scatter.add.f32 [tilespmem:s17], [sflag:$0x6], $0x40, s16, s20, $0xb8;
	[tilespmem:$0x1BB00] =	vst v63  }
0x55: {  	_ =	swait.ge [sflag:s29], $0x2000  }
0x56: {  	[sflag:s29] =	ssyncset.done $0x0  }
0x57: {  	s9 =	simm.s32 $0x200;
	[sflag:s29] =	ssyncadd.s32 $0xFFFFE000  }
0x58: {  	[tilespmem:s17], [sflag:$0x2] =	stream.indirect.gather [hbm4b:s10+s20], $0x40, s9, s20, $0xb8;
	[tilespmem:$0x1BB00] =	vst v63  }
0x59: {  	_ =	swait.ge [sflag:s31], $0x2000  }
0x5a: {  	[sflag:s31] =	ssyncset.done $0x0  }
0x5b: {  	s6 =	simm.s32 $0x4F00;
	[sflag:s31] =	ssyncadd.s32 $0xFFFFE000  }
0x5c: {  	[spmem:s1] =	stream.indirect.scatter.add.f32 [tilespmem:s21], [sflag:$0x7], $0x40, s6, s20, $0xb8;
	[tilespmem:$0x1BB00] =	vst v63  }
0x5d: {  	_ =	swait.ge [sflag:s22], $0x2000  }
0x5e: {  	[sflag:s22] =	ssyncset.done $0x0  }
0x5f: {  	s8 =	simm.s32 $0x280;
	[sflag:s22] =	ssyncadd.s32 $0xFFFFE000  }
0x60: {  	[tilespmem:s21], [sflag:$0x3] =	stream.indirect.gather [hbm4b:s10+s20], $0x40, s8, s20, $0xb8;
	[tilespmem:$0x1BB00] =	vst v63  }
0x61: {  	_ =	swait.ge [sflag:s30], $0x2000  }
0x62: {  	[sflag:s30] =	ssyncset.done $0x0  }
0x63: {  	s9 =	simm.s32 $0x4F80;
	[sflag:s30] =	ssyncadd.s32 $0xFFFFE000  }
0x64: {  	[spmem:s1] =	stream.indirect.scatter.add.f32 [tilespmem:s23], [sflag:$0x8], $0x40, s9, s20, $0xb8;
	[tilespmem:$0x1BB00] =	vst v63  }
0x65: {  	_ =	swait.ge [sflag:s24], $0x2000  }
0x66: {  	[sflag:s24] =	ssyncset.done $0x0  }
0x67: {  	s6 =	simm.s32 $0x300;
	[sflag:s24] =	ssyncadd.s32 $0xFFFFE000  }
0x68: {  	[tilespmem:s23], [sflag:$0x4] =	stream.indirect.gather [hbm4b:s10+s20], $0x40, s6, s20, $0xb8;
	[tilespmem:$0x1BB00] =	vst v63  }
0x69: {  	_ =	swait.ge [sflag:s0], $0x2000  }
0x6a: {  	[sflag:s0] =	ssyncset.done $0x0  }
0x6b: {  	s8 =	simm.s32 $0x5000;
	[sflag:s0] =	ssyncadd.s32 $0xFFFFE000  }
0x6c: {  	[spmem:s1] =	stream.indirect.scatter.add.f32 [tilespmem:s26], [sflag:$0x9], $0x40, s8, s20, $0xb8;
	[tilespmem:$0x1BB00] =	vst v63  }
0x6d: {  	_ =	swait.ge [sflag:s2], $0x2000  }
0x6e: {  	[sflag:s2] =	ssyncset.done $0x0  }
0x6f: {  	s9 =	simm.s32 $0x380;
	[sflag:s2] =	ssyncadd.s32 $0xFFFFE000  }
0x70: {  	[tilespmem:s26], [sflag:$0x5] =	stream.indirect.gather [hbm4b:s10+s20], $0x40, s9, s20, $0xb8;
	[tilespmem:$0x1BB00] =	vst v63  }
0x71: {  	_ =	swait.ge [sflag:s28], $0x2000  }
0x72: {  	[sflag:s28] =	ssyncset.done $0x0  }
0x73: {  	s6 =	simm.s32 $0x5080;
	[sflag:s28] =	ssyncadd.s32 $0xFFFFE000  }
0x74: {  	[spmem:s1] =	stream.indirect.scatter.add.f32 [tilespmem:s17], [sflag:$0x6], $0x40, s6, s20, $0xb8;
	[tilespmem:$0x1BB00] =	vst v63  }
0x75: {  	_ =	swait.ge [sflag:s29], $0x2000  }
0x76: {  	[sflag:s29] =	ssyncset.done $0x0  }
0x77: {  	s8 =	simm.s32 $0x400;
	[sflag:s29] =	ssyncadd.s32 $0xFFFFE000  }
0x78: {  	[tilespmem:s17], [sflag:$0x2] =	stream.indirect.gather [hbm4b:s10+s20], $0x40, s8, s20, $0xb8;
	[tilespmem:$0x1BB00] =	vst v63  }
0x79: {  	_ =	swait.ge [sflag:s31], $0x2000  }
0x7a: {  	[sflag:s31] =	ssyncset.done $0x0  }
0x7b: {  	s9 =	simm.s32 $0x5100;
	[sflag:s31] =	ssyncadd.s32 $0xFFFFE000  }
0x7c: {  	[spmem:s1] =	stream.indirect.scatter.add.f32 [tilespmem:s21], [sflag:$0x7], $0x40, s9, s20, $0xb8;
	[tilespmem:$0x1BB00] =	vst v63  }
0x7d: {  	_ =	swait.ge [sflag:s22], $0x2000  }
0x7e: {  	[sflag:s22] =	ssyncset.done $0x0  }
0x7f: {  	s6 =	simm.s32 $0x480;
	[sflag:s22] =	ssyncadd.s32 $0xFFFFE000  }
0x80: {  	[tilespmem:s21], [sflag:$0x3] =	stream.indirect.gather [hbm4b:s10+s20], $0x40, s6, s20, $0xb8;
	[tilespmem:$0x1BB00] =	vst v63  }
0x81: {  	_ =	swait.ge [sflag:s30], $0x2000  }
0x82: {  	[sflag:s30] =	ssyncset.done $0x0  }
0x83: {  	s8 =	simm.s32 $0x5180;
	[sflag:s30] =	ssyncadd.s32 $0xFFFFE000  }
0x84: {  	[spmem:s1] =	stream.indirect.scatter.add.f32 [tilespmem:s23], [sflag:$0x8], $0x40, s8, s20, $0xb8;
	[tilespmem:$0x1BB00] =	vst v63  }
0x85: {  	_ =	swait.ge [sflag:s24], $0x2000  }
0x86: {  	[sflag:s24] =	ssyncset.done $0x0  }
0x87: {  	s9 =	simm.s32 $0x500;
	[sflag:s24] =	ssyncadd.s32 $0xFFFFE000  }
0x88: {  	[tilespmem:s23], [sflag:$0x4] =	stream.indirect.gather [hbm4b:s10+s20], $0x40, s9, s20, $0xb8;
	[tilespmem:$0x1BB00] =	vst v63  }
0x89: {  	_ =	swait.ge [sflag:s0], $0x2000  }
0x8a: {  	[sflag:s0] =	ssyncset.done $0x0  }
0x8b: {  	s5 =	simm.s32 $0x800;
	s6 =	simm.s32 $0x5200;
	[sflag:s0] =	ssyncadd.s32 $0xFFFFE000  }
.LBB2_4:
0x8c: {  	[spmem:s1] =	stream.indirect.scatter.add.f32 [tilespmem:s26], [sflag:$0x9], $0x40, s6, s20, $0xb8;
	[tilespmem:$0x1BB00] =	vst v63  }
0x8d: {  	s6 =	smov.u32 s5  }
0x8e: {  	p2 =	sne.s32 s5, $0x12000;
	s5 =	sadd.s32 $0x800, s5;
	_ =	swait.ge [sflag:s2], $0x2000  }
0x8f: {  	s6 =	sshra.s32 s6, $0x2;
	[sflag:s2] =	ssyncset.done $0x0  }
0x90: {  	s8 =	sadd.s32 $0x380, s6;
	[sflag:s2] =	ssyncadd.s32 $0xFFFFE000  }
0x91: {  	[tilespmem:s26], [sflag:$0x5] =	stream.indirect.gather [hbm4b:s10+s20], $0x40, s8, s20, $0xb8;
	[tilespmem:$0x1BB00] =	vst v63  }
0x92: {  	_ =	swait.ge [sflag:s28], $0x2000  }
0x93: {  	[sflag:s28] =	ssyncset.done $0x0  }
0x94: {  	s8 =	sadd.s32 $0x5080, s6;
	[sflag:s28] =	ssyncadd.s32 $0xFFFFE000  }
0x95: {  	[spmem:s1] =	stream.indirect.scatter.add.f32 [tilespmem:s17], [sflag:$0x6], $0x40, s8, s20, $0xb8;
	[tilespmem:$0x1BB00] =	vst v63  }
0x96: {  	_ =	swait.ge [sflag:s29], $0x2000  }
0x97: {  	[sflag:s29] =	ssyncset.done $0x0  }
0x98: {  	s8 =	sadd.s32 $0x400, s6;
	[sflag:s29] =	ssyncadd.s32 $0xFFFFE000  }
0x99: {  	[tilespmem:s17], [sflag:$0x2] =	stream.indirect.gather [hbm4b:s10+s20], $0x40, s8, s20, $0xb8;
	[tilespmem:$0x1BB00] =	vst v63  }
0x9a: {  	_ =	swait.ge [sflag:s31], $0x2000  }
0x9b: {  	[sflag:s31] =	ssyncset.done $0x0  }
0x9c: {  	s8 =	sadd.s32 $0x5100, s6;
	[sflag:s31] =	ssyncadd.s32 $0xFFFFE000  }
0x9d: {  	[spmem:s1] =	stream.indirect.scatter.add.f32 [tilespmem:s21], [sflag:$0x7], $0x40, s8, s20, $0xb8;
	[tilespmem:$0x1BB00] =	vst v63  }
0x9e: {  	_ =	swait.ge [sflag:s22], $0x2000  }
0x9f: {  	[sflag:s22] =	ssyncset.done $0x0  }
0xa0: {  	s8 =	sadd.s32 $0x480, s6;
	[sflag:s22] =	ssyncadd.s32 $0xFFFFE000  }
0xa1: {  	[tilespmem:s21], [sflag:$0x3] =	stream.indirect.gather [hbm4b:s10+s20], $0x40, s8, s20, $0xb8;
	[tilespmem:$0x1BB00] =	vst v63  }
0xa2: {  	_ =	swait.ge [sflag:s30], $0x2000  }
0xa3: {  	[sflag:s30] =	ssyncset.done $0x0  }
0xa4: {  	s8 =	sadd.s32 $0x5180, s6;
	[sflag:s30] =	ssyncadd.s32 $0xFFFFE000  }
0xa5: {  	[spmem:s1] =	stream.indirect.scatter.add.f32 [tilespmem:s23], [sflag:$0x8], $0x40, s8, s20, $0xb8;
	[tilespmem:$0x1BB00] =	vst v63  }
0xa6: {  	_ =	swait.ge [sflag:s24], $0x2000  }
0xa7: {  	[sflag:s24] =	ssyncset.done $0x0  }
.Ltmp1:
0xa8: {  	s8 =	sadd.s32 $0x500, s6;
	[sflag:s24] =	ssyncadd.s32 $0xFFFFE000;
	(pc) =	sbr.rel @p2 .LBB2_4-.Ltmp1, $4  }
0xa9: {  	[tilespmem:s23], [sflag:$0x4] =	stream.indirect.gather [hbm4b:s10+s20], $0x40, s8, s20, $0xb8;
	[tilespmem:$0x1BB00] =	vst v63  }
0xaa: {  	_ =	swait.ge [sflag:s0], $0x2000  }
0xab: {  	[sflag:s0] =	ssyncset.done $0x0  }
0xac: {  	s6 =	sadd.s32 $0x5200, s6;
	[sflag:s0] =	ssyncadd.s32 $0xFFFFE000  }
0xad: {  	[spmem:s1] =	stream.indirect.scatter.add.f32 [tilespmem:s26], [sflag:$0x9], $0x40, s6, s20, $0xb8;
	[tilespmem:$0x1BB00] =	vst v63  }
0xae: {  	_ =	swait.ge [sflag:s2], $0x2000  }
0xaf: {  	[sflag:s2] =	ssyncset.done $0x0  }
0xb0: {  	s5 =	simm.s32 $0x4D80;
	[sflag:s2] =	ssyncadd.s32 $0xFFFFE000  }
0xb1: {  	[tilespmem:s26], [sflag:$0x5] =	stream.indirect.gather [hbm4b:s10+s20], $0x40, s5, s20, $0xb8;
	[tilespmem:$0x1BB00] =	vst v63  }
0xb2: {  	_ =	swait.ge [sflag:s28], $0x2000  }
0xb3: {  	[sflag:s28] =	ssyncset.done $0x0  }
0xb4: {  	s8 =	simm.s32 $0x9A80;
	[sflag:s28] =	ssyncadd.s32 $0xFFFFE000  }
0xb5: {  	[spmem:s1] =	stream.indirect.scatter.add.f32 [tilespmem:s17], [sflag:$0x6], $0x40, s8, s20, $0xb8;
	[tilespmem:$0x1BB00] =	vst v63  }
0xb6: {  	_ =	swait.ge [sflag:s31], $0x2000  }
0xb7: {  	[sflag:s31] =	ssyncset.done $0x0  }
0xb8: {  	s9 =	simm.s32 $0x9B00;
	[sflag:s31] =	ssyncadd.s32 $0xFFFFE000  }
0xb9: {  	[spmem:s1] =	stream.indirect.scatter.add.f32 [tilespmem:s21], [sflag:$0x7], $0x40, s9, s20, $0xb8;
	[tilespmem:$0x1BB00] =	vst v63  }
0xba: {  	_ =	swait.ge [sflag:s30], $0x2000  }
0xbb: {  	[sflag:s30] =	ssyncset.done $0x0  }
0xbc: {  	s6 =	simm.s32 $0x9B80;
	[sflag:s30] =	ssyncadd.s32 $0xFFFFE000  }
0xbd: {  	[spmem:s1] =	stream.indirect.scatter.add.f32 [tilespmem:s23], [sflag:$0x8], $0x40, s6, s20, $0xb8;
	[tilespmem:$0x1BB00] =	vst v63  }
0xbe: {  	_ =	swait.ge [sflag:s0], $0x2000  }
0xbf: {  	[sflag:s0] =	ssyncset.done $0x0  }
0xc0: {  	s8 =	simm.s32 $0x9C00;
	[sflag:s0] =	ssyncadd.s32 $0xFFFFE000  }
0xc1: {  	[spmem:s1] =	stream.indirect.scatter.add.f32 [tilespmem:s26], [sflag:$0x9], $0x40, s8, s20, $0xb8;
	[tilespmem:$0x1BB00] =	vst v63  }
0xc2: {  	_ =	swait.ge [sflag:s29], $0x2000  }
0xc3: {  	[sflag:s29] =	ssyncset.done $0x0  }
0xc4: {  	[sflag:s29] =	ssyncadd.s32 $0xFFFFE000  }
0xc5: {  	_ =	swait.ge [sflag:s22], $0x2000  }
0xc6: {  	[sflag:s22] =	ssyncset.done $0x0  }
0xc7: {  	[sflag:s22] =	ssyncadd.s32 $0xFFFFE000  }
0xc8: {  	_ =	swait.ge [sflag:s24], $0x2000  }
0xc9: {  	[sflag:s24] =	ssyncset.done $0x0  }
0xca: {  	[sflag:s24] =	ssyncadd.s32 $0xFFFFE000  }
0xcb: {  	_ =	swait.ge [sflag:s2], $0x2000  }
0xcc: {  	s5 =	simm.s32 @!p1 $0x80;
	[sflag:s2] =	ssyncset.done $0x0  }
0xcd: {  	s6 =	simm.s32 @!p1 $0x4E00;
	s8 =	simm.s32 @!p1 $0x9D00;
	[sflag:s2] =	ssyncadd.s32 $0xFFFFE000  }
0xce: {  	[tilespmem:s8], [sflag:$0xA] =	stream.indirect.gather @!p1 [hbm4b:s10+s5], $0x40, s6, s5, $0xb8;
	[tilespmem:$0x1BB00] =	vst v63  }
0xcf: {  	s6 =	simm.s32 @!p1 $0xA  }
0xd0: {  	_ =	swait.ge @!p1 [sflag:s6], $0x2000  }
0xd1: {  	[sflag:s6] =	ssyncset.done @!p1 $0x0  }
0xd2: {  	s9 =	simm.s32 @!p1 $0x9C80;
	[sflag:s6] =	ssyncadd.s32 @!p1 $0xFFFFE000  }
0xd3: {  	[spmem:s1] =	stream.indirect.scatter.add.f32 @!p1 [tilespmem:s8], [sflag:$0xA], $0x40, s9, s5, $0xb8;
	[tilespmem:$0x1BB00] =	vst v63  }
0xd4: {  	_ =	swait.ge @!p1 [sflag:s6], $0x2000  }
0xd5: {  	s3 =	sadd.s32 $0x1, s3;
	s9 =	stileid.u32;
	[sflag:s6] =	ssyncset.done @!p1 $0x0  }
0xd6: {  	p2 =	sne.s32 s3, s12;
	s5 =	sshll.u32 s9, $0x6;
	[sflag:s6] =	ssyncadd.s32 @!p1 $0xFFFFE000  }
.Ltmp2:
0xd7: {  	s5 =	sor.u32 $0x1C0A, s5;
	[bflag:$0x0] =	sbarrier.arrive $0xFFFF;
	(pc) =	sbr.rel @p2 .LBB2_1-.Ltmp2, $4  }
0xd8: {  	[hbm:s11], [sflag:s5] =	dma.local [spmem:s25], $0x13C0  }
0xd9: {  	_ =	swait.ge [sflag:s18], $0x13C0  }
0xda: {  	[sflag:s18] =	ssyncset.done $0x0  }
0xdb: {  	[sflag:s18] =	ssyncadd.s32 $0xFFFFEC40  }
0xdc: {  	_ =	sfence.sel $0x180000  }
0xdd: {  	[bflag:$0x0] =	sbarrier.arrive $0xFFFF  }
0xde: {  	_ =	strace $0x90000047  }
0xdf: {  	s0 =	stileid.u32;
	[bflag:$0x2] =	sbarrier.arrive $0xFFFF  }
0xe0: {  	p0 =	sne.s32 s0, $0x0;
	s0 =	rddreg [dreg:$0x2]  }
0xe1: {  	s0 =	sadd.s32 @!p0 $0x100000, s0  }
0xe2: {  	[sflag:s0] =	ssyncadd.tile.s32 @!p0 $0x1;
	_ =	shalt  }
.Lfunc_end2:
_tile_overlayer_lowered:
.L_overlay_start_2:
0xe3: {  	(tag) =	ssettag $0x2  }
0xe4: {  	s0 =	rddreg [dreg:$0x0];
	s2 =	stileid.u32  }
0xe5: {  	s1 =	rddreg [dreg:$0x1];
	p0 =	sne.s32 s2, $0x0  }
0xe6: {  	s3 =	rddreg [dreg:$0x2];
	[bflag:$0x3] =	sbarrier.arrive $0xFFFF;
	s2 =	simm.s32 @!p0 $0x1C0A  }
0xe7: {  	[timem:s3], [sflag:s2] =	dma.local @!p0 [hbm:s0], s1  }
0xe8: {  	s0 =	simm.s32 @!p0 $0xA  }
0xe9: {  	_ =	swait.ge @!p0 [sflag:s0], s1  }
0xea: {  	s1 =	ssub.s32 @!p0 $0x0, s1;
	[sflag:s0] =	ssyncset.done @!p0 $0x0  }
0xeb: {  	[sflag:s0] =	ssyncadd.s32 @!p0 s1  }
0xec: {  	[bflag:$0x3] =	sbarrier.arrive $0xFFFF  }
0xed: {  	_ =	shalt  }

</sc_bundles>
